<compile_context>
chip_gen: v7x
topology: tpu7x:2x2x1
jax: 0.10.2.dev20260603
libtpu: 0.0.44.dev20260713+nightly
codegen_flags: <defaults>
</compile_context>

<pallas_src>
import functools

import jax
import jax.numpy as jnp
from jax import lax
from jax.experimental import pallas as pl
from jax.experimental.pallas import tpu as pltpu
from jax.experimental.pallas import tpu_sc as plsc

D = 32
T = 200
NC = 2
NS = 16
NW = NC * NS
LANES = 16
SKEW = 129

TT = T // 8
BT = 4096 // 128


@jax.jit
def _emb(idx_native, tok_padded, pos_table):
    mesh = plsc.VectorSubcoreMesh(core_axis_name="c", subcore_axis_name="s")

    @functools.partial(
        pl.kernel,
        out_type=jax.ShapeDtypeStruct((T, D // 8, BT, 8, 128), jnp.float32),
        mesh=mesh,
        scratch_types=[
            pltpu.VMEM((2048,), jnp.int32),
            pltpu.VMEM((2048, D), jnp.float32),
            pltpu.VMEM((32, 8, SKEW), jnp.float32),
            pltpu.VMEM((T, D), jnp.float32),
            pltpu.SemaphoreType.DMA,
            pltpu.SemaphoreType.DMA,
            pltpu.SemaphoreType.DMA,
        ],
        compiler_params=pltpu.CompilerParams(
            use_tc_tiling_on_sc=False, needs_layout_passes=False
        ),
    )
    def body(idx_hbm, tok_hbm, pos_hbm, out_hbm,
             idx_v, rows_v, tsk_v, pos_v, gsem, ssem, isem):
        w = lax.axis_index("s") * NC + lax.axis_index("c")
        pltpu.sync_copy(pos_hbm.at[pl.ds(0, T)], pos_v)

        lane = lax.iota(jnp.int32, LANES)
        ct_l = lane >> 3
        ci_l = lane & 7

        def load_idx(tt, bank):
            pltpu.async_copy(
                idx_hbm.at[pl.ds((tt * BT + w) * 1024, 1024)],
                idx_v.at[pl.ds(bank * 1024, 1024)],
                isem,
            )

        def fire_gathers(bank):
            for ti in range(8):
                pltpu.async_copy(
                    tok_hbm.at[idx_v.at[pl.ds(bank * 1024 + ti * 128, 128)]],
                    rows_v.at[pl.ds(bank * 1024 + ti * 128, 128)],
                    gsem,
                )

        load_idx(0, 0)
        pltpu.make_async_copy(
            idx_hbm.at[pl.ds(0, 1024)], idx_v.at[pl.ds(0, 1024)], isem
        ).wait()
        fire_gathers(0)
        load_idx(1, 1)

        def tt_body(tt, carry):
            par = lax.rem(tt, 2)
            nxt = 1 - par

            @pl.when(tt + 1 < TT)
            def _():
                pltpu.make_async_copy(
                    idx_hbm.at[pl.ds(0, 1024)],
                    idx_v.at[pl.ds(nxt * 1024, 1024)],
                    isem,
                ).wait()
                fire_gathers(nxt)

            for h in range(2):
                for ti in range(4 * h, 4 * h + 4):
                    pltpu.make_async_copy(
                        tok_hbm.at[
                            idx_v.at[pl.ds(par * 1024 + ti * 128, 128)]
                        ],
                        rows_v.at[pl.ds(par * 1024 + ti * 128, 128)],
                        gsem,
                    ).wait()
                if h == 1:
                    @pl.when(tt + 2 < TT)
                    def _():
                        load_idx(tt + 2, par)
                hidx = tt * 2 + h
                hp16 = lax.rem(hidx, 2) * 16

                @pl.when(hidx >= 2)
                def _(hp16=hp16, h=h):
                    for k in range(4):
                        pltpu.make_async_copy(
                            tsk_v.at[pl.ds(hp16 + k * 4, 4), :,
                                     pl.ds(0, 128)],
                            out_hbm.at[tt * 8 + h * 4 + k, :, w],
                            ssem,
                        ).wait()

                def k_body(k, carry2, h=h, hp16=hp16):
                    t = tt * 8 + h * 4 + k
                    rbase = par * 1024 + (h * 4 + k) * 128
                    p0 = pos_v[t, pl.ds(0, LANES)]
                    p1 = pos_v[t, pl.ds(LANES, LANES)]
                    kct0 = ct_l + (k * 4) + hp16
                    kct1 = kct0 + 2

                    @plsc.parallel_loop(0, 128, unroll=8)
                    def _(bi, rbase=rbase, p0=p0, p1=p1,
                          kct0=kct0, kct1=kct1):
                        bi_vec = jnp.full((LANES,), bi, jnp.int32)
                        v0 = rows_v[rbase + bi, pl.ds(0, LANES)] + p0
                        plsc.store_scatter(tsk_v, [kct0, ci_l, bi_vec], v0)
                        v1 = rows_v[rbase + bi, pl.ds(LANES, LANES)] + p1
                        plsc.store_scatter(tsk_v, [kct1, ci_l, bi_vec], v1)

                    return carry2

                lax.fori_loop(0, 4, k_body, 0)

                for k in range(4):
                    t = tt * 8 + h * 4 + k
                    pltpu.async_copy(
                        tsk_v.at[pl.ds(hp16 + k * 4, 4), :, pl.ds(0, 128)],
                        out_hbm.at[t, :, w],
                        ssem,
                    )
            return carry

        lax.fori_loop(0, TT, tt_body, 0)

        for hp in range(2):
            for k in range(4):
                pltpu.make_async_copy(
                    tsk_v.at[pl.ds(hp * 16 + k * 4, 4), :, pl.ds(0, 128)],
                    out_hbm.at[(TT - 1) * 8 + hp * 4 + k, :, w],
                    ssem,
                ).wait()

    return body(idx_native, tok_padded, pos_table)


def kernel(idx, tok_table, pos_table):
    idx = idx.astype(jnp.int32)
    idx_native = (
        idx.T.reshape(TT, 8, BT, 128).transpose(0, 2, 1, 3).reshape(-1)
    )
    tok_lin = lax.optimization_barrier(tok_table.reshape(-1))
    q = _emb(idx_native, tok_lin.reshape(-1, D), pos_table)
    return q.transpose(2, 4, 0, 1, 3).reshape(4096, T, D)

# --- scband reference (transcript-rebuilt; emitter-appended) ---
"""Pipeline reference for scband-token-embedding-model-24215025615044 (READ-ONLY COPY).

The authoritative reference and input builder live on the scoring server;
editing this copy changes nothing except your own understanding.
"""

import jax, jax.numpy as jnp
import numpy as np

VOCAB = 1000000
N_EMBD = 32
CONTEXT = 512
B, T = 4096, 200

def setup_inputs(seed: int = 0) -> dict:
    key = jax.random.key(seed)
    k1, k2, k3 = jax.random.split(key, 3)
    idx = jax.random.randint(k1, (B, T), 0, VOCAB, dtype=jnp.int64) if jax.config.jax_enable_x64 else jax.random.randint(k1, (B, T), 0, VOCAB, dtype=jnp.int32)
    tok_table = jax.random.normal(k2, (VOCAB, N_EMBD), dtype=jnp.float32)
    pos_table = jax.random.normal(k3, (CONTEXT, N_EMBD), dtype=jnp.float32)
    return {"idx": idx, "tok_table": tok_table, "pos_table": pos_table}

def reference(idx, tok_table, pos_table):
    Bc, Tc = idx.shape
    tok_emb = jnp.take(tok_table, idx, axis=0)            # [B, T, n_embd]
    pos_emb = jnp.take(pos_table, jnp.arange(Tc), axis=0) # [T, n_embd]
    x = tok_emb + pos_emb[None, :, :]
    return x

if __name__ == "__main__":
    import jax
    _d = setup_inputs()
    print(jax.jit(kernel)(*tuple(_d.values())))

</pallas_src>

<mosaic_0001>
#map = affine_map<(d0, d1) -> (0)>
#map1 = affine_map<(d0, d1) -> (0, 0)>
#map2 = affine_map<(d0, d1) -> (0, 0, 0, 0, 0)>
module attributes {stable_mosaic.version = 14 : i64} {
  func.func @body(%arg0: i32, %arg1: i32, %arg2: memref<819200xi32, #tpu.memory_space<hbm>>, %arg3: memref<1000000x32xf32, #tpu.memory_space<hbm>>, %arg4: memref<512x32xf32, #tpu.memory_space<hbm>>, %arg5: memref<200x4x32x8x128xf32, #tpu.memory_space<hbm>>, %arg6: memref<2048xi32, #tpu.memory_space<vmem>>, %arg7: memref<2048x32xf32, #tpu.memory_space<vmem>>, %arg8: memref<32x8x129xf32, #tpu.memory_space<vmem>>, %arg9: memref<200x32xf32, #tpu.memory_space<vmem>>, %arg10: memref<!tpu.dma_semaphore, #tpu.memory_space<semaphore_mem>>, %arg11: memref<!tpu.dma_semaphore, #tpu.memory_space<semaphore_mem>>, %arg12: memref<!tpu.dma_semaphore, #tpu.memory_space<semaphore_mem>>) attributes {dimension_semantics = [#tpu.dimension_semantics<core_parallel>, #tpu.dimension_semantics<subcore_parallel>], iteration_bounds = array<i64: 2, 16>, scalar_prefetch = 0 : i64, scratch_operands = 7 : i64, tpu.core_type = #tpu.core_type<sc_vector_subcore>, window_params = [{transform_indices = #map}, {transform_indices = #map1}, {transform_indices = #map1}, {transform_indices = #map2}]} {
    %mul3A = arith.constant 2 : i32
    %mul3A_0 = arith.muli %arg1, %mul3A : i32
    %add3A = arith.addi %mul3A_0, %arg0 : i32
    "tpu.region"() ({
      %run_scoped3A = tpu.sem_alloc : memref<!tpu.dma_semaphore, #tpu.memory_space<semaphore_mem>>
      %dma_start3A_252 = arith.constant 0 : i32
      %dma_start3A_253 = arith.constant 0 : i32
      %dma_start3A_254 = tpu.memref_slice %arg4[%dma_start3A_252, %dma_start3A_253] : memref<512x32xf32, #tpu.memory_space<hbm>> -> memref<200x32xf32, #tpu.memory_space<hbm>>
      %dma_start3A_255 = arith.constant 0 : i32
      %dma_start3A_256 = arith.constant 0 : i32
      %dma_start3A_257 = tpu.memref_slice %arg4[%dma_start3A_255, %dma_start3A_256] : memref<512x32xf32, #tpu.memory_space<hbm>> -> memref<200x32xf32, #tpu.memory_space<hbm>>
      tpu.enqueue_dma source(%dma_start3A_257 : memref<200x32xf32, #tpu.memory_space<hbm>>) target(%arg9 : memref<200x32xf32, #tpu.memory_space<vmem>>) target_semaphore(%run_scoped3A : memref<!tpu.dma_semaphore, #tpu.memory_space<semaphore_mem>>)
      %dma_wait3A_258 = arith.constant 0 : i32
      %dma_wait3A_259 = arith.constant 0 : i32
      %dma_wait3A_260 = tpu.memref_slice %arg4[%dma_wait3A_258, %dma_wait3A_259] : memref<512x32xf32, #tpu.memory_space<hbm>> -> memref<200x32xf32, #tpu.memory_space<hbm>>
      %dma_wait3A_261 = arith.constant 0 : i32
      %dma_wait3A_262 = arith.constant 0 : i32
      %dma_wait3A_263 = tpu.memref_slice %arg4[%dma_wait3A_261, %dma_wait3A_262] : memref<512x32xf32, #tpu.memory_space<hbm>> -> memref<200x32xf32, #tpu.memory_space<hbm>>
      tpu.wait_dma2 semaphore(%run_scoped3A : memref<!tpu.dma_semaphore, #tpu.memory_space<semaphore_mem>>) src(%dma_wait3A_263 : memref<200x32xf32, #tpu.memory_space<hbm>>) dst(%arg9 : memref<200x32xf32, #tpu.memory_space<vmem>>)
      tpu.yield
    }) : () -> ()
    %iota3A = tpu.iota {dimensions = array<i32: 0>} : vector<16xi32>
    %shift_right_arithmetic3A = arith.constant 3 : i32
    %shift_right_arithmetic3A_1 = vector.broadcast %shift_right_arithmetic3A : i32 to vector<16xi32>
    %shift_right_arithmetic3A_2 = arith.shrsi %iota3A, %shift_right_arithmetic3A_1 : vector<16xi32>
    %and3A = arith.constant 7 : i32
    %and3A_3 = vector.broadcast %and3A : i32 to vector<16xi32>
    %and3A_4 = arith.andi %iota3A, %and3A_3 : vector<16xi32>
    %add3A_5 = arith.constant 0 : i32
    %add3A_6 = arith.addi %add3A_5, %add3A : i32
    %mul3A_7 = arith.constant 1024 : i32
    %mul3A_8 = arith.muli %add3A_6, %mul3A_7 : i32
    %dma_start3A = arith.constant 0 : i32
    %dma_start3A_9 = tpu.memref_slice %arg6[%dma_start3A] : memref<2048xi32, #tpu.memory_space<vmem>> -> memref<1024xi32, #tpu.memory_space<vmem>>
    %dma_start3A_10 = tpu.memref_slice %arg2[%mul3A_8] : memref<819200xi32, #tpu.memory_space<hbm>> -> memref<1024xi32, #tpu.memory_space<hbm>>
    %dma_start3A_11 = arith.constant 0 : i32
    %dma_start3A_12 = tpu.memref_slice %arg6[%dma_start3A_11] : memref<2048xi32, #tpu.memory_space<vmem>> -> memref<1024xi32, #tpu.memory_space<vmem>>
    %dma_start3A_13 = tpu.memref_slice %arg2[%mul3A_8] : memref<819200xi32, #tpu.memory_space<hbm>> -> memref<1024xi32, #tpu.memory_space<hbm>>
    tpu.enqueue_dma source(%dma_start3A_13 : memref<1024xi32, #tpu.memory_space<hbm>>) target(%dma_start3A_12 : memref<1024xi32, #tpu.memory_space<vmem>>) target_semaphore(%arg12 : memref<!tpu.dma_semaphore, #tpu.memory_space<semaphore_mem>>)
    %dma_wait3A = arith.constant 0 : i32
    %dma_wait3A_14 = tpu.memref_slice %arg6[%dma_wait3A] : memref<2048xi32, #tpu.memory_space<vmem>> -> memref<1024xi32, #tpu.memory_space<vmem>>
    %dma_wait3A_15 = arith.constant 0 : i32
    %dma_wait3A_16 = tpu.memref_slice %arg2[%dma_wait3A_15] : memref<819200xi32, #tpu.memory_space<hbm>> -> memref<1024xi32, #tpu.memory_space<hbm>>
    %dma_wait3A_17 = arith.constant 0 : i32
    %dma_wait3A_18 = tpu.memref_slice %arg6[%dma_wait3A_17] : memref<2048xi32, #tpu.memory_space<vmem>> -> memref<1024xi32, #tpu.memory_space<vmem>>
    %dma_wait3A_19 = arith.constant 0 : i32
    %dma_wait3A_20 = tpu.memref_slice %arg2[%dma_wait3A_19] : memref<819200xi32, #tpu.memory_space<hbm>> -> memref<1024xi32, #tpu.memory_space<hbm>>
    tpu.wait_dma2 semaphore(%arg12 : memref<!tpu.dma_semaphore, #tpu.memory_space<semaphore_mem>>) src(%dma_wait3A_20 : memref<1024xi32, #tpu.memory_space<hbm>>) dst(%dma_wait3A_18 : memref<1024xi32, #tpu.memory_space<vmem>>)
    %dma_start3A_21 = arith.constant 0 : i32
    %dma_start3A_22 = arith.constant 0 : i32
    %dma_start3A_23 = tpu.memref_slice %arg7[%dma_start3A_21, %dma_start3A_22] : memref<2048x32xf32, #tpu.memory_space<vmem>> -> memref<128x32xf32, #tpu.memory_space<vmem>>
    %dma_start3A_24 = arith.constant 0 : i32
    %dma_start3A_25 = tpu.memref_slice %arg6[%dma_start3A_24] : memref<2048xi32, #tpu.memory_space<vmem>> -> memref<128xi32, #tpu.memory_space<vmem>>
    %dma_start3A_26 = arith.constant 0 : i32
    %dma_start3A_27 = arith.constant 0 : i32
    %dma_start3A_28 = tpu.memref_slice %arg3[%dma_start3A_26, %dma_start3A_27] : memref<1000000x32xf32, #tpu.memory_space<hbm>> -> memref<1000000x32xf32, #tpu.memory_space<hbm>>
    tpu.enqueue_indirect_dma source(%dma_start3A_28 : memref<1000000x32xf32, #tpu.memory_space<hbm>>) target(%dma_start3A_23 : memref<128x32xf32, #tpu.memory_space<vmem>>) offsets(%dma_start3A_25 : memref<128xi32, #tpu.memory_space<vmem>>) semaphore(%arg10 : memref<!tpu.dma_semaphore, #tpu.memory_space<semaphore_mem>>)
    %dma_start3A_29 = arith.constant 128 : i32
    %dma_start3A_30 = arith.constant 0 : i32
    %dma_start3A_31 = tpu.memref_slice %arg7[%dma_start3A_29, %dma_start3A_30] : memref<2048x32xf32, #tpu.memory_space<vmem>> -> memref<128x32xf32, #tpu.memory_space<vmem>>
    %dma_start3A_32 = arith.constant 128 : i32
    %dma_start3A_33 = tpu.memref_slice %arg6[%dma_start3A_32] : memref<2048xi32, #tpu.memory_space<vmem>> -> memref<128xi32, #tpu.memory_space<vmem>>
    %dma_start3A_34 = arith.constant 0 : i32
    %dma_start3A_35 = arith.constant 0 : i32
    %dma_start3A_36 = tpu.memref_slice %arg3[%dma_start3A_34, %dma_start3A_35] : memref<1000000x32xf32, #tpu.memory_space<hbm>> -> memref<1000000x32xf32, #tpu.memory_space<hbm>>
    tpu.enqueue_indirect_dma source(%dma_start3A_36 : memref<1000000x32xf32, #tpu.memory_space<hbm>>) target(%dma_start3A_31 : memref<128x32xf32, #tpu.memory_space<vmem>>) offsets(%dma_start3A_33 : memref<128xi32, #tpu.memory_space<vmem>>) semaphore(%arg10 : memref<!tpu.dma_semaphore, #tpu.memory_space<semaphore_mem>>)
    %dma_start3A_37 = arith.constant 256 : i32
    %dma_start3A_38 = arith.constant 0 : i32
    %dma_start3A_39 = tpu.memref_slice %arg7[%dma_start3A_37, %dma_start3A_38] : memref<2048x32xf32, #tpu.memory_space<vmem>> -> memref<128x32xf32, #tpu.memory_space<vmem>>
    %dma_start3A_40 = arith.constant 256 : i32
    %dma_start3A_41 = tpu.memref_slice %arg6[%dma_start3A_40] : memref<2048xi32, #tpu.memory_space<vmem>> -> memref<128xi32, #tpu.memory_space<vmem>>
    %dma_start3A_42 = arith.constant 0 : i32
    %dma_start3A_43 = arith.constant 0 : i32
    %dma_start3A_44 = tpu.memref_slice %arg3[%dma_start3A_42, %dma_start3A_43] : memref<1000000x32xf32, #tpu.memory_space<hbm>> -> memref<1000000x32xf32, #tpu.memory_space<hbm>>
    tpu.enqueue_indirect_dma source(%dma_start3A_44 : memref<1000000x32xf32, #tpu.memory_space<hbm>>) target(%dma_start3A_39 : memref<128x32xf32, #tpu.memory_space<vmem>>) offsets(%dma_start3A_41 : memref<128xi32, #tpu.memory_space<vmem>>) semaphore(%arg10 : memref<!tpu.dma_semaphore, #tpu.memory_space<semaphore_mem>>)
    %dma_start3A_45 = arith.constant 384 : i32
    %dma_start3A_46 = arith.constant 0 : i32
    %dma_start3A_47 = tpu.memref_slice %arg7[%dma_start3A_45, %dma_start3A_46] : memref<2048x32xf32, #tpu.memory_space<vmem>> -> memref<128x32xf32, #tpu.memory_space<vmem>>
    %dma_start3A_48 = arith.constant 384 : i32
    %dma_start3A_49 = tpu.memref_slice %arg6[%dma_start3A_48] : memref<2048xi32, #tpu.memory_space<vmem>> -> memref<128xi32, #tpu.memory_space<vmem>>
    %dma_start3A_50 = arith.constant 0 : i32
    %dma_start3A_51 = arith.constant 0 : i32
    %dma_start3A_52 = tpu.memref_slice %arg3[%dma_start3A_50, %dma_start3A_51] : memref<1000000x32xf32, #tpu.memory_space<hbm>> -> memref<1000000x32xf32, #tpu.memory_space<hbm>>
    tpu.enqueue_indirect_dma source(%dma_start3A_52 : memref<1000000x32xf32, #tpu.memory_space<hbm>>) target(%dma_start3A_47 : memref<128x32xf32, #tpu.memory_space<vmem>>) offsets(%dma_start3A_49 : memref<128xi32, #tpu.memory_space<vmem>>) semaphore(%arg10 : memref<!tpu.dma_semaphore, #tpu.memory_space<semaphore_mem>>)
    %dma_start3A_53 = arith.constant 512 : i32
    %dma_start3A_54 = arith.constant 0 : i32
    %dma_start3A_55 = tpu.memref_slice %arg7[%dma_start3A_53, %dma_start3A_54] : memref<2048x32xf32, #tpu.memory_space<vmem>> -> memref<128x32xf32, #tpu.memory_space<vmem>>
    %dma_start3A_56 = arith.constant 512 : i32
    %dma_start3A_57 = tpu.memref_slice %arg6[%dma_start3A_56] : memref<2048xi32, #tpu.memory_space<vmem>> -> memref<128xi32, #tpu.memory_space<vmem>>
    %dma_start3A_58 = arith.constant 0 : i32
    %dma_start3A_59 = arith.constant 0 : i32
    %dma_start3A_60 = tpu.memref_slice %arg3[%dma_start3A_58, %dma_start3A_59] : memref<1000000x32xf32, #tpu.memory_space<hbm>> -> memref<1000000x32xf32, #tpu.memory_space<hbm>>
    tpu.enqueue_indirect_dma source(%dma_start3A_60 : memref<1000000x32xf32, #tpu.memory_space<hbm>>) target(%dma_start3A_55 : memref<128x32xf32, #tpu.memory_space<vmem>>) offsets(%dma_start3A_57 : memref<128xi32, #tpu.memory_space<vmem>>) semaphore(%arg10 : memref<!tpu.dma_semaphore, #tpu.memory_space<semaphore_mem>>)
    %dma_start3A_61 = arith.constant 640 : i32
    %dma_start3A_62 = arith.constant 0 : i32
    %dma_start3A_63 = tpu.memref_slice %arg7[%dma_start3A_61, %dma_start3A_62] : memref<2048x32xf32, #tpu.memory_space<vmem>> -> memref<128x32xf32, #tpu.memory_space<vmem>>
    %dma_start3A_64 = arith.constant 640 : i32
    %dma_start3A_65 = tpu.memref_slice %arg6[%dma_start3A_64] : memref<2048xi32, #tpu.memory_space<vmem>> -> memref<128xi32, #tpu.memory_space<vmem>>
    %dma_start3A_66 = arith.constant 0 : i32
    %dma_start3A_67 = arith.constant 0 : i32
    %dma_start3A_68 = tpu.memref_slice %arg3[%dma_start3A_66, %dma_start3A_67] : memref<1000000x32xf32, #tpu.memory_space<hbm>> -> memref<1000000x32xf32, #tpu.memory_space<hbm>>
    tpu.enqueue_indirect_dma source(%dma_start3A_68 : memref<1000000x32xf32, #tpu.memory_space<hbm>>) target(%dma_start3A_63 : memref<128x32xf32, #tpu.memory_space<vmem>>) offsets(%dma_start3A_65 : memref<128xi32, #tpu.memory_space<vmem>>) semaphore(%arg10 : memref<!tpu.dma_semaphore, #tpu.memory_space<semaphore_mem>>)
    %dma_start3A_69 = arith.constant 768 : i32
    %dma_start3A_70 = arith.constant 0 : i32
    %dma_start3A_71 = tpu.memref_slice %arg7[%dma_start3A_69, %dma_start3A_70] : memref<2048x32xf32, #tpu.memory_space<vmem>> -> memref<128x32xf32, #tpu.memory_space<vmem>>
    %dma_start3A_72 = arith.constant 768 : i32
    %dma_start3A_73 = tpu.memref_slice %arg6[%dma_start3A_72] : memref<2048xi32, #tpu.memory_space<vmem>> -> memref<128xi32, #tpu.memory_space<vmem>>
    %dma_start3A_74 = arith.constant 0 : i32
    %dma_start3A_75 = arith.constant 0 : i32
    %dma_start3A_76 = tpu.memref_slice %arg3[%dma_start3A_74, %dma_start3A_75] : memref<1000000x32xf32, #tpu.memory_space<hbm>> -> memref<1000000x32xf32, #tpu.memory_space<hbm>>
    tpu.enqueue_indirect_dma source(%dma_start3A_76 : memref<1000000x32xf32, #tpu.memory_space<hbm>>) target(%dma_start3A_71 : memref<128x32xf32, #tpu.memory_space<vmem>>) offsets(%dma_start3A_73 : memref<128xi32, #tpu.memory_space<vmem>>) semaphore(%arg10 : memref<!tpu.dma_semaphore, #tpu.memory_space<semaphore_mem>>)
    %dma_start3A_77 = arith.constant 896 : i32
    %dma_start3A_78 = arith.constant 0 : i32
    %dma_start3A_79 = tpu.memref_slice %arg7[%dma_start3A_77, %dma_start3A_78] : memref<2048x32xf32, #tpu.memory_space<vmem>> -> memref<128x32xf32, #tpu.memory_space<vmem>>
    %dma_start3A_80 = arith.constant 896 : i32
    %dma_start3A_81 = tpu.memref_slice %arg6[%dma_start3A_80] : memref<2048xi32, #tpu.memory_space<vmem>> -> memref<128xi32, #tpu.memory_space<vmem>>
    %dma_start3A_82 = arith.constant 0 : i32
    %dma_start3A_83 = arith.constant 0 : i32
    %dma_start3A_84 = tpu.memref_slice %arg3[%dma_start3A_82, %dma_start3A_83] : memref<1000000x32xf32, #tpu.memory_space<hbm>> -> memref<1000000x32xf32, #tpu.memory_space<hbm>>
    tpu.enqueue_indirect_dma source(%dma_start3A_84 : memref<1000000x32xf32, #tpu.memory_space<hbm>>) target(%dma_start3A_79 : memref<128x32xf32, #tpu.memory_space<vmem>>) offsets(%dma_start3A_81 : memref<128xi32, #tpu.memory_space<vmem>>) semaphore(%arg10 : memref<!tpu.dma_semaphore, #tpu.memory_space<semaphore_mem>>)
    %add3A_85 = arith.constant 32 : i32
    %add3A_86 = arith.addi %add3A_85, %add3A : i32
    %mul3A_87 = arith.constant 1024 : i32
    %mul3A_88 = arith.muli %add3A_86, %mul3A_87 : i32
    %dma_start3A_89 = arith.constant 1024 : i32
    %dma_start3A_90 = tpu.memref_slice %arg6[%dma_start3A_89] : memref<2048xi32, #tpu.memory_space<vmem>> -> memref<1024xi32, #tpu.memory_space<vmem>>
    %dma_start3A_91 = tpu.memref_slice %arg2[%mul3A_88] : memref<819200xi32, #tpu.memory_space<hbm>> -> memref<1024xi32, #tpu.memory_space<hbm>>
    %dma_start3A_92 = arith.constant 1024 : i32
    %dma_start3A_93 = tpu.memref_slice %arg6[%dma_start3A_92] : memref<2048xi32, #tpu.memory_space<vmem>> -> memref<1024xi32, #tpu.memory_space<vmem>>
    %dma_start3A_94 = tpu.memref_slice %arg2[%mul3A_88] : memref<819200xi32, #tpu.memory_space<hbm>> -> memref<1024xi32, #tpu.memory_space<hbm>>
    tpu.enqueue_dma source(%dma_start3A_94 : memref<1024xi32, #tpu.memory_space<hbm>>) target(%dma_start3A_93 : memref<1024xi32, #tpu.memory_space<vmem>>) target_semaphore(%arg12 : memref<!tpu.dma_semaphore, #tpu.memory_space<semaphore_mem>>)
    %scan3A = arith.constant 0 : i32
    %scan3A_95 = arith.constant 0 : i32
    %scan3A_96 = arith.constant 25 : i32
    %scan3A_97 = arith.addi %scan3A_95, %scan3A_96 : i32
    %scan3A_98 = arith.constant 1 : i32
    scf.for %scan3A_252 = %scan3A_95 to %scan3A_97 step %scan3A_98  : i32 {
      %rem3A = arith.constant 2 : i32
      %rem3A_253 = arith.remsi %scan3A_252, %rem3A : i32
      %sub3A = arith.constant 1 : i32
      %sub3A_254 = arith.subi %sub3A, %rem3A_253 : i32
      %add3A_255 = arith.constant 1 : i32
      %add3A_256 = arith.addi %scan3A_252, %add3A_255 : i32
      %lt3A = arith.constant 25 : i32
      %lt3A_257 = arith.cmpi slt, %add3A_256, %lt3A : i32
      %convert_element_type3A = arith.extui %lt3A_257 : i1 to i32
      %cond3A = arith.constant 0 : i32
      %cond3A_258 = arith.cmpi ne, %convert_element_type3A, %cond3A : i32
      scf.if %cond3A_258 {
        %mul3A_607 = arith.constant 1024 : i32
        %mul3A_608 = arith.muli %sub3A_254, %mul3A_607 : i32
        %dma_wait3A_609 = tpu.memref_slice %arg6[%mul3A_608] : memref<2048xi32, #tpu.memory_space<vmem>> -> memref<1024xi32, #tpu.memory_space<vmem>>
        %dma_wait3A_610 = arith.constant 0 : i32
        %dma_wait3A_611 = tpu.memref_slice %arg2[%dma_wait3A_610] : memref<819200xi32, #tpu.memory_space<hbm>> -> memref<1024xi32, #tpu.memory_space<hbm>>
        %dma_wait3A_612 = tpu.memref_slice %arg6[%mul3A_608] : memref<2048xi32, #tpu.memory_space<vmem>> -> memref<1024xi32, #tpu.memory_space<vmem>>
        %dma_wait3A_613 = arith.constant 0 : i32
        %dma_wait3A_614 = tpu.memref_slice %arg2[%dma_wait3A_613] : memref<819200xi32, #tpu.memory_space<hbm>> -> memref<1024xi32, #tpu.memory_space<hbm>>
        tpu.wait_dma2 semaphore(%arg12 : memref<!tpu.dma_semaphore, #tpu.memory_space<semaphore_mem>>) src(%dma_wait3A_614 : memref<1024xi32, #tpu.memory_space<hbm>>) dst(%dma_wait3A_612 : memref<1024xi32, #tpu.memory_space<vmem>>)
        %mul3A_615 = arith.constant 1024 : i32
        %mul3A_616 = arith.muli %sub3A_254, %mul3A_615 : i32
        %add3A_617 = arith.constant 0 : i32
        %add3A_618 = arith.addi %mul3A_616, %add3A_617 : i32
        %mul3A_619 = arith.constant 1024 : i32
        %mul3A_620 = arith.muli %sub3A_254, %mul3A_619 : i32
        %add3A_621 = arith.constant 0 : i32
        %add3A_622 = arith.addi %mul3A_620, %add3A_621 : i32
        %dma_start3A_623 = arith.constant 0 : i32
        %dma_start3A_624 = tpu.memref_slice %arg7[%add3A_622, %dma_start3A_623] : memref<2048x32xf32, #tpu.memory_space<vmem>> -> memref<128x32xf32, #tpu.memory_space<vmem>>
        %dma_start3A_625 = tpu.memref_slice %arg6[%add3A_618] : memref<2048xi32, #tpu.memory_space<vmem>> -> memref<128xi32, #tpu.memory_space<vmem>>
        %dma_start3A_626 = arith.constant 0 : i32
        %dma_start3A_627 = arith.constant 0 : i32
        %dma_start3A_628 = tpu.memref_slice %arg3[%dma_start3A_626, %dma_start3A_627] : memref<1000000x32xf32, #tpu.memory_space<hbm>> -> memref<1000000x32xf32, #tpu.memory_space<hbm>>
        tpu.enqueue_indirect_dma source(%dma_start3A_628 : memref<1000000x32xf32, #tpu.memory_space<hbm>>) target(%dma_start3A_624 : memref<128x32xf32, #tpu.memory_space<vmem>>) offsets(%dma_start3A_625 : memref<128xi32, #tpu.memory_space<vmem>>) semaphore(%arg10 : memref<!tpu.dma_semaphore, #tpu.memory_space<semaphore_mem>>)
        %mul3A_629 = arith.constant 1024 : i32
        %mul3A_630 = arith.muli %sub3A_254, %mul3A_629 : i32
        %add3A_631 = arith.constant 128 : i32
        %add3A_632 = arith.addi %mul3A_630, %add3A_631 : i32
        %mul3A_633 = arith.constant 1024 : i32
        %mul3A_634 = arith.muli %sub3A_254, %mul3A_633 : i32
        %add3A_635 = arith.constant 128 : i32
        %add3A_636 = arith.addi %mul3A_634, %add3A_635 : i32
        %dma_start3A_637 = arith.constant 0 : i32
        %dma_start3A_638 = tpu.memref_slice %arg7[%add3A_636, %dma_start3A_637] : memref<2048x32xf32, #tpu.memory_space<vmem>> -> memref<128x32xf32, #tpu.memory_space<vmem>>
        %dma_start3A_639 = tpu.memref_slice %arg6[%add3A_632] : memref<2048xi32, #tpu.memory_space<vmem>> -> memref<128xi32, #tpu.memory_space<vmem>>
        %dma_start3A_640 = arith.constant 0 : i32
        %dma_start3A_641 = arith.constant 0 : i32
        %dma_start3A_642 = tpu.memref_slice %arg3[%dma_start3A_640, %dma_start3A_641] : memref<1000000x32xf32, #tpu.memory_space<hbm>> -> memref<1000000x32xf32, #tpu.memory_space<hbm>>
        tpu.enqueue_indirect_dma source(%dma_start3A_642 : memref<1000000x32xf32, #tpu.memory_space<hbm>>) target(%dma_start3A_638 : memref<128x32xf32, #tpu.memory_space<vmem>>) offsets(%dma_start3A_639 : memref<128xi32, #tpu.memory_space<vmem>>) semaphore(%arg10 : memref<!tpu.dma_semaphore, #tpu.memory_space<semaphore_mem>>)
        %mul3A_643 = arith.constant 1024 : i32
        %mul3A_644 = arith.muli %sub3A_254, %mul3A_643 : i32
        %add3A_645 = arith.constant 256 : i32
        %add3A_646 = arith.addi %mul3A_644, %add3A_645 : i32
        %mul3A_647 = arith.constant 1024 : i32
        %mul3A_648 = arith.muli %sub3A_254, %mul3A_647 : i32
        %add3A_649 = arith.constant 256 : i32
        %add3A_650 = arith.addi %mul3A_648, %add3A_649 : i32
        %dma_start3A_651 = arith.constant 0 : i32
        %dma_start3A_652 = tpu.memref_slice %arg7[%add3A_650, %dma_start3A_651] : memref<2048x32xf32, #tpu.memory_space<vmem>> -> memref<128x32xf32, #tpu.memory_space<vmem>>
        %dma_start3A_653 = tpu.memref_slice %arg6[%add3A_646] : memref<2048xi32, #tpu.memory_space<vmem>> -> memref<128xi32, #tpu.memory_space<vmem>>
        %dma_start3A_654 = arith.constant 0 : i32
        %dma_start3A_655 = arith.constant 0 : i32
        %dma_start3A_656 = tpu.memref_slice %arg3[%dma_start3A_654, %dma_start3A_655] : memref<1000000x32xf32, #tpu.memory_space<hbm>> -> memref<1000000x32xf32, #tpu.memory_space<hbm>>
        tpu.enqueue_indirect_dma source(%dma_start3A_656 : memref<1000000x32xf32, #tpu.memory_space<hbm>>) target(%dma_start3A_652 : memref<128x32xf32, #tpu.memory_space<vmem>>) offsets(%dma_start3A_653 : memref<128xi32, #tpu.memory_space<vmem>>) semaphore(%arg10 : memref<!tpu.dma_semaphore, #tpu.memory_space<semaphore_mem>>)
        %mul3A_657 = arith.constant 1024 : i32
        %mul3A_658 = arith.muli %sub3A_254, %mul3A_657 : i32
        %add3A_659 = arith.constant 384 : i32
        %add3A_660 = arith.addi %mul3A_658, %add3A_659 : i32
        %mul3A_661 = arith.constant 1024 : i32
        %mul3A_662 = arith.muli %sub3A_254, %mul3A_661 : i32
        %add3A_663 = arith.constant 384 : i32
        %add3A_664 = arith.addi %mul3A_662, %add3A_663 : i32
        %dma_start3A_665 = arith.constant 0 : i32
        %dma_start3A_666 = tpu.memref_slice %arg7[%add3A_664, %dma_start3A_665] : memref<2048x32xf32, #tpu.memory_space<vmem>> -> memref<128x32xf32, #tpu.memory_space<vmem>>
        %dma_start3A_667 = tpu.memref_slice %arg6[%add3A_660] : memref<2048xi32, #tpu.memory_space<vmem>> -> memref<128xi32, #tpu.memory_space<vmem>>
        %dma_start3A_668 = arith.constant 0 : i32
        %dma_start3A_669 = arith.constant 0 : i32
        %dma_start3A_670 = tpu.memref_slice %arg3[%dma_start3A_668, %dma_start3A_669] : memref<1000000x32xf32, #tpu.memory_space<hbm>> -> memref<1000000x32xf32, #tpu.memory_space<hbm>>
        tpu.enqueue_indirect_dma source(%dma_start3A_670 : memref<1000000x32xf32, #tpu.memory_space<hbm>>) target(%dma_start3A_666 : memref<128x32xf32, #tpu.memory_space<vmem>>) offsets(%dma_start3A_667 : memref<128xi32, #tpu.memory_space<vmem>>) semaphore(%arg10 : memref<!tpu.dma_semaphore, #tpu.memory_space<semaphore_mem>>)
        %mul3A_671 = arith.constant 1024 : i32
        %mul3A_672 = arith.muli %sub3A_254, %mul3A_671 : i32
        %add3A_673 = arith.constant 512 : i32
        %add3A_674 = arith.addi %mul3A_672, %add3A_673 : i32
        %mul3A_675 = arith.constant 1024 : i32
        %mul3A_676 = arith.muli %sub3A_254, %mul3A_675 : i32
        %add3A_677 = arith.constant 512 : i32
        %add3A_678 = arith.addi %mul3A_676, %add3A_677 : i32
        %dma_start3A_679 = arith.constant 0 : i32
        %dma_start3A_680 = tpu.memref_slice %arg7[%add3A_678, %dma_start3A_679] : memref<2048x32xf32, #tpu.memory_space<vmem>> -> memref<128x32xf32, #tpu.memory_space<vmem>>
        %dma_start3A_681 = tpu.memref_slice %arg6[%add3A_674] : memref<2048xi32, #tpu.memory_space<vmem>> -> memref<128xi32, #tpu.memory_space<vmem>>
        %dma_start3A_682 = arith.constant 0 : i32
        %dma_start3A_683 = arith.constant 0 : i32
        %dma_start3A_684 = tpu.memref_slice %arg3[%dma_start3A_682, %dma_start3A_683] : memref<1000000x32xf32, #tpu.memory_space<hbm>> -> memref<1000000x32xf32, #tpu.memory_space<hbm>>
        tpu.enqueue_indirect_dma source(%dma_start3A_684 : memref<1000000x32xf32, #tpu.memory_space<hbm>>) target(%dma_start3A_680 : memref<128x32xf32, #tpu.memory_space<vmem>>) offsets(%dma_start3A_681 : memref<128xi32, #tpu.memory_space<vmem>>) semaphore(%arg10 : memref<!tpu.dma_semaphore, #tpu.memory_space<semaphore_mem>>)
        %mul3A_685 = arith.constant 1024 : i32
        %mul3A_686 = arith.muli %sub3A_254, %mul3A_685 : i32
        %add3A_687 = arith.constant 640 : i32
        %add3A_688 = arith.addi %mul3A_686, %add3A_687 : i32
        %mul3A_689 = arith.constant 1024 : i32
        %mul3A_690 = arith.muli %sub3A_254, %mul3A_689 : i32
        %add3A_691 = arith.constant 640 : i32
        %add3A_692 = arith.addi %mul3A_690, %add3A_691 : i32
        %dma_start3A_693 = arith.constant 0 : i32
        %dma_start3A_694 = tpu.memref_slice %arg7[%add3A_692, %dma_start3A_693] : memref<2048x32xf32, #tpu.memory_space<vmem>> -> memref<128x32xf32, #tpu.memory_space<vmem>>
        %dma_start3A_695 = tpu.memref_slice %arg6[%add3A_688] : memref<2048xi32, #tpu.memory_space<vmem>> -> memref<128xi32, #tpu.memory_space<vmem>>
        %dma_start3A_696 = arith.constant 0 : i32
        %dma_start3A_697 = arith.constant 0 : i32
        %dma_start3A_698 = tpu.memref_slice %arg3[%dma_start3A_696, %dma_start3A_697] : memref<1000000x32xf32, #tpu.memory_space<hbm>> -> memref<1000000x32xf32, #tpu.memory_space<hbm>>
        tpu.enqueue_indirect_dma source(%dma_start3A_698 : memref<1000000x32xf32, #tpu.memory_space<hbm>>) target(%dma_start3A_694 : memref<128x32xf32, #tpu.memory_space<vmem>>) offsets(%dma_start3A_695 : memref<128xi32, #tpu.memory_space<vmem>>) semaphore(%arg10 : memref<!tpu.dma_semaphore, #tpu.memory_space<semaphore_mem>>)
        %mul3A_699 = arith.constant 1024 : i32
        %mul3A_700 = arith.muli %sub3A_254, %mul3A_699 : i32
        %add3A_701 = arith.constant 768 : i32
        %add3A_702 = arith.addi %mul3A_700, %add3A_701 : i32
        %mul3A_703 = arith.constant 1024 : i32
        %mul3A_704 = arith.muli %sub3A_254, %mul3A_703 : i32
        %add3A_705 = arith.constant 768 : i32
        %add3A_706 = arith.addi %mul3A_704, %add3A_705 : i32
        %dma_start3A_707 = arith.constant 0 : i32
        %dma_start3A_708 = tpu.memref_slice %arg7[%add3A_706, %dma_start3A_707] : memref<2048x32xf32, #tpu.memory_space<vmem>> -> memref<128x32xf32, #tpu.memory_space<vmem>>
        %dma_start3A_709 = tpu.memref_slice %arg6[%add3A_702] : memref<2048xi32, #tpu.memory_space<vmem>> -> memref<128xi32, #tpu.memory_space<vmem>>
        %dma_start3A_710 = arith.constant 0 : i32
        %dma_start3A_711 = arith.constant 0 : i32
        %dma_start3A_712 = tpu.memref_slice %arg3[%dma_start3A_710, %dma_start3A_711] : memref<1000000x32xf32, #tpu.memory_space<hbm>> -> memref<1000000x32xf32, #tpu.memory_space<hbm>>
        tpu.enqueue_indirect_dma source(%dma_start3A_712 : memref<1000000x32xf32, #tpu.memory_space<hbm>>) target(%dma_start3A_708 : memref<128x32xf32, #tpu.memory_space<vmem>>) offsets(%dma_start3A_709 : memref<128xi32, #tpu.memory_space<vmem>>) semaphore(%arg10 : memref<!tpu.dma_semaphore, #tpu.memory_space<semaphore_mem>>)
        %mul3A_713 = arith.constant 1024 : i32
        %mul3A_714 = arith.muli %sub3A_254, %mul3A_713 : i32
        %add3A_715 = arith.constant 896 : i32
        %add3A_716 = arith.addi %mul3A_714, %add3A_715 : i32
        %mul3A_717 = arith.constant 1024 : i32
        %mul3A_718 = arith.muli %sub3A_254, %mul3A_717 : i32
        %add3A_719 = arith.constant 896 : i32
        %add3A_720 = arith.addi %mul3A_718, %add3A_719 : i32
        %dma_start3A_721 = arith.constant 0 : i32
        %dma_start3A_722 = tpu.memref_slice %arg7[%add3A_720, %dma_start3A_721] : memref<2048x32xf32, #tpu.memory_space<vmem>> -> memref<128x32xf32, #tpu.memory_space<vmem>>
        %dma_start3A_723 = tpu.memref_slice %arg6[%add3A_716] : memref<2048xi32, #tpu.memory_space<vmem>> -> memref<128xi32, #tpu.memory_space<vmem>>
        %dma_start3A_724 = arith.constant 0 : i32
        %dma_start3A_725 = arith.constant 0 : i32
        %dma_start3A_726 = tpu.memref_slice %arg3[%dma_start3A_724, %dma_start3A_725] : memref<1000000x32xf32, #tpu.memory_space<hbm>> -> memref<1000000x32xf32, #tpu.memory_space<hbm>>
        tpu.enqueue_indirect_dma source(%dma_start3A_726 : memref<1000000x32xf32, #tpu.memory_space<hbm>>) target(%dma_start3A_722 : memref<128x32xf32, #tpu.memory_space<vmem>>) offsets(%dma_start3A_723 : memref<128xi32, #tpu.memory_space<vmem>>) semaphore(%arg10 : memref<!tpu.dma_semaphore, #tpu.memory_space<semaphore_mem>>)
      } else {
      }
      %mul3A_259 = arith.constant 1024 : i32
      %mul3A_260 = arith.muli %rem3A_253, %mul3A_259 : i32
      %add3A_261 = arith.constant 0 : i32
      %add3A_262 = arith.addi %mul3A_260, %add3A_261 : i32
      %mul3A_263 = arith.constant 1024 : i32
      %mul3A_264 = arith.muli %rem3A_253, %mul3A_263 : i32
      %add3A_265 = arith.constant 0 : i32
      %add3A_266 = arith.addi %mul3A_264, %add3A_265 : i32
      %dma_wait3A_267 = arith.constant 0 : i32
      %dma_wait3A_268 = tpu.memref_slice %arg7[%add3A_266, %dma_wait3A_267] : memref<2048x32xf32, #tpu.memory_space<vmem>> -> memref<128x32xf32, #tpu.memory_space<vmem>>
      %dma_wait3A_269 = tpu.memref_slice %arg6[%add3A_262] : memref<2048xi32, #tpu.memory_space<vmem>> -> memref<128xi32, #tpu.memory_space<vmem>>
      %dma_wait3A_270 = arith.constant 0 : i32
      %dma_wait3A_271 = arith.constant 0 : i32
      %dma_wait3A_272 = tpu.memref_slice %arg3[%dma_wait3A_270, %dma_wait3A_271] : memref<1000000x32xf32, #tpu.memory_space<hbm>> -> memref<1000000x32xf32, #tpu.memory_space<hbm>>
      tpu.wait_indirect_dma semaphore(%arg10 : memref<!tpu.dma_semaphore, #tpu.memory_space<semaphore_mem>>) src(%dma_wait3A_272 : memref<1000000x32xf32, #tpu.memory_space<hbm>>) dst(%dma_wait3A_268 : memref<128x32xf32, #tpu.memory_space<vmem>>)
      %mul3A_273 = arith.constant 1024 : i32
      %mul3A_274 = arith.muli %rem3A_253, %mul3A_273 : i32
      %add3A_275 = arith.constant 128 : i32
      %add3A_276 = arith.addi %mul3A_274, %add3A_275 : i32
      %mul3A_277 = arith.constant 1024 : i32
      %mul3A_278 = arith.muli %rem3A_253, %mul3A_277 : i32
      %add3A_279 = arith.constant 128 : i32
      %add3A_280 = arith.addi %mul3A_278, %add3A_279 : i32
      %dma_wait3A_281 = arith.constant 0 : i32
      %dma_wait3A_282 = tpu.memref_slice %arg7[%add3A_280, %dma_wait3A_281] : memref<2048x32xf32, #tpu.memory_space<vmem>> -> memref<128x32xf32, #tpu.memory_space<vmem>>
      %dma_wait3A_283 = tpu.memref_slice %arg6[%add3A_276] : memref<2048xi32, #tpu.memory_space<vmem>> -> memref<128xi32, #tpu.memory_space<vmem>>
      %dma_wait3A_284 = arith.constant 0 : i32
      %dma_wait3A_285 = arith.constant 0 : i32
      %dma_wait3A_286 = tpu.memref_slice %arg3[%dma_wait3A_284, %dma_wait3A_285] : memref<1000000x32xf32, #tpu.memory_space<hbm>> -> memref<1000000x32xf32, #tpu.memory_space<hbm>>
      tpu.wait_indirect_dma semaphore(%arg10 : memref<!tpu.dma_semaphore, #tpu.memory_space<semaphore_mem>>) src(%dma_wait3A_286 : memref<1000000x32xf32, #tpu.memory_space<hbm>>) dst(%dma_wait3A_282 : memref<128x32xf32, #tpu.memory_space<vmem>>)
      %mul3A_287 = arith.constant 1024 : i32
      %mul3A_288 = arith.muli %rem3A_253, %mul3A_287 : i32
      %add3A_289 = arith.constant 256 : i32
      %add3A_290 = arith.addi %mul3A_288, %add3A_289 : i32
      %mul3A_291 = arith.constant 1024 : i32
      %mul3A_292 = arith.muli %rem3A_253, %mul3A_291 : i32
      %add3A_293 = arith.constant 256 : i32
      %add3A_294 = arith.addi %mul3A_292, %add3A_293 : i32
      %dma_wait3A_295 = arith.constant 0 : i32
      %dma_wait3A_296 = tpu.memref_slice %arg7[%add3A_294, %dma_wait3A_295] : memref<2048x32xf32, #tpu.memory_space<vmem>> -> memref<128x32xf32, #tpu.memory_space<vmem>>
      %dma_wait3A_297 = tpu.memref_slice %arg6[%add3A_290] : memref<2048xi32, #tpu.memory_space<vmem>> -> memref<128xi32, #tpu.memory_space<vmem>>
      %dma_wait3A_298 = arith.constant 0 : i32
      %dma_wait3A_299 = arith.constant 0 : i32
      %dma_wait3A_300 = tpu.memref_slice %arg3[%dma_wait3A_298, %dma_wait3A_299] : memref<1000000x32xf32, #tpu.memory_space<hbm>> -> memref<1000000x32xf32, #tpu.memory_space<hbm>>
      tpu.wait_indirect_dma semaphore(%arg10 : memref<!tpu.dma_semaphore, #tpu.memory_space<semaphore_mem>>) src(%dma_wait3A_300 : memref<1000000x32xf32, #tpu.memory_space<hbm>>) dst(%dma_wait3A_296 : memref<128x32xf32, #tpu.memory_space<vmem>>)
      %mul3A_301 = arith.constant 1024 : i32
      %mul3A_302 = arith.muli %rem3A_253, %mul3A_301 : i32
      %add3A_303 = arith.constant 384 : i32
      %add3A_304 = arith.addi %mul3A_302, %add3A_303 : i32
      %mul3A_305 = arith.constant 1024 : i32
      %mul3A_306 = arith.muli %rem3A_253, %mul3A_305 : i32
      %add3A_307 = arith.constant 384 : i32
      %add3A_308 = arith.addi %mul3A_306, %add3A_307 : i32
      %dma_wait3A_309 = arith.constant 0 : i32
      %dma_wait3A_310 = tpu.memref_slice %arg7[%add3A_308, %dma_wait3A_309] : memref<2048x32xf32, #tpu.memory_space<vmem>> -> memref<128x32xf32, #tpu.memory_space<vmem>>
      %dma_wait3A_311 = tpu.memref_slice %arg6[%add3A_304] : memref<2048xi32, #tpu.memory_space<vmem>> -> memref<128xi32, #tpu.memory_space<vmem>>
      %dma_wait3A_312 = arith.constant 0 : i32
      %dma_wait3A_313 = arith.constant 0 : i32
      %dma_wait3A_314 = tpu.memref_slice %arg3[%dma_wait3A_312, %dma_wait3A_313] : memref<1000000x32xf32, #tpu.memory_space<hbm>> -> memref<1000000x32xf32, #tpu.memory_space<hbm>>
      tpu.wait_indirect_dma semaphore(%arg10 : memref<!tpu.dma_semaphore, #tpu.memory_space<semaphore_mem>>) src(%dma_wait3A_314 : memref<1000000x32xf32, #tpu.memory_space<hbm>>) dst(%dma_wait3A_310 : memref<128x32xf32, #tpu.memory_space<vmem>>)
      %mul3A_315 = arith.constant 2 : i32
      %mul3A_316 = arith.muli %scan3A_252, %mul3A_315 : i32
      %add3A_317 = arith.constant 0 : i32
      %add3A_318 = arith.addi %mul3A_316, %add3A_317 : i32
      %rem3A_319 = arith.constant 2 : i32
      %rem3A_320 = arith.remsi %add3A_318, %rem3A_319 : i32
      %mul3A_321 = arith.constant 16 : i32
      %mul3A_322 = arith.muli %rem3A_320, %mul3A_321 : i32
      %ge3A = arith.constant 2 : i32
      %ge3A_323 = arith.cmpi sge, %add3A_318, %ge3A : i32
      %convert_element_type3A_324 = arith.extui %ge3A_323 : i1 to i32
      %cond3A_325 = arith.constant 0 : i32
      %cond3A_326 = arith.cmpi ne, %convert_element_type3A_324, %cond3A_325 : i32
      scf.if %cond3A_326 {
        %add3A_607 = arith.constant 0 : i32
        %add3A_608 = arith.addi %mul3A_322, %add3A_607 : i32
        %mul3A_609 = arith.constant 8 : i32
        %mul3A_610 = arith.muli %scan3A_252, %mul3A_609 : i32
        %add3A_611 = arith.constant 0 : i32
        %add3A_612 = arith.addi %mul3A_610, %add3A_611 : i32
        %add3A_613 = arith.constant 0 : i32
        %add3A_614 = arith.addi %add3A_612, %add3A_613 : i32
        %dma_wait3A_615 = arith.constant 0 : i32
        %dma_wait3A_616 = arith.constant 0 : i32
        %dma_wait3A_617 = tpu.memref_slice %arg8[%add3A_608, %dma_wait3A_615, %dma_wait3A_616] : memref<32x8x129xf32, #tpu.memory_space<vmem>> -> memref<4x8x128xf32, #tpu.memory_space<vmem>>
        %dma_wait3A_618 = arith.constant 0 : i32
        %dma_wait3A_619 = arith.constant 0 : i32
        %dma_wait3A_620 = arith.constant 0 : i32
        %dma_wait3A_621 = tpu.memref_slice %arg5[%add3A_614, %dma_wait3A_618, %add3A, %dma_wait3A_619, %dma_wait3A_620] : memref<200x4x32x8x128xf32, #tpu.memory_space<hbm>> -> memref<1x4x1x8x128xf32, #tpu.memory_space<hbm>>
        %dma_wait3A_622 = tpu.memref_squeeze %dma_wait3A_621 : memref<1x4x1x8x128xf32, #tpu.memory_space<hbm>> -> memref<4x8x128xf32, #tpu.memory_space<hbm>>
        %dma_wait3A_623 = arith.constant 0 : i32
        %dma_wait3A_624 = arith.constant 0 : i32
        %dma_wait3A_625 = arith.constant 0 : i32
        %dma_wait3A_626 = tpu.memref_slice %arg5[%add3A_614, %dma_wait3A_623, %add3A, %dma_wait3A_624, %dma_wait3A_625] : memref<200x4x32x8x128xf32, #tpu.memory_space<hbm>> -> memref<1x4x1x8x128xf32, #tpu.memory_space<hbm>>
        %dma_wait3A_627 = tpu.memref_squeeze %dma_wait3A_626 : memref<1x4x1x8x128xf32, #tpu.memory_space<hbm>> -> memref<4x8x128xf32, #tpu.memory_space<hbm>>
        %dma_wait3A_628 = arith.constant 0 : i32
        %dma_wait3A_629 = arith.constant 0 : i32
        %dma_wait3A_630 = tpu.memref_slice %arg8[%add3A_608, %dma_wait3A_628, %dma_wait3A_629] : memref<32x8x129xf32, #tpu.memory_space<vmem>> -> memref<4x8x128xf32, #tpu.memory_space<vmem>>
        tpu.wait_dma2 semaphore(%arg11 : memref<!tpu.dma_semaphore, #tpu.memory_space<semaphore_mem>>) src(%dma_wait3A_630 : memref<4x8x128xf32, #tpu.memory_space<vmem>>) dst(%dma_wait3A_627 : memref<4x8x128xf32, #tpu.memory_space<hbm>>)
        %add3A_631 = arith.constant 4 : i32
        %add3A_632 = arith.addi %mul3A_322, %add3A_631 : i32
        %mul3A_633 = arith.constant 8 : i32
        %mul3A_634 = arith.muli %scan3A_252, %mul3A_633 : i32
        %add3A_635 = arith.constant 0 : i32
        %add3A_636 = arith.addi %mul3A_634, %add3A_635 : i32
        %add3A_637 = arith.constant 1 : i32
        %add3A_638 = arith.addi %add3A_636, %add3A_637 : i32
        %dma_wait3A_639 = arith.constant 0 : i32
        %dma_wait3A_640 = arith.constant 0 : i32
        %dma_wait3A_641 = tpu.memref_slice %arg8[%add3A_632, %dma_wait3A_639, %dma_wait3A_640] : memref<32x8x129xf32, #tpu.memory_space<vmem>> -> memref<4x8x128xf32, #tpu.memory_space<vmem>>
        %dma_wait3A_642 = arith.constant 0 : i32
        %dma_wait3A_643 = arith.constant 0 : i32
        %dma_wait3A_644 = arith.constant 0 : i32
        %dma_wait3A_645 = tpu.memref_slice %arg5[%add3A_638, %dma_wait3A_642, %add3A, %dma_wait3A_643, %dma_wait3A_644] : memref<200x4x32x8x128xf32, #tpu.memory_space<hbm>> -> memref<1x4x1x8x128xf32, #tpu.memory_space<hbm>>
        %dma_wait3A_646 = tpu.memref_squeeze %dma_wait3A_645 : memref<1x4x1x8x128xf32, #tpu.memory_space<hbm>> -> memref<4x8x128xf32, #tpu.memory_space<hbm>>
        %dma_wait3A_647 = arith.constant 0 : i32
        %dma_wait3A_648 = arith.constant 0 : i32
        %dma_wait3A_649 = arith.constant 0 : i32
        %dma_wait3A_650 = tpu.memref_slice %arg5[%add3A_638, %dma_wait3A_647, %add3A, %dma_wait3A_648, %dma_wait3A_649] : memref<200x4x32x8x128xf32, #tpu.memory_space<hbm>> -> memref<1x4x1x8x128xf32, #tpu.memory_space<hbm>>
        %dma_wait3A_651 = tpu.memref_squeeze %dma_wait3A_650 : memref<1x4x1x8x128xf32, #tpu.memory_space<hbm>> -> memref<4x8x128xf32, #tpu.memory_space<hbm>>
        %dma_wait3A_652 = arith.constant 0 : i32
        %dma_wait3A_653 = arith.constant 0 : i32
        %dma_wait3A_654 = tpu.memref_slice %arg8[%add3A_632, %dma_wait3A_652, %dma_wait3A_653] : memref<32x8x129xf32, #tpu.memory_space<vmem>> -> memref<4x8x128xf32, #tpu.memory_space<vmem>>
        tpu.wait_dma2 semaphore(%arg11 : memref<!tpu.dma_semaphore, #tpu.memory_space<semaphore_mem>>) src(%dma_wait3A_654 : memref<4x8x128xf32, #tpu.memory_space<vmem>>) dst(%dma_wait3A_651 : memref<4x8x128xf32, #tpu.memory_space<hbm>>)
        %add3A_655 = arith.constant 8 : i32
        %add3A_656 = arith.addi %mul3A_322, %add3A_655 : i32
        %mul3A_657 = arith.constant 8 : i32
        %mul3A_658 = arith.muli %scan3A_252, %mul3A_657 : i32
        %add3A_659 = arith.constant 0 : i32
        %add3A_660 = arith.addi %mul3A_658, %add3A_659 : i32
        %add3A_661 = arith.constant 2 : i32
        %add3A_662 = arith.addi %add3A_660, %add3A_661 : i32
        %dma_wait3A_663 = arith.constant 0 : i32
        %dma_wait3A_664 = arith.constant 0 : i32
        %dma_wait3A_665 = tpu.memref_slice %arg8[%add3A_656, %dma_wait3A_663, %dma_wait3A_664] : memref<32x8x129xf32, #tpu.memory_space<vmem>> -> memref<4x8x128xf32, #tpu.memory_space<vmem>>
        %dma_wait3A_666 = arith.constant 0 : i32
        %dma_wait3A_667 = arith.constant 0 : i32
        %dma_wait3A_668 = arith.constant 0 : i32
        %dma_wait3A_669 = tpu.memref_slice %arg5[%add3A_662, %dma_wait3A_666, %add3A, %dma_wait3A_667, %dma_wait3A_668] : memref<200x4x32x8x128xf32, #tpu.memory_space<hbm>> -> memref<1x4x1x8x128xf32, #tpu.memory_space<hbm>>
        %dma_wait3A_670 = tpu.memref_squeeze %dma_wait3A_669 : memref<1x4x1x8x128xf32, #tpu.memory_space<hbm>> -> memref<4x8x128xf32, #tpu.memory_space<hbm>>
        %dma_wait3A_671 = arith.constant 0 : i32
        %dma_wait3A_672 = arith.constant 0 : i32
        %dma_wait3A_673 = arith.constant 0 : i32
        %dma_wait3A_674 = tpu.memref_slice %arg5[%add3A_662, %dma_wait3A_671, %add3A, %dma_wait3A_672, %dma_wait3A_673] : memref<200x4x32x8x128xf32, #tpu.memory_space<hbm>> -> memref<1x4x1x8x128xf32, #tpu.memory_space<hbm>>
        %dma_wait3A_675 = tpu.memref_squeeze %dma_wait3A_674 : memref<1x4x1x8x128xf32, #tpu.memory_space<hbm>> -> memref<4x8x128xf32, #tpu.memory_space<hbm>>
        %dma_wait3A_676 = arith.constant 0 : i32
        %dma_wait3A_677 = arith.constant 0 : i32
        %dma_wait3A_678 = tpu.memref_slice %arg8[%add3A_656, %dma_wait3A_676, %dma_wait3A_677] : memref<32x8x129xf32, #tpu.memory_space<vmem>> -> memref<4x8x128xf32, #tpu.memory_space<vmem>>
        tpu.wait_dma2 semaphore(%arg11 : memref<!tpu.dma_semaphore, #tpu.memory_space<semaphore_mem>>) src(%dma_wait3A_678 : memref<4x8x128xf32, #tpu.memory_space<vmem>>) dst(%dma_wait3A_675 : memref<4x8x128xf32, #tpu.memory_space<hbm>>)
        %add3A_679 = arith.constant 12 : i32
        %add3A_680 = arith.addi %mul3A_322, %add3A_679 : i32
        %mul3A_681 = arith.constant 8 : i32
        %mul3A_682 = arith.muli %scan3A_252, %mul3A_681 : i32
        %add3A_683 = arith.constant 0 : i32
        %add3A_684 = arith.addi %mul3A_682, %add3A_683 : i32
        %add3A_685 = arith.constant 3 : i32
        %add3A_686 = arith.addi %add3A_684, %add3A_685 : i32
        %dma_wait3A_687 = arith.constant 0 : i32
        %dma_wait3A_688 = arith.constant 0 : i32
        %dma_wait3A_689 = tpu.memref_slice %arg8[%add3A_680, %dma_wait3A_687, %dma_wait3A_688] : memref<32x8x129xf32, #tpu.memory_space<vmem>> -> memref<4x8x128xf32, #tpu.memory_space<vmem>>
        %dma_wait3A_690 = arith.constant 0 : i32
        %dma_wait3A_691 = arith.constant 0 : i32
        %dma_wait3A_692 = arith.constant 0 : i32
        %dma_wait3A_693 = tpu.memref_slice %arg5[%add3A_686, %dma_wait3A_690, %add3A, %dma_wait3A_691, %dma_wait3A_692] : memref<200x4x32x8x128xf32, #tpu.memory_space<hbm>> -> memref<1x4x1x8x128xf32, #tpu.memory_space<hbm>>
        %dma_wait3A_694 = tpu.memref_squeeze %dma_wait3A_693 : memref<1x4x1x8x128xf32, #tpu.memory_space<hbm>> -> memref<4x8x128xf32, #tpu.memory_space<hbm>>
        %dma_wait3A_695 = arith.constant 0 : i32
        %dma_wait3A_696 = arith.constant 0 : i32
        %dma_wait3A_697 = arith.constant 0 : i32
        %dma_wait3A_698 = tpu.memref_slice %arg5[%add3A_686, %dma_wait3A_695, %add3A, %dma_wait3A_696, %dma_wait3A_697] : memref<200x4x32x8x128xf32, #tpu.memory_space<hbm>> -> memref<1x4x1x8x128xf32, #tpu.memory_space<hbm>>
        %dma_wait3A_699 = tpu.memref_squeeze %dma_wait3A_698 : memref<1x4x1x8x128xf32, #tpu.memory_space<hbm>> -> memref<4x8x128xf32, #tpu.memory_space<hbm>>
        %dma_wait3A_700 = arith.constant 0 : i32
        %dma_wait3A_701 = arith.constant 0 : i32
        %dma_wait3A_702 = tpu.memref_slice %arg8[%add3A_680, %dma_wait3A_700, %dma_wait3A_701] : memref<32x8x129xf32, #tpu.memory_space<vmem>> -> memref<4x8x128xf32, #tpu.memory_space<vmem>>
        tpu.wait_dma2 semaphore(%arg11 : memref<!tpu.dma_semaphore, #tpu.memory_space<semaphore_mem>>) src(%dma_wait3A_702 : memref<4x8x128xf32, #tpu.memory_space<vmem>>) dst(%dma_wait3A_699 : memref<4x8x128xf32, #tpu.memory_space<hbm>>)
      } else {
      }
      %scan3A_327 = arith.constant 0 : i32
      %scan3A_328 = arith.constant 0 : i32
      %scan3A_329 = arith.constant 4 : i32
      %scan3A_330 = arith.addi %scan3A_328, %scan3A_329 : i32
      %scan3A_331 = arith.constant 1 : i32
      scf.for %scan3A_607 = %scan3A_328 to %scan3A_330 step %scan3A_331  : i32 {
        %mul3A_608 = arith.constant 8 : i32
        %mul3A_609 = arith.muli %scan3A_252, %mul3A_608 : i32
        %add3A_610 = arith.constant 0 : i32
        %add3A_611 = arith.addi %mul3A_609, %add3A_610 : i32
        %add3A_612 = arith.addi %add3A_611, %scan3A_607 : i32
        %mul3A_613 = arith.constant 1024 : i32
        %mul3A_614 = arith.muli %rem3A_253, %mul3A_613 : i32
        %add3A_615 = arith.constant 0 : i32
        %add3A_616 = arith.addi %add3A_615, %scan3A_607 : i32
        %mul3A_617 = arith.constant 128 : i32
        %mul3A_618 = arith.muli %add3A_616, %mul3A_617 : i32
        %add3A_619 = arith.addi %mul3A_614, %mul3A_618 : i32
        %get3A = arith.index_cast %add3A_612 : i32 to index
        %get3A_620 = arith.constant 0 : index
        %get3A_621 = tpu.vector_load %arg9[%get3A, %get3A_620] {strides = array<i32>} : memref<200x32xf32, #tpu.memory_space<vmem>>, vector<16xf32>,
        %get3A_622 = arith.index_cast %add3A_612 : i32 to index
        %get3A_623 = arith.constant 16 : index
        %get3A_624 = tpu.vector_load %arg9[%get3A_622, %get3A_623] {strides = array<i32>} : memref<200x32xf32, #tpu.memory_space<vmem>>, vector<16xf32>,
        %mul3A_625 = arith.constant 4 : i32
        %mul3A_626 = arith.muli %scan3A_607, %mul3A_625 : i32
        %add3A_627 = vector.broadcast %mul3A_626 : i32 to vector<16xi32>
        %add3A_628 = arith.addi %shift_right_arithmetic3A_2, %add3A_627 : vector<16xi32>
        %add3A_629 = vector.broadcast %mul3A_322 : i32 to vector<16xi32>
        %add3A_630 = arith.addi %add3A_628, %add3A_629 : vector<16xi32>
        %add3A_631 = arith.constant 2 : i32
        %add3A_632 = vector.broadcast %add3A_631 : i32 to vector<16xi32>
        %add3A_633 = arith.addi %add3A_630, %add3A_632 : vector<16xi32>
        %parallel_loop3A = arith.constant 0 : i32
        %parallel_loop3A_634 = arith.constant 128 : i32
        %parallel_loop3A_635 = arith.constant 1 : i32
        scf.for %parallel_loop3A_636 = %parallel_loop3A to %parallel_loop3A_634 step %parallel_loop3A_635  : i32 {
          %parallel_loop3A_637 = vector.broadcast %parallel_loop3A_636 : i32 to vector<16xi32>
          %parallel_loop3A_638 = arith.addi %add3A_619, %parallel_loop3A_636 : i32
          %parallel_loop3A_639 = arith.index_cast %parallel_loop3A_638 : i32 to index
          %parallel_loop3A_640 = arith.constant 0 : index
          %parallel_loop3A_641 = tpu.vector_load %arg7[%parallel_loop3A_639, %parallel_loop3A_640] {strides = array<i32>} : memref<2048x32xf32, #tpu.memory_space<vmem>>, vector<16xf32>,
          %parallel_loop3A_642 = arith.addf %parallel_loop3A_641, %get3A_621 : vector<16xf32>
          tpu.vector_store_idx %arg8[%add3A_630, %and3A_4, %parallel_loop3A_637], %parallel_loop3A_642 : memref<32x8x129xf32, #tpu.memory_space<vmem>>[vector<16xi32>, vector<16xi32>, vector<16xi32>], vector<16xf32>,
          %parallel_loop3A_643 = arith.addi %add3A_619, %parallel_loop3A_636 : i32
          %parallel_loop3A_644 = arith.index_cast %parallel_loop3A_643 : i32 to index
          %parallel_loop3A_645 = arith.constant 16 : index
          %parallel_loop3A_646 = tpu.vector_load %arg7[%parallel_loop3A_644, %parallel_loop3A_645] {strides = array<i32>} : memref<2048x32xf32, #tpu.memory_space<vmem>>, vector<16xf32>,
          %parallel_loop3A_647 = arith.addf %parallel_loop3A_646, %get3A_624 : vector<16xf32>
          tpu.vector_store_idx %arg8[%add3A_633, %and3A_4, %parallel_loop3A_637], %parallel_loop3A_647 : memref<32x8x129xf32, #tpu.memory_space<vmem>>[vector<16xi32>, vector<16xi32>, vector<16xi32>], vector<16xf32>,
        } {sc.loop_unroll_factor = 8 : i64, sc.parallel_access}
      }
      %scan3A_332 = arith.constant 4 : i32
      %mul3A_333 = arith.constant 8 : i32
      %mul3A_334 = arith.muli %scan3A_252, %mul3A_333 : i32
      %add3A_335 = arith.constant 0 : i32
      %add3A_336 = arith.addi %mul3A_334, %add3A_335 : i32
      %add3A_337 = arith.constant 0 : i32
      %add3A_338 = arith.addi %add3A_336, %add3A_337 : i32
      %add3A_339 = arith.constant 0 : i32
      %add3A_340 = arith.addi %mul3A_322, %add3A_339 : i32
      %dma_start3A_341 = arith.constant 0 : i32
      %dma_start3A_342 = arith.constant 0 : i32
      %dma_start3A_343 = tpu.memref_slice %arg8[%add3A_340, %dma_start3A_341, %dma_start3A_342] : memref<32x8x129xf32, #tpu.memory_space<vmem>> -> memref<4x8x128xf32, #tpu.memory_space<vmem>>
      %dma_start3A_344 = arith.constant 0 : i32
      %dma_start3A_345 = arith.constant 0 : i32
      %dma_start3A_346 = arith.constant 0 : i32
      %dma_start3A_347 = tpu.memref_slice %arg5[%add3A_338, %dma_start3A_344, %add3A, %dma_start3A_345, %dma_start3A_346] : memref<200x4x32x8x128xf32, #tpu.memory_space<hbm>> -> memref<1x4x1x8x128xf32, #tpu.memory_space<hbm>>
      %dma_start3A_348 = tpu.memref_squeeze %dma_start3A_347 : memref<1x4x1x8x128xf32, #tpu.memory_space<hbm>> -> memref<4x8x128xf32, #tpu.memory_space<hbm>>
      %dma_start3A_349 = arith.constant 0 : i32
      %dma_start3A_350 = arith.constant 0 : i32
      %dma_start3A_351 = arith.constant 0 : i32
      %dma_start3A_352 = tpu.memref_slice %arg5[%add3A_338, %dma_start3A_349, %add3A, %dma_start3A_350, %dma_start3A_351] : memref<200x4x32x8x128xf32, #tpu.memory_space<hbm>> -> memref<1x4x1x8x128xf32, #tpu.memory_space<hbm>>
      %dma_start3A_353 = tpu.memref_squeeze %dma_start3A_352 : memref<1x4x1x8x128xf32, #tpu.memory_space<hbm>> -> memref<4x8x128xf32, #tpu.memory_space<hbm>>
      %dma_start3A_354 = arith.constant 0 : i32
      %dma_start3A_355 = arith.constant 0 : i32
      %dma_start3A_356 = tpu.memref_slice %arg8[%add3A_340, %dma_start3A_354, %dma_start3A_355] : memref<32x8x129xf32, #tpu.memory_space<vmem>> -> memref<4x8x128xf32, #tpu.memory_space<vmem>>
      tpu.enqueue_dma source(%dma_start3A_356 : memref<4x8x128xf32, #tpu.memory_space<vmem>>) target(%dma_start3A_353 : memref<4x8x128xf32, #tpu.memory_space<hbm>>) target_semaphore(%arg11 : memref<!tpu.dma_semaphore, #tpu.memory_space<semaphore_mem>>)
      %mul3A_357 = arith.constant 8 : i32
      %mul3A_358 = arith.muli %scan3A_252, %mul3A_357 : i32
      %add3A_359 = arith.constant 0 : i32
      %add3A_360 = arith.addi %mul3A_358, %add3A_359 : i32
      %add3A_361 = arith.constant 1 : i32
      %add3A_362 = arith.addi %add3A_360, %add3A_361 : i32
      %add3A_363 = arith.constant 4 : i32
      %add3A_364 = arith.addi %mul3A_322, %add3A_363 : i32
      %dma_start3A_365 = arith.constant 0 : i32
      %dma_start3A_366 = arith.constant 0 : i32
      %dma_start3A_367 = tpu.memref_slice %arg8[%add3A_364, %dma_start3A_365, %dma_start3A_366] : memref<32x8x129xf32, #tpu.memory_space<vmem>> -> memref<4x8x128xf32, #tpu.memory_space<vmem>>
      %dma_start3A_368 = arith.constant 0 : i32
      %dma_start3A_369 = arith.constant 0 : i32
      %dma_start3A_370 = arith.constant 0 : i32
      %dma_start3A_371 = tpu.memref_slice %arg5[%add3A_362, %dma_start3A_368, %add3A, %dma_start3A_369, %dma_start3A_370] : memref<200x4x32x8x128xf32, #tpu.memory_space<hbm>> -> memref<1x4x1x8x128xf32, #tpu.memory_space<hbm>>
      %dma_start3A_372 = tpu.memref_squeeze %dma_start3A_371 : memref<1x4x1x8x128xf32, #tpu.memory_space<hbm>> -> memref<4x8x128xf32, #tpu.memory_space<hbm>>
      %dma_start3A_373 = arith.constant 0 : i32
      %dma_start3A_374 = arith.constant 0 : i32
      %dma_start3A_375 = arith.constant 0 : i32
      %dma_start3A_376 = tpu.memref_slice %arg5[%add3A_362, %dma_start3A_373, %add3A, %dma_start3A_374, %dma_start3A_375] : memref<200x4x32x8x128xf32, #tpu.memory_space<hbm>> -> memref<1x4x1x8x128xf32, #tpu.memory_space<hbm>>
      %dma_start3A_377 = tpu.memref_squeeze %dma_start3A_376 : memref<1x4x1x8x128xf32, #tpu.memory_space<hbm>> -> memref<4x8x128xf32, #tpu.memory_space<hbm>>
      %dma_start3A_378 = arith.constant 0 : i32
      %dma_start3A_379 = arith.constant 0 : i32
      %dma_start3A_380 = tpu.memref_slice %arg8[%add3A_364, %dma_start3A_378, %dma_start3A_379] : memref<32x8x129xf32, #tpu.memory_space<vmem>> -> memref<4x8x128xf32, #tpu.memory_space<vmem>>
      tpu.enqueue_dma source(%dma_start3A_380 : memref<4x8x128xf32, #tpu.memory_space<vmem>>) target(%dma_start3A_377 : memref<4x8x128xf32, #tpu.memory_space<hbm>>) target_semaphore(%arg11 : memref<!tpu.dma_semaphore, #tpu.memory_space<semaphore_mem>>)
      %mul3A_381 = arith.constant 8 : i32
      %mul3A_382 = arith.muli %scan3A_252, %mul3A_381 : i32
      %add3A_383 = arith.constant 0 : i32
      %add3A_384 = arith.addi %mul3A_382, %add3A_383 : i32
      %add3A_385 = arith.constant 2 : i32
      %add3A_386 = arith.addi %add3A_384, %add3A_385 : i32
      %add3A_387 = arith.constant 8 : i32
      %add3A_388 = arith.addi %mul3A_322, %add3A_387 : i32
      %dma_start3A_389 = arith.constant 0 : i32
      %dma_start3A_390 = arith.constant 0 : i32
      %dma_start3A_391 = tpu.memref_slice %arg8[%add3A_388, %dma_start3A_389, %dma_start3A_390] : memref<32x8x129xf32, #tpu.memory_space<vmem>> -> memref<4x8x128xf32, #tpu.memory_space<vmem>>
      %dma_start3A_392 = arith.constant 0 : i32
      %dma_start3A_393 = arith.constant 0 : i32
      %dma_start3A_394 = arith.constant 0 : i32
      %dma_start3A_395 = tpu.memref_slice %arg5[%add3A_386, %dma_start3A_392, %add3A, %dma_start3A_393, %dma_start3A_394] : memref<200x4x32x8x128xf32, #tpu.memory_space<hbm>> -> memref<1x4x1x8x128xf32, #tpu.memory_space<hbm>>
      %dma_start3A_396 = tpu.memref_squeeze %dma_start3A_395 : memref<1x4x1x8x128xf32, #tpu.memory_space<hbm>> -> memref<4x8x128xf32, #tpu.memory_space<hbm>>
      %dma_start3A_397 = arith.constant 0 : i32
      %dma_start3A_398 = arith.constant 0 : i32
      %dma_start3A_399 = arith.constant 0 : i32
      %dma_start3A_400 = tpu.memref_slice %arg5[%add3A_386, %dma_start3A_397, %add3A, %dma_start3A_398, %dma_start3A_399] : memref<200x4x32x8x128xf32, #tpu.memory_space<hbm>> -> memref<1x4x1x8x128xf32, #tpu.memory_space<hbm>>
      %dma_start3A_401 = tpu.memref_squeeze %dma_start3A_400 : memref<1x4x1x8x128xf32, #tpu.memory_space<hbm>> -> memref<4x8x128xf32, #tpu.memory_space<hbm>>
      %dma_start3A_402 = arith.constant 0 : i32
      %dma_start3A_403 = arith.constant 0 : i32
      %dma_start3A_404 = tpu.memref_slice %arg8[%add3A_388, %dma_start3A_402, %dma_start3A_403] : memref<32x8x129xf32, #tpu.memory_space<vmem>> -> memref<4x8x128xf32, #tpu.memory_space<vmem>>
      tpu.enqueue_dma source(%dma_start3A_404 : memref<4x8x128xf32, #tpu.memory_space<vmem>>) target(%dma_start3A_401 : memref<4x8x128xf32, #tpu.memory_space<hbm>>) target_semaphore(%arg11 : memref<!tpu.dma_semaphore, #tpu.memory_space<semaphore_mem>>)
      %mul3A_405 = arith.constant 8 : i32
      %mul3A_406 = arith.muli %scan3A_252, %mul3A_405 : i32
      %add3A_407 = arith.constant 0 : i32
      %add3A_408 = arith.addi %mul3A_406, %add3A_407 : i32
      %add3A_409 = arith.constant 3 : i32
      %add3A_410 = arith.addi %add3A_408, %add3A_409 : i32
      %add3A_411 = arith.constant 12 : i32
      %add3A_412 = arith.addi %mul3A_322, %add3A_411 : i32
      %dma_start3A_413 = arith.constant 0 : i32
      %dma_start3A_414 = arith.constant 0 : i32
      %dma_start3A_415 = tpu.memref_slice %arg8[%add3A_412, %dma_start3A_413, %dma_start3A_414] : memref<32x8x129xf32, #tpu.memory_space<vmem>> -> memref<4x8x128xf32, #tpu.memory_space<vmem>>
      %dma_start3A_416 = arith.constant 0 : i32
      %dma_start3A_417 = arith.constant 0 : i32
      %dma_start3A_418 = arith.constant 0 : i32
      %dma_start3A_419 = tpu.memref_slice %arg5[%add3A_410, %dma_start3A_416, %add3A, %dma_start3A_417, %dma_start3A_418] : memref<200x4x32x8x128xf32, #tpu.memory_space<hbm>> -> memref<1x4x1x8x128xf32, #tpu.memory_space<hbm>>
      %dma_start3A_420 = tpu.memref_squeeze %dma_start3A_419 : memref<1x4x1x8x128xf32, #tpu.memory_space<hbm>> -> memref<4x8x128xf32, #tpu.memory_space<hbm>>
      %dma_start3A_421 = arith.constant 0 : i32
      %dma_start3A_422 = arith.constant 0 : i32
      %dma_start3A_423 = arith.constant 0 : i32
      %dma_start3A_424 = tpu.memref_slice %arg5[%add3A_410, %dma_start3A_421, %add3A, %dma_start3A_422, %dma_start3A_423] : memref<200x4x32x8x128xf32, #tpu.memory_space<hbm>> -> memref<1x4x1x8x128xf32, #tpu.memory_space<hbm>>
      %dma_start3A_425 = tpu.memref_squeeze %dma_start3A_424 : memref<1x4x1x8x128xf32, #tpu.memory_space<hbm>> -> memref<4x8x128xf32, #tpu.memory_space<hbm>>
      %dma_start3A_426 = arith.constant 0 : i32
      %dma_start3A_427 = arith.constant 0 : i32
      %dma_start3A_428 = tpu.memref_slice %arg8[%add3A_412, %dma_start3A_426, %dma_start3A_427] : memref<32x8x129xf32, #tpu.memory_space<vmem>> -> memref<4x8x128xf32, #tpu.memory_space<vmem>>
      tpu.enqueue_dma source(%dma_start3A_428 : memref<4x8x128xf32, #tpu.memory_space<vmem>>) target(%dma_start3A_425 : memref<4x8x128xf32, #tpu.memory_space<hbm>>) target_semaphore(%arg11 : memref<!tpu.dma_semaphore, #tpu.memory_space<semaphore_mem>>)
      %mul3A_429 = arith.constant 1024 : i32
      %mul3A_430 = arith.muli %rem3A_253, %mul3A_429 : i32
      %add3A_431 = arith.constant 512 : i32
      %add3A_432 = arith.addi %mul3A_430, %add3A_431 : i32
      %mul3A_433 = arith.constant 1024 : i32
      %mul3A_434 = arith.muli %rem3A_253, %mul3A_433 : i32
      %add3A_435 = arith.constant 512 : i32
      %add3A_436 = arith.addi %mul3A_434, %add3A_435 : i32
      %dma_wait3A_437 = arith.constant 0 : i32
      %dma_wait3A_438 = tpu.memref_slice %arg7[%add3A_436, %dma_wait3A_437] : memref<2048x32xf32, #tpu.memory_space<vmem>> -> memref<128x32xf32, #tpu.memory_space<vmem>>
      %dma_wait3A_439 = tpu.memref_slice %arg6[%add3A_432] : memref<2048xi32, #tpu.memory_space<vmem>> -> memref<128xi32, #tpu.memory_space<vmem>>
      %dma_wait3A_440 = arith.constant 0 : i32
      %dma_wait3A_441 = arith.constant 0 : i32
      %dma_wait3A_442 = tpu.memref_slice %arg3[%dma_wait3A_440, %dma_wait3A_441] : memref<1000000x32xf32, #tpu.memory_space<hbm>> -> memref<1000000x32xf32, #tpu.memory_space<hbm>>
      tpu.wait_indirect_dma semaphore(%arg10 : memref<!tpu.dma_semaphore, #tpu.memory_space<semaphore_mem>>) src(%dma_wait3A_442 : memref<1000000x32xf32, #tpu.memory_space<hbm>>) dst(%dma_wait3A_438 : memref<128x32xf32, #tpu.memory_space<vmem>>)
      %mul3A_443 = arith.constant 1024 : i32
      %mul3A_444 = arith.muli %rem3A_253, %mul3A_443 : i32
      %add3A_445 = arith.constant 640 : i32
      %add3A_446 = arith.addi %mul3A_444, %add3A_445 : i32
      %mul3A_447 = arith.constant 1024 : i32
      %mul3A_448 = arith.muli %rem3A_253, %mul3A_447 : i32
      %add3A_449 = arith.constant 640 : i32
      %add3A_450 = arith.addi %mul3A_448, %add3A_449 : i32
      %dma_wait3A_451 = arith.constant 0 : i32
      %dma_wait3A_452 = tpu.memref_slice %arg7[%add3A_450, %dma_wait3A_451] : memref<2048x32xf32, #tpu.memory_space<vmem>> -> memref<128x32xf32, #tpu.memory_space<vmem>>
      %dma_wait3A_453 = tpu.memref_slice %arg6[%add3A_446] : memref<2048xi32, #tpu.memory_space<vmem>> -> memref<128xi32, #tpu.memory_space<vmem>>
      %dma_wait3A_454 = arith.constant 0 : i32
      %dma_wait3A_455 = arith.constant 0 : i32
      %dma_wait3A_456 = tpu.memref_slice %arg3[%dma_wait3A_454, %dma_wait3A_455] : memref<1000000x32xf32, #tpu.memory_space<hbm>> -> memref<1000000x32xf32, #tpu.memory_space<hbm>>
      tpu.wait_indirect_dma semaphore(%arg10 : memref<!tpu.dma_semaphore, #tpu.memory_space<semaphore_mem>>) src(%dma_wait3A_456 : memref<1000000x32xf32, #tpu.memory_space<hbm>>) dst(%dma_wait3A_452 : memref<128x32xf32, #tpu.memory_space<vmem>>)
      %mul3A_457 = arith.constant 1024 : i32
      %mul3A_458 = arith.muli %rem3A_253, %mul3A_457 : i32
      %add3A_459 = arith.constant 768 : i32
      %add3A_460 = arith.addi %mul3A_458, %add3A_459 : i32
      %mul3A_461 = arith.constant 1024 : i32
      %mul3A_462 = arith.muli %rem3A_253, %mul3A_461 : i32
      %add3A_463 = arith.constant 768 : i32
      %add3A_464 = arith.addi %mul3A_462, %add3A_463 : i32
      %dma_wait3A_465 = arith.constant 0 : i32
      %dma_wait3A_466 = tpu.memref_slice %arg7[%add3A_464, %dma_wait3A_465] : memref<2048x32xf32, #tpu.memory_space<vmem>> -> memref<128x32xf32, #tpu.memory_space<vmem>>
      %dma_wait3A_467 = tpu.memref_slice %arg6[%add3A_460] : memref<2048xi32, #tpu.memory_space<vmem>> -> memref<128xi32, #tpu.memory_space<vmem>>
      %dma_wait3A_468 = arith.constant 0 : i32
      %dma_wait3A_469 = arith.constant 0 : i32
      %dma_wait3A_470 = tpu.memref_slice %arg3[%dma_wait3A_468, %dma_wait3A_469] : memref<1000000x32xf32, #tpu.memory_space<hbm>> -> memref<1000000x32xf32, #tpu.memory_space<hbm>>
      tpu.wait_indirect_dma semaphore(%arg10 : memref<!tpu.dma_semaphore, #tpu.memory_space<semaphore_mem>>) src(%dma_wait3A_470 : memref<1000000x32xf32, #tpu.memory_space<hbm>>) dst(%dma_wait3A_466 : memref<128x32xf32, #tpu.memory_space<vmem>>)
      %mul3A_471 = arith.constant 1024 : i32
      %mul3A_472 = arith.muli %rem3A_253, %mul3A_471 : i32
      %add3A_473 = arith.constant 896 : i32
      %add3A_474 = arith.addi %mul3A_472, %add3A_473 : i32
      %mul3A_475 = arith.constant 1024 : i32
      %mul3A_476 = arith.muli %rem3A_253, %mul3A_475 : i32
      %add3A_477 = arith.constant 896 : i32
      %add3A_478 = arith.addi %mul3A_476, %add3A_477 : i32
      %dma_wait3A_479 = arith.constant 0 : i32
      %dma_wait3A_480 = tpu.memref_slice %arg7[%add3A_478, %dma_wait3A_479] : memref<2048x32xf32, #tpu.memory_space<vmem>> -> memref<128x32xf32, #tpu.memory_space<vmem>>
      %dma_wait3A_481 = tpu.memref_slice %arg6[%add3A_474] : memref<2048xi32, #tpu.memory_space<vmem>> -> memref<128xi32, #tpu.memory_space<vmem>>
      %dma_wait3A_482 = arith.constant 0 : i32
      %dma_wait3A_483 = arith.constant 0 : i32
      %dma_wait3A_484 = tpu.memref_slice %arg3[%dma_wait3A_482, %dma_wait3A_483] : memref<1000000x32xf32, #tpu.memory_space<hbm>> -> memref<1000000x32xf32, #tpu.memory_space<hbm>>
      tpu.wait_indirect_dma semaphore(%arg10 : memref<!tpu.dma_semaphore, #tpu.memory_space<semaphore_mem>>) src(%dma_wait3A_484 : memref<1000000x32xf32, #tpu.memory_space<hbm>>) dst(%dma_wait3A_480 : memref<128x32xf32, #tpu.memory_space<vmem>>)
      %add3A_485 = arith.constant 2 : i32
      %add3A_486 = arith.addi %scan3A_252, %add3A_485 : i32
      %lt3A_487 = arith.constant 25 : i32
      %lt3A_488 = arith.cmpi slt, %add3A_486, %lt3A_487 : i32
      %convert_element_type3A_489 = arith.extui %lt3A_488 : i1 to i32
      %cond3A_490 = arith.constant 0 : i32
      %cond3A_491 = arith.cmpi ne, %convert_element_type3A_489, %cond3A_490 : i32
      scf.if %cond3A_491 {
        %add3A_607 = arith.constant 2 : i32
        %add3A_608 = arith.addi %scan3A_252, %add3A_607 : i32
        %mul3A_609 = arith.constant 32 : i32
        %mul3A_610 = arith.muli %add3A_608, %mul3A_609 : i32
        %add3A_611 = arith.addi %mul3A_610, %add3A : i32
        %mul3A_612 = arith.constant 1024 : i32
        %mul3A_613 = arith.muli %add3A_611, %mul3A_612 : i32
        %mul3A_614 = arith.constant 1024 : i32
        %mul3A_615 = arith.muli %rem3A_253, %mul3A_614 : i32
        %dma_start3A_616 = tpu.memref_slice %arg6[%mul3A_615] : memref<2048xi32, #tpu.memory_space<vmem>> -> memref<1024xi32, #tpu.memory_space<vmem>>
        %dma_start3A_617 = tpu.memref_slice %arg2[%mul3A_613] : memref<819200xi32, #tpu.memory_space<hbm>> -> memref<1024xi32, #tpu.memory_space<hbm>>
        %dma_start3A_618 = tpu.memref_slice %arg6[%mul3A_615] : memref<2048xi32, #tpu.memory_space<vmem>> -> memref<1024xi32, #tpu.memory_space<vmem>>
        %dma_start3A_619 = tpu.memref_slice %arg2[%mul3A_613] : memref<819200xi32, #tpu.memory_space<hbm>> -> memref<1024xi32, #tpu.memory_space<hbm>>
        tpu.enqueue_dma source(%dma_start3A_619 : memref<1024xi32, #tpu.memory_space<hbm>>) target(%dma_start3A_618 : memref<1024xi32, #tpu.memory_space<vmem>>) target_semaphore(%arg12 : memref<!tpu.dma_semaphore, #tpu.memory_space<semaphore_mem>>)
      } else {
      }
      %mul3A_492 = arith.constant 2 : i32
      %mul3A_493 = arith.muli %scan3A_252, %mul3A_492 : i32
      %add3A_494 = arith.constant 1 : i32
      %add3A_495 = arith.addi %mul3A_493, %add3A_494 : i32
      %rem3A_496 = arith.constant 2 : i32
      %rem3A_497 = arith.remsi %add3A_495, %rem3A_496 : i32
      %mul3A_498 = arith.constant 16 : i32
      %mul3A_499 = arith.muli %rem3A_497, %mul3A_498 : i32
      %ge3A_500 = arith.constant 2 : i32
      %ge3A_501 = arith.cmpi sge, %add3A_495, %ge3A_500 : i32
      %convert_element_type3A_502 = arith.extui %ge3A_501 : i1 to i32
      %cond3A_503 = arith.constant 0 : i32
      %cond3A_504 = arith.cmpi ne, %convert_element_type3A_502, %cond3A_503 : i32
      scf.if %cond3A_504 {
        %add3A_607 = arith.constant 0 : i32
        %add3A_608 = arith.addi %mul3A_499, %add3A_607 : i32
        %mul3A_609 = arith.constant 8 : i32
        %mul3A_610 = arith.muli %scan3A_252, %mul3A_609 : i32
        %add3A_611 = arith.constant 4 : i32
        %add3A_612 = arith.addi %mul3A_610, %add3A_611 : i32
        %add3A_613 = arith.constant 0 : i32
        %add3A_614 = arith.addi %add3A_612, %add3A_613 : i32
        %dma_wait3A_615 = arith.constant 0 : i32
        %dma_wait3A_616 = arith.constant 0 : i32
        %dma_wait3A_617 = tpu.memref_slice %arg8[%add3A_608, %dma_wait3A_615, %dma_wait3A_616] : memref<32x8x129xf32, #tpu.memory_space<vmem>> -> memref<4x8x128xf32, #tpu.memory_space<vmem>>
        %dma_wait3A_618 = arith.constant 0 : i32
        %dma_wait3A_619 = arith.constant 0 : i32
        %dma_wait3A_620 = arith.constant 0 : i32
        %dma_wait3A_621 = tpu.memref_slice %arg5[%add3A_614, %dma_wait3A_618, %add3A, %dma_wait3A_619, %dma_wait3A_620] : memref<200x4x32x8x128xf32, #tpu.memory_space<hbm>> -> memref<1x4x1x8x128xf32, #tpu.memory_space<hbm>>
        %dma_wait3A_622 = tpu.memref_squeeze %dma_wait3A_621 : memref<1x4x1x8x128xf32, #tpu.memory_space<hbm>> -> memref<4x8x128xf32, #tpu.memory_space<hbm>>
        %dma_wait3A_623 = arith.constant 0 : i32
        %dma_wait3A_624 = arith.constant 0 : i32
        %dma_wait3A_625 = arith.constant 0 : i32
        %dma_wait3A_626 = tpu.memref_slice %arg5[%add3A_614, %dma_wait3A_623, %add3A, %dma_wait3A_624, %dma_wait3A_625] : memref<200x4x32x8x128xf32, #tpu.memory_space<hbm>> -> memref<1x4x1x8x128xf32, #tpu.memory_space<hbm>>
        %dma_wait3A_627 = tpu.memref_squeeze %dma_wait3A_626 : memref<1x4x1x8x128xf32, #tpu.memory_space<hbm>> -> memref<4x8x128xf32, #tpu.memory_space<hbm>>
        %dma_wait3A_628 = arith.constant 0 : i32
        %dma_wait3A_629 = arith.constant 0 : i32
        %dma_wait3A_630 = tpu.memref_slice %arg8[%add3A_608, %dma_wait3A_628, %dma_wait3A_629] : memref<32x8x129xf32, #tpu.memory_space<vmem>> -> memref<4x8x128xf32, #tpu.memory_space<vmem>>
        tpu.wait_dma2 semaphore(%arg11 : memref<!tpu.dma_semaphore, #tpu.memory_space<semaphore_mem>>) src(%dma_wait3A_630 : memref<4x8x128xf32, #tpu.memory_space<vmem>>) dst(%dma_wait3A_627 : memref<4x8x128xf32, #tpu.memory_space<hbm>>)
        %add3A_631 = arith.constant 4 : i32
        %add3A_632 = arith.addi %mul3A_499, %add3A_631 : i32
        %mul3A_633 = arith.constant 8 : i32
        %mul3A_634 = arith.muli %scan3A_252, %mul3A_633 : i32
        %add3A_635 = arith.constant 4 : i32
        %add3A_636 = arith.addi %mul3A_634, %add3A_635 : i32
        %add3A_637 = arith.constant 1 : i32
        %add3A_638 = arith.addi %add3A_636, %add3A_637 : i32
        %dma_wait3A_639 = arith.constant 0 : i32
        %dma_wait3A_640 = arith.constant 0 : i32
        %dma_wait3A_641 = tpu.memref_slice %arg8[%add3A_632, %dma_wait3A_639, %dma_wait3A_640] : memref<32x8x129xf32, #tpu.memory_space<vmem>> -> memref<4x8x128xf32, #tpu.memory_space<vmem>>
        %dma_wait3A_642 = arith.constant 0 : i32
        %dma_wait3A_643 = arith.constant 0 : i32
        %dma_wait3A_644 = arith.constant 0 : i32
        %dma_wait3A_645 = tpu.memref_slice %arg5[%add3A_638, %dma_wait3A_642, %add3A, %dma_wait3A_643, %dma_wait3A_644] : memref<200x4x32x8x128xf32, #tpu.memory_space<hbm>> -> memref<1x4x1x8x128xf32, #tpu.memory_space<hbm>>
        %dma_wait3A_646 = tpu.memref_squeeze %dma_wait3A_645 : memref<1x4x1x8x128xf32, #tpu.memory_space<hbm>> -> memref<4x8x128xf32, #tpu.memory_space<hbm>>
        %dma_wait3A_647 = arith.constant 0 : i32
        %dma_wait3A_648 = arith.constant 0 : i32
        %dma_wait3A_649 = arith.constant 0 : i32
        %dma_wait3A_650 = tpu.memref_slice %arg5[%add3A_638, %dma_wait3A_647, %add3A, %dma_wait3A_648, %dma_wait3A_649] : memref<200x4x32x8x128xf32, #tpu.memory_space<hbm>> -> memref<1x4x1x8x128xf32, #tpu.memory_space<hbm>>
        %dma_wait3A_651 = tpu.memref_squeeze %dma_wait3A_650 : memref<1x4x1x8x128xf32, #tpu.memory_space<hbm>> -> memref<4x8x128xf32, #tpu.memory_space<hbm>>
        %dma_wait3A_652 = arith.constant 0 : i32
        %dma_wait3A_653 = arith.constant 0 : i32
        %dma_wait3A_654 = tpu.memref_slice %arg8[%add3A_632, %dma_wait3A_652, %dma_wait3A_653] : memref<32x8x129xf32, #tpu.memory_space<vmem>> -> memref<4x8x128xf32, #tpu.memory_space<vmem>>
        tpu.wait_dma2 semaphore(%arg11 : memref<!tpu.dma_semaphore, #tpu.memory_space<semaphore_mem>>) src(%dma_wait3A_654 : memref<4x8x128xf32, #tpu.memory_space<vmem>>) dst(%dma_wait3A_651 : memref<4x8x128xf32, #tpu.memory_space<hbm>>)
        %add3A_655 = arith.constant 8 : i32
        %add3A_656 = arith.addi %mul3A_499, %add3A_655 : i32
        %mul3A_657 = arith.constant 8 : i32
        %mul3A_658 = arith.muli %scan3A_252, %mul3A_657 : i32
        %add3A_659 = arith.constant 4 : i32
        %add3A_660 = arith.addi %mul3A_658, %add3A_659 : i32
        %add3A_661 = arith.constant 2 : i32
        %add3A_662 = arith.addi %add3A_660, %add3A_661 : i32
        %dma_wait3A_663 = arith.constant 0 : i32
        %dma_wait3A_664 = arith.constant 0 : i32
        %dma_wait3A_665 = tpu.memref_slice %arg8[%add3A_656, %dma_wait3A_663, %dma_wait3A_664] : memref<32x8x129xf32, #tpu.memory_space<vmem>> -> memref<4x8x128xf32, #tpu.memory_space<vmem>>
        %dma_wait3A_666 = arith.constant 0 : i32
        %dma_wait3A_667 = arith.constant 0 : i32
        %dma_wait3A_668 = arith.constant 0 : i32
        %dma_wait3A_669 = tpu.memref_slice %arg5[%add3A_662, %dma_wait3A_666, %add3A, %dma_wait3A_667, %dma_wait3A_668] : memref<200x4x32x8x128xf32, #tpu.memory_space<hbm>> -> memref<1x4x1x8x128xf32, #tpu.memory_space<hbm>>
        %dma_wait3A_670 = tpu.memref_squeeze %dma_wait3A_669 : memref<1x4x1x8x128xf32, #tpu.memory_space<hbm>> -> memref<4x8x128xf32, #tpu.memory_space<hbm>>
        %dma_wait3A_671 = arith.constant 0 : i32
        %dma_wait3A_672 = arith.constant 0 : i32
        %dma_wait3A_673 = arith.constant 0 : i32
        %dma_wait3A_674 = tpu.memref_slice %arg5[%add3A_662, %dma_wait3A_671, %add3A, %dma_wait3A_672, %dma_wait3A_673] : memref<200x4x32x8x128xf32, #tpu.memory_space<hbm>> -> memref<1x4x1x8x128xf32, #tpu.memory_space<hbm>>
        %dma_wait3A_675 = tpu.memref_squeeze %dma_wait3A_674 : memref<1x4x1x8x128xf32, #tpu.memory_space<hbm>> -> memref<4x8x128xf32, #tpu.memory_space<hbm>>
        %dma_wait3A_676 = arith.constant 0 : i32
        %dma_wait3A_677 = arith.constant 0 : i32
        %dma_wait3A_678 = tpu.memref_slice %arg8[%add3A_656, %dma_wait3A_676, %dma_wait3A_677] : memref<32x8x129xf32, #tpu.memory_space<vmem>> -> memref<4x8x128xf32, #tpu.memory_space<vmem>>
        tpu.wait_dma2 semaphore(%arg11 : memref<!tpu.dma_semaphore, #tpu.memory_space<semaphore_mem>>) src(%dma_wait3A_678 : memref<4x8x128xf32, #tpu.memory_space<vmem>>) dst(%dma_wait3A_675 : memref<4x8x128xf32, #tpu.memory_space<hbm>>)
        %add3A_679 = arith.constant 12 : i32
        %add3A_680 = arith.addi %mul3A_499, %add3A_679 : i32
        %mul3A_681 = arith.constant 8 : i32
        %mul3A_682 = arith.muli %scan3A_252, %mul3A_681 : i32
        %add3A_683 = arith.constant 4 : i32
        %add3A_684 = arith.addi %mul3A_682, %add3A_683 : i32
        %add3A_685 = arith.constant 3 : i32
        %add3A_686 = arith.addi %add3A_684, %add3A_685 : i32
        %dma_wait3A_687 = arith.constant 0 : i32
        %dma_wait3A_688 = arith.constant 0 : i32
        %dma_wait3A_689 = tpu.memref_slice %arg8[%add3A_680, %dma_wait3A_687, %dma_wait3A_688] : memref<32x8x129xf32, #tpu.memory_space<vmem>> -> memref<4x8x128xf32, #tpu.memory_space<vmem>>
        %dma_wait3A_690 = arith.constant 0 : i32
        %dma_wait3A_691 = arith.constant 0 : i32
        %dma_wait3A_692 = arith.constant 0 : i32
        %dma_wait3A_693 = tpu.memref_slice %arg5[%add3A_686, %dma_wait3A_690, %add3A, %dma_wait3A_691, %dma_wait3A_692] : memref<200x4x32x8x128xf32, #tpu.memory_space<hbm>> -> memref<1x4x1x8x128xf32, #tpu.memory_space<hbm>>
        %dma_wait3A_694 = tpu.memref_squeeze %dma_wait3A_693 : memref<1x4x1x8x128xf32, #tpu.memory_space<hbm>> -> memref<4x8x128xf32, #tpu.memory_space<hbm>>
        %dma_wait3A_695 = arith.constant 0 : i32
        %dma_wait3A_696 = arith.constant 0 : i32
        %dma_wait3A_697 = arith.constant 0 : i32
        %dma_wait3A_698 = tpu.memref_slice %arg5[%add3A_686, %dma_wait3A_695, %add3A, %dma_wait3A_696, %dma_wait3A_697] : memref<200x4x32x8x128xf32, #tpu.memory_space<hbm>> -> memref<1x4x1x8x128xf32, #tpu.memory_space<hbm>>
        %dma_wait3A_699 = tpu.memref_squeeze %dma_wait3A_698 : memref<1x4x1x8x128xf32, #tpu.memory_space<hbm>> -> memref<4x8x128xf32, #tpu.memory_space<hbm>>
        %dma_wait3A_700 = arith.constant 0 : i32
        %dma_wait3A_701 = arith.constant 0 : i32
        %dma_wait3A_702 = tpu.memref_slice %arg8[%add3A_680, %dma_wait3A_700, %dma_wait3A_701] : memref<32x8x129xf32, #tpu.memory_space<vmem>> -> memref<4x8x128xf32, #tpu.memory_space<vmem>>
        tpu.wait_dma2 semaphore(%arg11 : memref<!tpu.dma_semaphore, #tpu.memory_space<semaphore_mem>>) src(%dma_wait3A_702 : memref<4x8x128xf32, #tpu.memory_space<vmem>>) dst(%dma_wait3A_699 : memref<4x8x128xf32, #tpu.memory_space<hbm>>)
      } else {
      }
      %scan3A_505 = arith.constant 0 : i32
      %scan3A_506 = arith.constant 0 : i32
      %scan3A_507 = arith.constant 4 : i32
      %scan3A_508 = arith.addi %scan3A_506, %scan3A_507 : i32
      %scan3A_509 = arith.constant 1 : i32
      scf.for %scan3A_607 = %scan3A_506 to %scan3A_508 step %scan3A_509  : i32 {
        %mul3A_608 = arith.constant 8 : i32
        %mul3A_609 = arith.muli %scan3A_252, %mul3A_608 : i32
        %add3A_610 = arith.constant 4 : i32
        %add3A_611 = arith.addi %mul3A_609, %add3A_610 : i32
        %add3A_612 = arith.addi %add3A_611, %scan3A_607 : i32
        %mul3A_613 = arith.constant 1024 : i32
        %mul3A_614 = arith.muli %rem3A_253, %mul3A_613 : i32
        %add3A_615 = arith.constant 4 : i32
        %add3A_616 = arith.addi %add3A_615, %scan3A_607 : i32
        %mul3A_617 = arith.constant 128 : i32
        %mul3A_618 = arith.muli %add3A_616, %mul3A_617 : i32
        %add3A_619 = arith.addi %mul3A_614, %mul3A_618 : i32
        %get3A = arith.index_cast %add3A_612 : i32 to index
        %get3A_620 = arith.constant 0 : index
        %get3A_621 = tpu.vector_load %arg9[%get3A, %get3A_620] {strides = array<i32>} : memref<200x32xf32, #tpu.memory_space<vmem>>, vector<16xf32>,
        %get3A_622 = arith.index_cast %add3A_612 : i32 to index
        %get3A_623 = arith.constant 16 : index
        %get3A_624 = tpu.vector_load %arg9[%get3A_622, %get3A_623] {strides = array<i32>} : memref<200x32xf32, #tpu.memory_space<vmem>>, vector<16xf32>,
        %mul3A_625 = arith.constant 4 : i32
        %mul3A_626 = arith.muli %scan3A_607, %mul3A_625 : i32
        %add3A_627 = vector.broadcast %mul3A_626 : i32 to vector<16xi32>
        %add3A_628 = arith.addi %shift_right_arithmetic3A_2, %add3A_627 : vector<16xi32>
        %add3A_629 = vector.broadcast %mul3A_499 : i32 to vector<16xi32>
        %add3A_630 = arith.addi %add3A_628, %add3A_629 : vector<16xi32>
        %add3A_631 = arith.constant 2 : i32
        %add3A_632 = vector.broadcast %add3A_631 : i32 to vector<16xi32>
        %add3A_633 = arith.addi %add3A_630, %add3A_632 : vector<16xi32>
        %parallel_loop3A = arith.constant 0 : i32
        %parallel_loop3A_634 = arith.constant 128 : i32
        %parallel_loop3A_635 = arith.constant 1 : i32
        scf.for %parallel_loop3A_636 = %parallel_loop3A to %parallel_loop3A_634 step %parallel_loop3A_635  : i32 {
          %parallel_loop3A_637 = vector.broadcast %parallel_loop3A_636 : i32 to vector<16xi32>
          %parallel_loop3A_638 = arith.addi %add3A_619, %parallel_loop3A_636 : i32
          %parallel_loop3A_639 = arith.index_cast %parallel_loop3A_638 : i32 to index
          %parallel_loop3A_640 = arith.constant 0 : index
          %parallel_loop3A_641 = tpu.vector_load %arg7[%parallel_loop3A_639, %parallel_loop3A_640] {strides = array<i32>} : memref<2048x32xf32, #tpu.memory_space<vmem>>, vector<16xf32>,
          %parallel_loop3A_642 = arith.addf %parallel_loop3A_641, %get3A_621 : vector<16xf32>
          tpu.vector_store_idx %arg8[%add3A_630, %and3A_4, %parallel_loop3A_637], %parallel_loop3A_642 : memref<32x8x129xf32, #tpu.memory_space<vmem>>[vector<16xi32>, vector<16xi32>, vector<16xi32>], vector<16xf32>,
          %parallel_loop3A_643 = arith.addi %add3A_619, %parallel_loop3A_636 : i32
          %parallel_loop3A_644 = arith.index_cast %parallel_loop3A_643 : i32 to index
          %parallel_loop3A_645 = arith.constant 16 : index
          %parallel_loop3A_646 = tpu.vector_load %arg7[%parallel_loop3A_644, %parallel_loop3A_645] {strides = array<i32>} : memref<2048x32xf32, #tpu.memory_space<vmem>>, vector<16xf32>,
          %parallel_loop3A_647 = arith.addf %parallel_loop3A_646, %get3A_624 : vector<16xf32>
          tpu.vector_store_idx %arg8[%add3A_633, %and3A_4, %parallel_loop3A_637], %parallel_loop3A_647 : memref<32x8x129xf32, #tpu.memory_space<vmem>>[vector<16xi32>, vector<16xi32>, vector<16xi32>], vector<16xf32>,
        } {sc.loop_unroll_factor = 8 : i64, sc.parallel_access}
      }
      %scan3A_510 = arith.constant 4 : i32
      %mul3A_511 = arith.constant 8 : i32
      %mul3A_512 = arith.muli %scan3A_252, %mul3A_511 : i32
      %add3A_513 = arith.constant 4 : i32
      %add3A_514 = arith.addi %mul3A_512, %add3A_513 : i32
      %add3A_515 = arith.constant 0 : i32
      %add3A_516 = arith.addi %add3A_514, %add3A_515 : i32
      %add3A_517 = arith.constant 0 : i32
      %add3A_518 = arith.addi %mul3A_499, %add3A_517 : i32
      %dma_start3A_519 = arith.constant 0 : i32
      %dma_start3A_520 = arith.constant 0 : i32
      %dma_start3A_521 = tpu.memref_slice %arg8[%add3A_518, %dma_start3A_519, %dma_start3A_520] : memref<32x8x129xf32, #tpu.memory_space<vmem>> -> memref<4x8x128xf32, #tpu.memory_space<vmem>>
      %dma_start3A_522 = arith.constant 0 : i32
      %dma_start3A_523 = arith.constant 0 : i32
      %dma_start3A_524 = arith.constant 0 : i32
      %dma_start3A_525 = tpu.memref_slice %arg5[%add3A_516, %dma_start3A_522, %add3A, %dma_start3A_523, %dma_start3A_524] : memref<200x4x32x8x128xf32, #tpu.memory_space<hbm>> -> memref<1x4x1x8x128xf32, #tpu.memory_space<hbm>>
      %dma_start3A_526 = tpu.memref_squeeze %dma_start3A_525 : memref<1x4x1x8x128xf32, #tpu.memory_space<hbm>> -> memref<4x8x128xf32, #tpu.memory_space<hbm>>
      %dma_start3A_527 = arith.constant 0 : i32
      %dma_start3A_528 = arith.constant 0 : i32
      %dma_start3A_529 = arith.constant 0 : i32
      %dma_start3A_530 = tpu.memref_slice %arg5[%add3A_516, %dma_start3A_527, %add3A, %dma_start3A_528, %dma_start3A_529] : memref<200x4x32x8x128xf32, #tpu.memory_space<hbm>> -> memref<1x4x1x8x128xf32, #tpu.memory_space<hbm>>
      %dma_start3A_531 = tpu.memref_squeeze %dma_start3A_530 : memref<1x4x1x8x128xf32, #tpu.memory_space<hbm>> -> memref<4x8x128xf32, #tpu.memory_space<hbm>>
      %dma_start3A_532 = arith.constant 0 : i32
      %dma_start3A_533 = arith.constant 0 : i32
      %dma_start3A_534 = tpu.memref_slice %arg8[%add3A_518, %dma_start3A_532, %dma_start3A_533] : memref<32x8x129xf32, #tpu.memory_space<vmem>> -> memref<4x8x128xf32, #tpu.memory_space<vmem>>
      tpu.enqueue_dma source(%dma_start3A_534 : memref<4x8x128xf32, #tpu.memory_space<vmem>>) target(%dma_start3A_531 : memref<4x8x128xf32, #tpu.memory_space<hbm>>) target_semaphore(%arg11 : memref<!tpu.dma_semaphore, #tpu.memory_space<semaphore_mem>>)
      %mul3A_535 = arith.constant 8 : i32
      %mul3A_536 = arith.muli %scan3A_252, %mul3A_535 : i32
      %add3A_537 = arith.constant 4 : i32
      %add3A_538 = arith.addi %mul3A_536, %add3A_537 : i32
      %add3A_539 = arith.constant 1 : i32
      %add3A_540 = arith.addi %add3A_538, %add3A_539 : i32
      %add3A_541 = arith.constant 4 : i32
      %add3A_542 = arith.addi %mul3A_499, %add3A_541 : i32
      %dma_start3A_543 = arith.constant 0 : i32
      %dma_start3A_544 = arith.constant 0 : i32
      %dma_start3A_545 = tpu.memref_slice %arg8[%add3A_542, %dma_start3A_543, %dma_start3A_544] : memref<32x8x129xf32, #tpu.memory_space<vmem>> -> memref<4x8x128xf32, #tpu.memory_space<vmem>>
      %dma_start3A_546 = arith.constant 0 : i32
      %dma_start3A_547 = arith.constant 0 : i32
      %dma_start3A_548 = arith.constant 0 : i32
      %dma_start3A_549 = tpu.memref_slice %arg5[%add3A_540, %dma_start3A_546, %add3A, %dma_start3A_547, %dma_start3A_548] : memref<200x4x32x8x128xf32, #tpu.memory_space<hbm>> -> memref<1x4x1x8x128xf32, #tpu.memory_space<hbm>>
      %dma_start3A_550 = tpu.memref_squeeze %dma_start3A_549 : memref<1x4x1x8x128xf32, #tpu.memory_space<hbm>> -> memref<4x8x128xf32, #tpu.memory_space<hbm>>
      %dma_start3A_551 = arith.constant 0 : i32
      %dma_start3A_552 = arith.constant 0 : i32
      %dma_start3A_553 = arith.constant 0 : i32
      %dma_start3A_554 = tpu.memref_slice %arg5[%add3A_540, %dma_start3A_551, %add3A, %dma_start3A_552, %dma_start3A_553] : memref<200x4x32x8x128xf32, #tpu.memory_space<hbm>> -> memref<1x4x1x8x128xf32, #tpu.memory_space<hbm>>
      %dma_start3A_555 = tpu.memref_squeeze %dma_start3A_554 : memref<1x4x1x8x128xf32, #tpu.memory_space<hbm>> -> memref<4x8x128xf32, #tpu.memory_space<hbm>>
      %dma_start3A_556 = arith.constant 0 : i32
      %dma_start3A_557 = arith.constant 0 : i32
      %dma_start3A_558 = tpu.memref_slice %arg8[%add3A_542, %dma_start3A_556, %dma_start3A_557] : memref<32x8x129xf32, #tpu.memory_space<vmem>> -> memref<4x8x128xf32, #tpu.memory_space<vmem>>
      tpu.enqueue_dma source(%dma_start3A_558 : memref<4x8x128xf32, #tpu.memory_space<vmem>>) target(%dma_start3A_555 : memref<4x8x128xf32, #tpu.memory_space<hbm>>) target_semaphore(%arg11 : memref<!tpu.dma_semaphore, #tpu.memory_space<semaphore_mem>>)
      %mul3A_559 = arith.constant 8 : i32
      %mul3A_560 = arith.muli %scan3A_252, %mul3A_559 : i32
      %add3A_561 = arith.constant 4 : i32
      %add3A_562 = arith.addi %mul3A_560, %add3A_561 : i32
      %add3A_563 = arith.constant 2 : i32
      %add3A_564 = arith.addi %add3A_562, %add3A_563 : i32
      %add3A_565 = arith.constant 8 : i32
      %add3A_566 = arith.addi %mul3A_499, %add3A_565 : i32
      %dma_start3A_567 = arith.constant 0 : i32
      %dma_start3A_568 = arith.constant 0 : i32
      %dma_start3A_569 = tpu.memref_slice %arg8[%add3A_566, %dma_start3A_567, %dma_start3A_568] : memref<32x8x129xf32, #tpu.memory_space<vmem>> -> memref<4x8x128xf32, #tpu.memory_space<vmem>>
      %dma_start3A_570 = arith.constant 0 : i32
      %dma_start3A_571 = arith.constant 0 : i32
      %dma_start3A_572 = arith.constant 0 : i32
      %dma_start3A_573 = tpu.memref_slice %arg5[%add3A_564, %dma_start3A_570, %add3A, %dma_start3A_571, %dma_start3A_572] : memref<200x4x32x8x128xf32, #tpu.memory_space<hbm>> -> memref<1x4x1x8x128xf32, #tpu.memory_space<hbm>>
      %dma_start3A_574 = tpu.memref_squeeze %dma_start3A_573 : memref<1x4x1x8x128xf32, #tpu.memory_space<hbm>> -> memref<4x8x128xf32, #tpu.memory_space<hbm>>
      %dma_start3A_575 = arith.constant 0 : i32
      %dma_start3A_576 = arith.constant 0 : i32
      %dma_start3A_577 = arith.constant 0 : i32
      %dma_start3A_578 = tpu.memref_slice %arg5[%add3A_564, %dma_start3A_575, %add3A, %dma_start3A_576, %dma_start3A_577] : memref<200x4x32x8x128xf32, #tpu.memory_space<hbm>> -> memref<1x4x1x8x128xf32, #tpu.memory_space<hbm>>
      %dma_start3A_579 = tpu.memref_squeeze %dma_start3A_578 : memref<1x4x1x8x128xf32, #tpu.memory_space<hbm>> -> memref<4x8x128xf32, #tpu.memory_space<hbm>>
      %dma_start3A_580 = arith.constant 0 : i32
      %dma_start3A_581 = arith.constant 0 : i32
      %dma_start3A_582 = tpu.memref_slice %arg8[%add3A_566, %dma_start3A_580, %dma_start3A_581] : memref<32x8x129xf32, #tpu.memory_space<vmem>> -> memref<4x8x128xf32, #tpu.memory_space<vmem>>
      tpu.enqueue_dma source(%dma_start3A_582 : memref<4x8x128xf32, #tpu.memory_space<vmem>>) target(%dma_start3A_579 : memref<4x8x128xf32, #tpu.memory_space<hbm>>) target_semaphore(%arg11 : memref<!tpu.dma_semaphore, #tpu.memory_space<semaphore_mem>>)
      %mul3A_583 = arith.constant 8 : i32
      %mul3A_584 = arith.muli %scan3A_252, %mul3A_583 : i32
      %add3A_585 = arith.constant 4 : i32
      %add3A_586 = arith.addi %mul3A_584, %add3A_585 : i32
      %add3A_587 = arith.constant 3 : i32
      %add3A_588 = arith.addi %add3A_586, %add3A_587 : i32
      %add3A_589 = arith.constant 12 : i32
      %add3A_590 = arith.addi %mul3A_499, %add3A_589 : i32
      %dma_start3A_591 = arith.constant 0 : i32
      %dma_start3A_592 = arith.constant 0 : i32
      %dma_start3A_593 = tpu.memref_slice %arg8[%add3A_590, %dma_start3A_591, %dma_start3A_592] : memref<32x8x129xf32, #tpu.memory_space<vmem>> -> memref<4x8x128xf32, #tpu.memory_space<vmem>>
      %dma_start3A_594 = arith.constant 0 : i32
      %dma_start3A_595 = arith.constant 0 : i32
      %dma_start3A_596 = arith.constant 0 : i32
      %dma_start3A_597 = tpu.memref_slice %arg5[%add3A_588, %dma_start3A_594, %add3A, %dma_start3A_595, %dma_start3A_596] : memref<200x4x32x8x128xf32, #tpu.memory_space<hbm>> -> memref<1x4x1x8x128xf32, #tpu.memory_space<hbm>>
      %dma_start3A_598 = tpu.memref_squeeze %dma_start3A_597 : memref<1x4x1x8x128xf32, #tpu.memory_space<hbm>> -> memref<4x8x128xf32, #tpu.memory_space<hbm>>
      %dma_start3A_599 = arith.constant 0 : i32
      %dma_start3A_600 = arith.constant 0 : i32
      %dma_start3A_601 = arith.constant 0 : i32
      %dma_start3A_602 = tpu.memref_slice %arg5[%add3A_588, %dma_start3A_599, %add3A, %dma_start3A_600, %dma_start3A_601] : memref<200x4x32x8x128xf32, #tpu.memory_space<hbm>> -> memref<1x4x1x8x128xf32, #tpu.memory_space<hbm>>
      %dma_start3A_603 = tpu.memref_squeeze %dma_start3A_602 : memref<1x4x1x8x128xf32, #tpu.memory_space<hbm>> -> memref<4x8x128xf32, #tpu.memory_space<hbm>>
      %dma_start3A_604 = arith.constant 0 : i32
      %dma_start3A_605 = arith.constant 0 : i32
      %dma_start3A_606 = tpu.memref_slice %arg8[%add3A_590, %dma_start3A_604, %dma_start3A_605] : memref<32x8x129xf32, #tpu.memory_space<vmem>> -> memref<4x8x128xf32, #tpu.memory_space<vmem>>
      tpu.enqueue_dma source(%dma_start3A_606 : memref<4x8x128xf32, #tpu.memory_space<vmem>>) target(%dma_start3A_603 : memref<4x8x128xf32, #tpu.memory_space<hbm>>) target_semaphore(%arg11 : memref<!tpu.dma_semaphore, #tpu.memory_space<semaphore_mem>>)
    }
    %scan3A_99 = arith.constant 25 : i32
    %dma_wait3A_100 = arith.constant 192 : i32
    %dma_wait3A_101 = arith.constant 0 : i32
    %dma_wait3A_102 = arith.constant 0 : i32
    %dma_wait3A_103 = arith.constant 0 : i32
    %dma_wait3A_104 = tpu.memref_slice %arg8[%dma_wait3A_101, %dma_wait3A_102, %dma_wait3A_103] : memref<32x8x129xf32, #tpu.memory_space<vmem>> -> memref<4x8x128xf32, #tpu.memory_space<vmem>>
    %dma_wait3A_105 = arith.constant 0 : i32
    %dma_wait3A_106 = arith.constant 0 : i32
    %dma_wait3A_107 = arith.constant 0 : i32
    %dma_wait3A_108 = tpu.memref_slice %arg5[%dma_wait3A_100, %dma_wait3A_105, %add3A, %dma_wait3A_106, %dma_wait3A_107] : memref<200x4x32x8x128xf32, #tpu.memory_space<hbm>> -> memref<1x4x1x8x128xf32, #tpu.memory_space<hbm>>
    %dma_wait3A_109 = tpu.memref_squeeze %dma_wait3A_108 : memref<1x4x1x8x128xf32, #tpu.memory_space<hbm>> -> memref<4x8x128xf32, #tpu.memory_space<hbm>>
    %dma_wait3A_110 = arith.constant 0 : i32
    %dma_wait3A_111 = arith.constant 0 : i32
    %dma_wait3A_112 = arith.constant 0 : i32
    %dma_wait3A_113 = tpu.memref_slice %arg5[%dma_wait3A_100, %dma_wait3A_110, %add3A, %dma_wait3A_111, %dma_wait3A_112] : memref<200x4x32x8x128xf32, #tpu.memory_space<hbm>> -> memref<1x4x1x8x128xf32, #tpu.memory_space<hbm>>
    %dma_wait3A_114 = tpu.memref_squeeze %dma_wait3A_113 : memref<1x4x1x8x128xf32, #tpu.memory_space<hbm>> -> memref<4x8x128xf32, #tpu.memory_space<hbm>>
    %dma_wait3A_115 = arith.constant 0 : i32
    %dma_wait3A_116 = arith.constant 0 : i32
    %dma_wait3A_117 = arith.constant 0 : i32
    %dma_wait3A_118 = tpu.memref_slice %arg8[%dma_wait3A_115, %dma_wait3A_116, %dma_wait3A_117] : memref<32x8x129xf32, #tpu.memory_space<vmem>> -> memref<4x8x128xf32, #tpu.memory_space<vmem>>
    tpu.wait_dma2 semaphore(%arg11 : memref<!tpu.dma_semaphore, #tpu.memory_space<semaphore_mem>>) src(%dma_wait3A_118 : memref<4x8x128xf32, #tpu.memory_space<vmem>>) dst(%dma_wait3A_114 : memref<4x8x128xf32, #tpu.memory_space<hbm>>)
    %dma_wait3A_119 = arith.constant 193 : i32
    %dma_wait3A_120 = arith.constant 4 : i32
    %dma_wait3A_121 = arith.constant 0 : i32
    %dma_wait3A_122 = arith.constant 0 : i32
    %dma_wait3A_123 = tpu.memref_slice %arg8[%dma_wait3A_120, %dma_wait3A_121, %dma_wait3A_122] : memref<32x8x129xf32, #tpu.memory_space<vmem>> -> memref<4x8x128xf32, #tpu.memory_space<vmem>>
    %dma_wait3A_124 = arith.constant 0 : i32
    %dma_wait3A_125 = arith.constant 0 : i32
    %dma_wait3A_126 = arith.constant 0 : i32
    %dma_wait3A_127 = tpu.memref_slice %arg5[%dma_wait3A_119, %dma_wait3A_124, %add3A, %dma_wait3A_125, %dma_wait3A_126] : memref<200x4x32x8x128xf32, #tpu.memory_space<hbm>> -> memref<1x4x1x8x128xf32, #tpu.memory_space<hbm>>
    %dma_wait3A_128 = tpu.memref_squeeze %dma_wait3A_127 : memref<1x4x1x8x128xf32, #tpu.memory_space<hbm>> -> memref<4x8x128xf32, #tpu.memory_space<hbm>>
    %dma_wait3A_129 = arith.constant 0 : i32
    %dma_wait3A_130 = arith.constant 0 : i32
    %dma_wait3A_131 = arith.constant 0 : i32
    %dma_wait3A_132 = tpu.memref_slice %arg5[%dma_wait3A_119, %dma_wait3A_129, %add3A, %dma_wait3A_130, %dma_wait3A_131] : memref<200x4x32x8x128xf32, #tpu.memory_space<hbm>> -> memref<1x4x1x8x128xf32, #tpu.memory_space<hbm>>
    %dma_wait3A_133 = tpu.memref_squeeze %dma_wait3A_132 : memref<1x4x1x8x128xf32, #tpu.memory_space<hbm>> -> memref<4x8x128xf32, #tpu.memory_space<hbm>>
    %dma_wait3A_134 = arith.constant 4 : i32
    %dma_wait3A_135 = arith.constant 0 : i32
    %dma_wait3A_136 = arith.constant 0 : i32
    %dma_wait3A_137 = tpu.memref_slice %arg8[%dma_wait3A_134, %dma_wait3A_135, %dma_wait3A_136] : memref<32x8x129xf32, #tpu.memory_space<vmem>> -> memref<4x8x128xf32, #tpu.memory_space<vmem>>
    tpu.wait_dma2 semaphore(%arg11 : memref<!tpu.dma_semaphore, #tpu.memory_space<semaphore_mem>>) src(%dma_wait3A_137 : memref<4x8x128xf32, #tpu.memory_space<vmem>>) dst(%dma_wait3A_133 : memref<4x8x128xf32, #tpu.memory_space<hbm>>)
    %dma_wait3A_138 = arith.constant 194 : i32
    %dma_wait3A_139 = arith.constant 8 : i32
    %dma_wait3A_140 = arith.constant 0 : i32
    %dma_wait3A_141 = arith.constant 0 : i32
    %dma_wait3A_142 = tpu.memref_slice %arg8[%dma_wait3A_139, %dma_wait3A_140, %dma_wait3A_141] : memref<32x8x129xf32, #tpu.memory_space<vmem>> -> memref<4x8x128xf32, #tpu.memory_space<vmem>>
    %dma_wait3A_143 = arith.constant 0 : i32
    %dma_wait3A_144 = arith.constant 0 : i32
    %dma_wait3A_145 = arith.constant 0 : i32
    %dma_wait3A_146 = tpu.memref_slice %arg5[%dma_wait3A_138, %dma_wait3A_143, %add3A, %dma_wait3A_144, %dma_wait3A_145] : memref<200x4x32x8x128xf32, #tpu.memory_space<hbm>> -> memref<1x4x1x8x128xf32, #tpu.memory_space<hbm>>
    %dma_wait3A_147 = tpu.memref_squeeze %dma_wait3A_146 : memref<1x4x1x8x128xf32, #tpu.memory_space<hbm>> -> memref<4x8x128xf32, #tpu.memory_space<hbm>>
    %dma_wait3A_148 = arith.constant 0 : i32
    %dma_wait3A_149 = arith.constant 0 : i32
    %dma_wait3A_150 = arith.constant 0 : i32
    %dma_wait3A_151 = tpu.memref_slice %arg5[%dma_wait3A_138, %dma_wait3A_148, %add3A, %dma_wait3A_149, %dma_wait3A_150] : memref<200x4x32x8x128xf32, #tpu.memory_space<hbm>> -> memref<1x4x1x8x128xf32, #tpu.memory_space<hbm>>
    %dma_wait3A_152 = tpu.memref_squeeze %dma_wait3A_151 : memref<1x4x1x8x128xf32, #tpu.memory_space<hbm>> -> memref<4x8x128xf32, #tpu.memory_space<hbm>>
    %dma_wait3A_153 = arith.constant 8 : i32
    %dma_wait3A_154 = arith.constant 0 : i32
    %dma_wait3A_155 = arith.constant 0 : i32
    %dma_wait3A_156 = tpu.memref_slice %arg8[%dma_wait3A_153, %dma_wait3A_154, %dma_wait3A_155] : memref<32x8x129xf32, #tpu.memory_space<vmem>> -> memref<4x8x128xf32, #tpu.memory_space<vmem>>
    tpu.wait_dma2 semaphore(%arg11 : memref<!tpu.dma_semaphore, #tpu.memory_space<semaphore_mem>>) src(%dma_wait3A_156 : memref<4x8x128xf32, #tpu.memory_space<vmem>>) dst(%dma_wait3A_152 : memref<4x8x128xf32, #tpu.memory_space<hbm>>)
    %dma_wait3A_157 = arith.constant 195 : i32
    %dma_wait3A_158 = arith.constant 12 : i32
    %dma_wait3A_159 = arith.constant 0 : i32
    %dma_wait3A_160 = arith.constant 0 : i32
    %dma_wait3A_161 = tpu.memref_slice %arg8[%dma_wait3A_158, %dma_wait3A_159, %dma_wait3A_160] : memref<32x8x129xf32, #tpu.memory_space<vmem>> -> memref<4x8x128xf32, #tpu.memory_space<vmem>>
    %dma_wait3A_162 = arith.constant 0 : i32
    %dma_wait3A_163 = arith.constant 0 : i32
    %dma_wait3A_164 = arith.constant 0 : i32
    %dma_wait3A_165 = tpu.memref_slice %arg5[%dma_wait3A_157, %dma_wait3A_162, %add3A, %dma_wait3A_163, %dma_wait3A_164] : memref<200x4x32x8x128xf32, #tpu.memory_space<hbm>> -> memref<1x4x1x8x128xf32, #tpu.memory_space<hbm>>
    %dma_wait3A_166 = tpu.memref_squeeze %dma_wait3A_165 : memref<1x4x1x8x128xf32, #tpu.memory_space<hbm>> -> memref<4x8x128xf32, #tpu.memory_space<hbm>>
    %dma_wait3A_167 = arith.constant 0 : i32
    %dma_wait3A_168 = arith.constant 0 : i32
    %dma_wait3A_169 = arith.constant 0 : i32
    %dma_wait3A_170 = tpu.memref_slice %arg5[%dma_wait3A_157, %dma_wait3A_167, %add3A, %dma_wait3A_168, %dma_wait3A_169] : memref<200x4x32x8x128xf32, #tpu.memory_space<hbm>> -> memref<1x4x1x8x128xf32, #tpu.memory_space<hbm>>
    %dma_wait3A_171 = tpu.memref_squeeze %dma_wait3A_170 : memref<1x4x1x8x128xf32, #tpu.memory_space<hbm>> -> memref<4x8x128xf32, #tpu.memory_space<hbm>>
    %dma_wait3A_172 = arith.constant 12 : i32
    %dma_wait3A_173 = arith.constant 0 : i32
    %dma_wait3A_174 = arith.constant 0 : i32
    %dma_wait3A_175 = tpu.memref_slice %arg8[%dma_wait3A_172, %dma_wait3A_173, %dma_wait3A_174] : memref<32x8x129xf32, #tpu.memory_space<vmem>> -> memref<4x8x128xf32, #tpu.memory_space<vmem>>
    tpu.wait_dma2 semaphore(%arg11 : memref<!tpu.dma_semaphore, #tpu.memory_space<semaphore_mem>>) src(%dma_wait3A_175 : memref<4x8x128xf32, #tpu.memory_space<vmem>>) dst(%dma_wait3A_171 : memref<4x8x128xf32, #tpu.memory_space<hbm>>)
    %dma_wait3A_176 = arith.constant 196 : i32
    %dma_wait3A_177 = arith.constant 16 : i32
    %dma_wait3A_178 = arith.constant 0 : i32
    %dma_wait3A_179 = arith.constant 0 : i32
    %dma_wait3A_180 = tpu.memref_slice %arg8[%dma_wait3A_177, %dma_wait3A_178, %dma_wait3A_179] : memref<32x8x129xf32, #tpu.memory_space<vmem>> -> memref<4x8x128xf32, #tpu.memory_space<vmem>>
    %dma_wait3A_181 = arith.constant 0 : i32
    %dma_wait3A_182 = arith.constant 0 : i32
    %dma_wait3A_183 = arith.constant 0 : i32
    %dma_wait3A_184 = tpu.memref_slice %arg5[%dma_wait3A_176, %dma_wait3A_181, %add3A, %dma_wait3A_182, %dma_wait3A_183] : memref<200x4x32x8x128xf32, #tpu.memory_space<hbm>> -> memref<1x4x1x8x128xf32, #tpu.memory_space<hbm>>
    %dma_wait3A_185 = tpu.memref_squeeze %dma_wait3A_184 : memref<1x4x1x8x128xf32, #tpu.memory_space<hbm>> -> memref<4x8x128xf32, #tpu.memory_space<hbm>>
    %dma_wait3A_186 = arith.constant 0 : i32
    %dma_wait3A_187 = arith.constant 0 : i32
    %dma_wait3A_188 = arith.constant 0 : i32
    %dma_wait3A_189 = tpu.memref_slice %arg5[%dma_wait3A_176, %dma_wait3A_186, %add3A, %dma_wait3A_187, %dma_wait3A_188] : memref<200x4x32x8x128xf32, #tpu.memory_space<hbm>> -> memref<1x4x1x8x128xf32, #tpu.memory_space<hbm>>
    %dma_wait3A_190 = tpu.memref_squeeze %dma_wait3A_189 : memref<1x4x1x8x128xf32, #tpu.memory_space<hbm>> -> memref<4x8x128xf32, #tpu.memory_space<hbm>>
    %dma_wait3A_191 = arith.constant 16 : i32
    %dma_wait3A_192 = arith.constant 0 : i32
    %dma_wait3A_193 = arith.constant 0 : i32
    %dma_wait3A_194 = tpu.memref_slice %arg8[%dma_wait3A_191, %dma_wait3A_192, %dma_wait3A_193] : memref<32x8x129xf32, #tpu.memory_space<vmem>> -> memref<4x8x128xf32, #tpu.memory_space<vmem>>
    tpu.wait_dma2 semaphore(%arg11 : memref<!tpu.dma_semaphore, #tpu.memory_space<semaphore_mem>>) src(%dma_wait3A_194 : memref<4x8x128xf32, #tpu.memory_space<vmem>>) dst(%dma_wait3A_190 : memref<4x8x128xf32, #tpu.memory_space<hbm>>)
    %dma_wait3A_195 = arith.constant 197 : i32
    %dma_wait3A_196 = arith.constant 20 : i32
    %dma_wait3A_197 = arith.constant 0 : i32
    %dma_wait3A_198 = arith.constant 0 : i32
    %dma_wait3A_199 = tpu.memref_slice %arg8[%dma_wait3A_196, %dma_wait3A_197, %dma_wait3A_198] : memref<32x8x129xf32, #tpu.memory_space<vmem>> -> memref<4x8x128xf32, #tpu.memory_space<vmem>>
    %dma_wait3A_200 = arith.constant 0 : i32
    %dma_wait3A_201 = arith.constant 0 : i32
    %dma_wait3A_202 = arith.constant 0 : i32
    %dma_wait3A_203 = tpu.memref_slice %arg5[%dma_wait3A_195, %dma_wait3A_200, %add3A, %dma_wait3A_201, %dma_wait3A_202] : memref<200x4x32x8x128xf32, #tpu.memory_space<hbm>> -> memref<1x4x1x8x128xf32, #tpu.memory_space<hbm>>
    %dma_wait3A_204 = tpu.memref_squeeze %dma_wait3A_203 : memref<1x4x1x8x128xf32, #tpu.memory_space<hbm>> -> memref<4x8x128xf32, #tpu.memory_space<hbm>>
    %dma_wait3A_205 = arith.constant 0 : i32
    %dma_wait3A_206 = arith.constant 0 : i32
    %dma_wait3A_207 = arith.constant 0 : i32
    %dma_wait3A_208 = tpu.memref_slice %arg5[%dma_wait3A_195, %dma_wait3A_205, %add3A, %dma_wait3A_206, %dma_wait3A_207] : memref<200x4x32x8x128xf32, #tpu.memory_space<hbm>> -> memref<1x4x1x8x128xf32, #tpu.memory_space<hbm>>
    %dma_wait3A_209 = tpu.memref_squeeze %dma_wait3A_208 : memref<1x4x1x8x128xf32, #tpu.memory_space<hbm>> -> memref<4x8x128xf32, #tpu.memory_space<hbm>>
    %dma_wait3A_210 = arith.constant 20 : i32
    %dma_wait3A_211 = arith.constant 0 : i32
    %dma_wait3A_212 = arith.constant 0 : i32
    %dma_wait3A_213 = tpu.memref_slice %arg8[%dma_wait3A_210, %dma_wait3A_211, %dma_wait3A_212] : memref<32x8x129xf32, #tpu.memory_space<vmem>> -> memref<4x8x128xf32, #tpu.memory_space<vmem>>
    tpu.wait_dma2 semaphore(%arg11 : memref<!tpu.dma_semaphore, #tpu.memory_space<semaphore_mem>>) src(%dma_wait3A_213 : memref<4x8x128xf32, #tpu.memory_space<vmem>>) dst(%dma_wait3A_209 : memref<4x8x128xf32, #tpu.memory_space<hbm>>)
    %dma_wait3A_214 = arith.constant 198 : i32
    %dma_wait3A_215 = arith.constant 24 : i32
    %dma_wait3A_216 = arith.constant 0 : i32
    %dma_wait3A_217 = arith.constant 0 : i32
    %dma_wait3A_218 = tpu.memref_slice %arg8[%dma_wait3A_215, %dma_wait3A_216, %dma_wait3A_217] : memref<32x8x129xf32, #tpu.memory_space<vmem>> -> memref<4x8x128xf32, #tpu.memory_space<vmem>>
    %dma_wait3A_219 = arith.constant 0 : i32
    %dma_wait3A_220 = arith.constant 0 : i32
    %dma_wait3A_221 = arith.constant 0 : i32
    %dma_wait3A_222 = tpu.memref_slice %arg5[%dma_wait3A_214, %dma_wait3A_219, %add3A, %dma_wait3A_220, %dma_wait3A_221] : memref<200x4x32x8x128xf32, #tpu.memory_space<hbm>> -> memref<1x4x1x8x128xf32, #tpu.memory_space<hbm>>
    %dma_wait3A_223 = tpu.memref_squeeze %dma_wait3A_222 : memref<1x4x1x8x128xf32, #tpu.memory_space<hbm>> -> memref<4x8x128xf32, #tpu.memory_space<hbm>>
    %dma_wait3A_224 = arith.constant 0 : i32
    %dma_wait3A_225 = arith.constant 0 : i32
    %dma_wait3A_226 = arith.constant 0 : i32
    %dma_wait3A_227 = tpu.memref_slice %arg5[%dma_wait3A_214, %dma_wait3A_224, %add3A, %dma_wait3A_225, %dma_wait3A_226] : memref<200x4x32x8x128xf32, #tpu.memory_space<hbm>> -> memref<1x4x1x8x128xf32, #tpu.memory_space<hbm>>
    %dma_wait3A_228 = tpu.memref_squeeze %dma_wait3A_227 : memref<1x4x1x8x128xf32, #tpu.memory_space<hbm>> -> memref<4x8x128xf32, #tpu.memory_space<hbm>>
    %dma_wait3A_229 = arith.constant 24 : i32
    %dma_wait3A_230 = arith.constant 0 : i32
    %dma_wait3A_231 = arith.constant 0 : i32
    %dma_wait3A_232 = tpu.memref_slice %arg8[%dma_wait3A_229, %dma_wait3A_230, %dma_wait3A_231] : memref<32x8x129xf32, #tpu.memory_space<vmem>> -> memref<4x8x128xf32, #tpu.memory_space<vmem>>
    tpu.wait_dma2 semaphore(%arg11 : memref<!tpu.dma_semaphore, #tpu.memory_space<semaphore_mem>>) src(%dma_wait3A_232 : memref<4x8x128xf32, #tpu.memory_space<vmem>>) dst(%dma_wait3A_228 : memref<4x8x128xf32, #tpu.memory_space<hbm>>)
    %dma_wait3A_233 = arith.constant 199 : i32
    %dma_wait3A_234 = arith.constant 28 : i32
    %dma_wait3A_235 = arith.constant 0 : i32
    %dma_wait3A_236 = arith.constant 0 : i32
    %dma_wait3A_237 = tpu.memref_slice %arg8[%dma_wait3A_234, %dma_wait3A_235, %dma_wait3A_236] : memref<32x8x129xf32, #tpu.memory_space<vmem>> -> memref<4x8x128xf32, #tpu.memory_space<vmem>>
    %dma_wait3A_238 = arith.constant 0 : i32
    %dma_wait3A_239 = arith.constant 0 : i32
    %dma_wait3A_240 = arith.constant 0 : i32
    %dma_wait3A_241 = tpu.memref_slice %arg5[%dma_wait3A_233, %dma_wait3A_238, %add3A, %dma_wait3A_239, %dma_wait3A_240] : memref<200x4x32x8x128xf32, #tpu.memory_space<hbm>> -> memref<1x4x1x8x128xf32, #tpu.memory_space<hbm>>
    %dma_wait3A_242 = tpu.memref_squeeze %dma_wait3A_241 : memref<1x4x1x8x128xf32, #tpu.memory_space<hbm>> -> memref<4x8x128xf32, #tpu.memory_space<hbm>>
    %dma_wait3A_243 = arith.constant 0 : i32
    %dma_wait3A_244 = arith.constant 0 : i32
    %dma_wait3A_245 = arith.constant 0 : i32
    %dma_wait3A_246 = tpu.memref_slice %arg5[%dma_wait3A_233, %dma_wait3A_243, %add3A, %dma_wait3A_244, %dma_wait3A_245] : memref<200x4x32x8x128xf32, #tpu.memory_space<hbm>> -> memref<1x4x1x8x128xf32, #tpu.memory_space<hbm>>
    %dma_wait3A_247 = tpu.memref_squeeze %dma_wait3A_246 : memref<1x4x1x8x128xf32, #tpu.memory_space<hbm>> -> memref<4x8x128xf32, #tpu.memory_space<hbm>>
    %dma_wait3A_248 = arith.constant 28 : i32
    %dma_wait3A_249 = arith.constant 0 : i32
    %dma_wait3A_250 = arith.constant 0 : i32
    %dma_wait3A_251 = tpu.memref_slice %arg8[%dma_wait3A_248, %dma_wait3A_249, %dma_wait3A_250] : memref<32x8x129xf32, #tpu.memory_space<vmem>> -> memref<4x8x128xf32, #tpu.memory_space<vmem>>
    tpu.wait_dma2 semaphore(%arg11 : memref<!tpu.dma_semaphore, #tpu.memory_space<semaphore_mem>>) src(%dma_wait3A_251 : memref<4x8x128xf32, #tpu.memory_space<vmem>>) dst(%dma_wait3A_247 : memref<4x8x128xf32, #tpu.memory_space<hbm>>)
    return
  }
}

</mosaic_0001>

<sc_bundles>
// kernel: _emb.3.cloned.1.call-start
scs
__scs_entry_jumppad:
0x0: {  	(pc) =	sbr.rel $0x88, $3  }
0x1: {  	(tag) =	ssettag $0x0;
	lr =	simm.s32 $0x1  }
0x2: {  	[smem:$0x3F9E] =	sst lr;
	_ =	strace $0xD0000000  }
0x3: {  	_ = 	snop  }
0x4: {  	_ = 	snop  }
0x5: {  	_ = 	snop  }
0x6: {  	_ = 	snop  }
0x7: {  	_ = 	snop  }
__scs_overlays_trampoline_lowered:
0x8: {  	[smem:$0x3FAD] =	sst s0  }
0x9: {  	[smem:$0x3FAE] =	sst s1  }
0xa: {  	[smem:$0x3FAF] =	sst s2  }
0xb: {  	[smem:$0x3FB0] =	sst s3  }
0xc: {  	[smem:$0x3FB1] =	sst s4  }
0xd: {  	[smem:$0x3FB2] =	sst s5  }
0xe: {  	[smem:$0x3FB3] =	sst s6  }
0xf: {  	[smem:$0x3FB4] =	sst s7  }
0x10: {  	[smem:$0x3FB5] =	sst s8  }
0x11: {  	[smem:$0x3FB6] =	sst s9;
	s0 =	simm.s32 @!p0 $0x0  }
0x12: {  	s1 =	sld [smem:$0x3F9C];
	s0 =	simm.s32 @p0 $0x1  }
0x13: {  	[smem:$0x3FB7] =	sst s0;
	s0 =	simm.s32 @!p1 $0x0  }
0x14: {  	s2 =	sld [smem:$0x3F9B];
	s0 =	simm.s32 @p1 $0x1  }
0x15: {  	[smem:$0x3FB8] =	sst s0;
	s0 =	simm.s32 @!p2 $0x0  }
0x16: {  	s3 =	sld [smem:$0x3FDB];
	s0 =	simm.s32 @p2 $0x1  }
0x17: {  	s4 =	simm.s32 $0x1BF5;
	[smem:$0x3FBA] =	sst s0  }
0x18: {  	s0 =	sld [smem:$0x3F9D];
	_ =	swait.ge [sflag:s4], $0x0  }
0x19: {  	s7 =	sld [smem:$0x3F9E]  }
0x1a: {  	s8 =	sadd.s32 $0xFFFFE003, lr  }
0x1b: {  	s9 =	sadd.s32 $0xFFFFFEF7, lr;
	s5 =	simm.s32 $0xFFFFFFFF;
	p2 =	slt.u32 s8, $0xFFFFF086  }
0x1c: {  	p1 =	slt.u32 s9, $0xF7A;
	s5 =	simm.s32 @!p2 $0x0  }
0x1d: {  	s5 =	simm.s32 @p1 $0x1;
	p0 =	seq.s32 s7, s2  }
0x1e: {  	s7 =	smul.u32 @!p0 $0xF7A, s2;
	p2 =	seq.s32 @!p0 s5, $0x0  }
0x1f: {  	s9 =	smul.u32 $0xF7A, s1;
	s8 =	simm.s32 @!p0 $0x1BF5;
	p2 =	por !p2, p0  }
0x20: {  	[sflag:s8] =	ssyncset.s32 @!p0 $0xFFFFF086;
	s6 =	sadd.s32 @!p0 s3, s7;
	s7 =	simm.s32 @!p0 $0x108  }
0x21: {  	s3 =	sadd.s32 s3, s9;
	s6 =	sadd.s32 @!p0 $0x88, s6;
	s7 =	simm.s32 @p2 $0x1082  }
0x22: {  	[simem:s7], [sflag:s8] =	dma.local @!p0 [hbm:s6], $0xF7A  }
0x23: {  	s9 =	sor.u32 $0xD0000000, s2;
	s6 =	simm.s32 $0x108;
	_ =	swait.ge @!p0 [sflag:s8], $0x0  }
0x24: {  	s3 =	sadd.s32 $0x88, s3;
	s6 =	simm.s32 @!p1 $0x1082;
	[sflag:s4] =	ssyncset.s32 $0xFFFFF086  }
0x25: {  	[simem:s6], [sflag:s4] =	dma.local [hbm:s3], $0xF7A  }
0x26: {  	[smem:$0x3F9E] =	sst s1;
	(tag) =	ssettag s2;
	_ =	strace s9  }
0x27: {  	s1 =	sld [smem:$0x3FAE]  }
0x28: {  	s2 =	sld [smem:$0x3FAF]  }
0x29: {  	s4 =	sld [smem:$0x3FB1]  }
0x2a: {  	p0 =	seq.s32 s5, $0x0;
	s5 =	sld [smem:$0x3FB2]  }
0x2b: {  	s6 =	sld [smem:$0x3FB3]  }
0x2c: {  	s7 =	sld [smem:$0x3FB4]  }
0x2d: {  	s3 =	simm.s32 $0x108;
	s8 =	sld [smem:$0x3FB5]  }
0x2e: {  	s3 =	simm.s32 @!p0 $0x1082;
	s9 =	sld [smem:$0x3FB6]  }
0x2f: {  	lr =	sadd.s32 s0, s3;
	s0 =	sld [smem:$0x3FAD]  }
0x30: {  	s3 =	sld [smem:$0x3FB0]  }
0x31: {  	[smem:$0x3FB9] =	sst s10  }
0x32: {  	s10 =	sld [smem:$0x3FB7];
	_ =	sdelay $0x3  }
0x33: {  	p0 =	seq.s32 s10, $0x1;
	s10 =	sld [smem:$0x3FB9];
	_ =	sdelay $0x3  }
0x34: {  	[smem:$0x3FB9] =	sst s10  }
0x35: {  	s10 =	sld [smem:$0x3FB8];
	_ =	sdelay $0x3  }
0x36: {  	p1 =	seq.s32 s10, $0x1;
	s10 =	sld [smem:$0x3FB9];
	_ =	sdelay $0x3  }
0x37: {  	[smem:$0x3FB9] =	sst s10  }
0x38: {  	s10 =	sld [smem:$0x3FBA]  }
0x39: {  	_ = 	snop;
	(pc) =	sbr.ind lr, $3  }
0x3a: {  	_ = 	snop  }
0x3b: {  	_ = 	snop  }
0x3c: {  	p2 =	seq.s32 s10, $0x1;
	s10 =	sld [smem:$0x3FB9]  }
0x3d: {  	_ =	shalt  }
0x3e: {  	_ =	shalt  }
0x3f: {  	_ =	shalt  }
0x40: {  	_ =	shalt  }
0x41: {  	_ =	shalt  }
0x42: {  	_ =	shalt  }
0x43: {  	_ =	shalt  }
0x44: {  	_ =	shalt  }
0x45: {  	_ =	shalt  }
0x46: {  	_ =	shalt  }
0x47: {  	_ =	shalt  }
0x48: {  	_ =	shalt  }
0x49: {  	_ =	shalt  }
0x4a: {  	_ =	shalt  }
0x4b: {  	_ =	shalt  }
0x4c: {  	_ =	shalt  }
0x4d: {  	_ =	shalt  }
0x4e: {  	_ =	shalt  }
0x4f: {  	_ =	shalt  }
0x50: {  	_ =	shalt  }
0x51: {  	_ =	shalt  }
0x52: {  	_ =	shalt  }
0x53: {  	_ =	shalt  }
0x54: {  	_ =	shalt  }
0x55: {  	_ =	shalt  }
0x56: {  	_ =	shalt  }
0x57: {  	_ =	shalt  }
0x58: {  	_ =	shalt  }
0x59: {  	_ =	shalt  }
0x5a: {  	_ =	shalt  }
0x5b: {  	_ =	shalt  }
0x5c: {  	_ =	shalt  }
0x5d: {  	_ =	shalt  }
0x5e: {  	_ =	shalt  }
0x5f: {  	_ =	shalt  }
0x60: {  	_ =	shalt  }
0x61: {  	_ =	shalt  }
0x62: {  	_ =	shalt  }
0x63: {  	_ =	shalt  }
0x64: {  	_ =	shalt  }
0x65: {  	_ =	shalt  }
0x66: {  	_ =	shalt  }
0x67: {  	_ =	shalt  }
0x68: {  	_ =	shalt  }
0x69: {  	_ =	shalt  }
0x6a: {  	_ =	shalt  }
0x6b: {  	_ =	shalt  }
0x6c: {  	_ =	shalt  }
0x6d: {  	_ =	shalt  }
0x6e: {  	_ =	shalt  }
0x6f: {  	_ =	shalt  }
0x70: {  	_ =	shalt  }
0x71: {  	_ =	shalt  }
0x72: {  	_ =	shalt  }
0x73: {  	_ =	shalt  }
0x74: {  	_ =	shalt  }
0x75: {  	_ =	shalt  }
0x76: {  	_ =	shalt  }
0x77: {  	_ =	shalt  }
0x78: {  	_ =	shalt  }
0x79: {  	_ =	shalt  }
0x7a: {  	_ =	shalt  }
0x7b: {  	_ =	shalt  }
0x7c: {  	_ =	shalt  }
0x7d: {  	_ =	shalt  }
0x7e: {  	_ =	shalt  }
0x7f: {  	_ =	shalt  }
0x80: {  	_ =	shalt  }
0x81: {  	_ =	shalt  }
0x82: {  	_ =	shalt  }
0x83: {  	_ =	shalt  }
0x84: {  	_ =	shalt  }
0x85: {  	_ =	shalt  }
0x86: {  	_ =	shalt  }
0x87: {  	_ =	shalt  }
.Lfunc_end0:
.L_simem_size_0:
called_computation_lowered:
.L_overlay_start_0:
0x88: {  	s2 =	sld [smem:$0x3FD9]  }
0x89: {  	s3 =	sld [smem:$0x3FFE];
	_ =	sdelay $0x1  }
0x8a: {  	s1 =	srdreg.scid  }
0x8b: {  	s0 =	sand.u32 $0x1, s1  }
0x8c: {  	s17 =	sshll.u32 s0, $0xA;
	s2 =	sadd.s32 s3, s2  }
0x8d: {  	s2 =	sadd.s32 s2, s17  }
0x8e: {  	[smem:$0x3FC5] =	sst s2  }
0x8f: {  	_ = 	snop  }
0x90: {  	s2 =	sld [smem:$0x3FC9]  }
0x91: {  	s18 =	sld [smem:$0x3FD0];
	(tm) =	ssettm $0x1  }
0x92: {  	s4 =	sld [smem:$0x3FFB];
	_ =	sdelay $0x3  }
0x93: {  	_ =	strace s4  }
0x94: {  	s4 =	sld [smem:$0x3FFC];
	_ =	sdelay $0x3  }
0x95: {  	_ =	strace s4  }
0x96: {  	s4 =	sld [smem:$0x3FFD];
	_ =	sdelay $0x3  }
0x97: {  	_ =	strace s4  }
0x98: {  	_ =	strace $0x8FFFFFFF  }
0x99: {  	s19 =	sld [smem:$0x3FDB];
	_ =	sdelay $0x1  }
0x9a: {  	s5 =	simm.s32 $_scs_section_size  }
0x9b: {  	s6 =	simm.s32 $_size__tile_overlayer_lowered;
	s7 =	simm.s32 $_tile_overlayer_lowered  }
0x9c: {  	s22 =	simm.s32 $0x1BFF;
	s21 =	sshll.u32 s7, $0x1;
	s4 =	sadd.s32 s5, s19  }
0x9d: {  	s8 =	simm.s32 $0x0;
	s20 =	sshll.u32 s6, $0x1;
	s6 =	sadd.s32 s21, s4  }
0x9e: {  	[timem:s8], [sflag:s22] =	dma.local [hbm:s6], s20  }
0x9f: {  	_ =	swait.ge [sflag:s22], s20  }
0xa0: {  	s5 =	ssub.s32 $0x0, s20;
	[sflag:s22] =	ssyncset.done $0x0  }
0xa1: {  	[sflag:s22] =	ssyncadd.s32 s5;
	_ =	sdelay $0x1  }
0xa2: {  	s23 =	simm.s32 $0x1B8B  }
0xa3: {  	_ =	swait.ge [sflag:s23], $0x1  }
0xa4: {  	[sflag:s23] =	ssyncset.done $0x0  }
0xa5: {  	s25 =	simm.s32 $0x1B8E;
	s24 =	sld [smem:$0x3FFE];
	[sflag:s23] =	ssyncadd.s32 $0xFFFFFFFF  }
0xa6: {  	s26 =	simm.s32 $execute0_lowered;
	[smem:$0x3FD2] =	sst s25  }
0xa7: {  	s6 =	sshll.u32 s26, $0x1;
	_ =	strace $0x80000046;
	[dreg:$0x1] =	wrdreg $0xFFFFFFFF  }
0xa8: {  	s28 =	simm.s32 $_size_execute0_lowered;
	s4 =	sadd.s32 s4, s6;
	[dreg:$0x0] =	wrdreg $0x0  }
0xa9: {  	s6 =	sshll.u32 s28, $0x1;
	[dreg:$0x2] =	wrdreg s4  }
0xaa: {  	[dreg:$0x3] =	wrdreg s6  }
0xab: {  	[dreg:$0x4] =	wrdreg $0xC0  }
0xac: {  	_ =	task [dreg:s8], $0x5FFFF  }
0xad: {  	[dreg:$0x1] =	wrdreg $0xFFFFFFFF  }
0xae: {  	[dreg:$0x0] =	wrdreg $0x60  }
0xaf: {  	[dreg:$0x2] =	wrdreg s2  }
0xb0: {  	[dreg:$0x3] =	wrdreg s24  }
0xb1: {  	[dreg:$0x4] =	wrdreg s18  }
0xb2: {  	[dreg:$0x5] =	wrdreg $0x9  }
0xb3: {  	_ =	task.clear_ibuf [dreg:s8], $0x6FFFF;
	_ =	strace $0x90000046  }
0xb4: {  	s29 =	simm.s32 $0x9;
	_ =	strace $0x80000048  }
0xb5: {  	_ =	swait.ge [sflag:s29], $0x1  }
0xb6: {  	[sflag:s29] =	ssyncadd.s32 $0xFFFFFFFF  }
0xb7: {  	_ =	strace $0x90000048  }
0xb8: {  	_ =	sfence  }
0xb9: {  	s30 =	sld [smem:$0x0];
	_ =	sdelay $0x2  }
0xba: {  	s31 =	sshll.u32 s1, $0xD;
	s1 =	sshrl.u32 s1, $0x2  }
0xbb: {  	s3 =	sand.u32 $0x4000, s31;
	s1 =	sadd.s32 s1, s30  }
0xbc: {  	s0 =	sor.u32 s3, s0;
	s1 =	sshll.u32 s1, $0x11  }
0xbd: {  	s0 =	sor.u32 s1, s0  }
0xbe: {  	s0 =	sadd.s32 $0x8F2B, s0  }
0xbf: {  	[sflag:s0] =	ssyncadd.remote.s32 $0x1  }
0xc0: {  	_ =	sfence.sel $0xFFFF  }
0xc1: {  	[dreg:$0x0] =	wrdreg $0xFFFFFFFF;
	(pc) =	sbr.abs _section_cstart, $3  }
0xc2: {  	[dreg:$0x1] =	wrdreg $0xFFFFFFFF  }
0xc3: {  	_ =	task.clear_ibuf [dreg:s8], $0x2FFFF;
	_ =	strace $0x9FFFFFFF  }
0xc4: {  	(tm) =	ssettm $0x7FFFFFFF  }
0xc5: {  	_ =	shalt  }
tec
execute0_lowered:
.L_overlay_start_1:
0x0: {  	(tag) =	ssettag $0x1  }
0x1: {  	s0 =	rddreg [dreg:$0x0];
	v0 =	vlaneseq.u32  }
0x2: {  	s1 =	rddreg [dreg:$0x1];
	s3 =	simm.s32 $0x0;
	v17 =	vmul.u32 $0x88, v0  }
0x3: {  	[smem:$0x7FF] =	sst s3  }
0x4: {  	s8 =	rddreg [dreg:$0x2];
	_ =	strace $0x80000047;
	v0 =	vor.u32 $0x2, v17;
	[tilespmem:$0x1FFE0] =	vst v17  }
0x5: {  	v49 =	vor.u32 $0x3, v17;
	[tilespmem:$0x1FEE0] =	vst v0  }
0x6: {  	v50 =	vor.u32 $0x4, v17;
	[tilespmem:$0x1FEF0] =	vst v49  }
0x7: {  	v51 =	vor.u32 $0x5, v17;
	[tilespmem:$0x1FF00] =	vst v50  }
0x8: {  	v52 =	vor.u32 $0x6, v17;
	[tilespmem:$0x1FF10] =	vst v51  }
0x9: {  	s2 =	srdreg.scid;
	s4 =	stileid.u32;
	v53 =	vor.u32 $0x7, v17;
	[tilespmem:$0x1FF20] =	vst v52  }
0xa: {  	s19 =	simm.s32 $0x18C48;
	s20 =	simm.s32 $0x18CD0;
	s21 =	simm.s32 $0x18D58;
	v54 =	vadd.s32 $0x880, v17;
	[tilespmem:$0x1FF30] =	vst v53  }
0xb: {  	s28 =	simm.s32 $0x18E68;
	s29 =	simm.s32 $0x18EF0;
	s30 =	simm.s32 $0x18F78;
	v55 =	vadd.s32 $0x881, v17;
	[tilespmem:$0x1FF40] =	vst v54  }
0xc: {  	s31 =	simm.s32 $0x2;
	s2 =	sand.u32 $0x1, s2;
	s5 =	sshll.u32 s4, $0x8;
	v56 =	vadd.s32 $0x882, v17;
	[tilespmem:$0x1FF50] =	vst v55  }
0xd: {  	s4 =	sadd.s32 $0xF42A00, s1;
	s1 =	sadd.s32 $0x600, s1;
	s9 =	sadd.s32 $0x4000, s8;
	v57 =	vadd.s32 $0x883, v17;
	[tilespmem:$0x1FF60] =	vst v56  }
0xe: {  	v61 =	vimm.s32 $0x0;
	vm0 =	vcmask $0x300;
	s10 =	sadd.s32 $0x8000, s8;
	s11 =	sadd.s32 $0xC000, s8;
	s13 =	sadd.s32 $0x10000, s8;
	v58 =	vadd.s32 $0x884, v17;
	[tilespmem:$0x1FF70] =	vst v57  }
0xf: {  	s14 =	sadd.s32 $0x14000, s8;
	s15 =	sadd.s32 $0x18000, s8;
	s16 =	sadd.s32 $0x1C000, s8;
	v16 =	vsel vm0, $0x3, v61;
	v18 =	vor.u32 $0x1, v17;
	v59 =	vadd.s32 $0x885, v17;
	[tilespmem:$0x1FF80] =	vst v58  }
0x10: {  	s6 =	ssub.s32 $0x2, s2;
	s2 =	sshll.u32 s2, $0x7;
	[dreg:$0x4] =	wrdreg s1;
	v60 =	vadd.s32 $0x886, v17;
	v1 =	vadd.s32 $0x887, v17;
	v62 =	vadd.s32 $0x4400, v17;
	[tilespmem:$0x1FF90] =	vst v59  }
0x11: {  	s1 =	simm.s32 $0x18DE0;
	s7 =	sshrl.u32 s6, $0x1;
	s5 =	sor.u32 s2, s5;
	v63 =	vadd.s32 $0x4401, v17;
	v19 =	vadd.s32 $0x4402, v17;
	v20 =	vadd.s32 $0x4403, v17;
	[tilespmem:$0x1FFA0] =	vst v60  }
0x12: {  	v21 =	vadd.s32 $0x4404, v17;
	v22 =	vadd.s32 $0x4405, v17;
	v23 =	vadd.s32 $0x4406, v17;
	s2 =	simm.s32 $0x0;
	s24 =	ssub.s32 s6, s7;
	s0 =	sadd.s32 s0, s5;
	[tilespmem:$0x1FFB0] =	vst v1  }
0x13: {  	v24 =	vadd.s32 $0x4407, v17;
	v25 =	vadd.s32 $0x4C80, v17;
	v26 =	vadd.s32 $0x4C81, v17;
	[tilespmem:$0x1FFC0] =	vst v62;
	s25 =	sadd.s32 $0x1000, s0;
	[dreg:$0x5] =	wrdreg s0;
	s12 =	sadd.s32 $0x2000, s0  }
0x14: {  	v27 =	vadd.s32 $0x4C82, v17;
	v28 =	vadd.s32 $0x4C83, v17;
	v29 =	vadd.s32 $0x4C84, v17;
	[tilespmem:$0x1FFD0] =	vst v63;
	s26 =	smax.u32 s24, $0x1;
	s24 =	simm.s32 $0x0;
	[dreg:$0x6] =	wrdreg s25  }
0x15: {  	v30 =	vadd.s32 $0x4C85, v17;
	v31 =	vadd.s32 $0x4C86, v17;
	v32 =	vadd.s32 $0x4C87, v17;
	[tilespmem:$0x1FFF0] =	vst v18;
	[dreg:$0x7] =	wrdreg s26;
	s25 =	simm.s32 $0x1;
	s26 =	simm.s32 $0x10800  }
.LBB2_1:
0x16: {  	[dreg:$0x8] =	wrdreg s2  }
0x17: {  	s0 =	rddreg [dreg:$0x4];
	s6 =	simm.s32 $0x19000;
	s7 =	simm.s32 $0x4  }
0x18: {  	[tilespmem:s6], [sflag:$0x4] =	stream.linear.gather [hbm4b:s0+s3], $0x1900, $0x38;
	[tilespmem:$0x1A900] =	vst v63  }
0x19: {  	_ =	swait.ge [sflag:s7], $0x1900  }
0x1a: {  	[sflag:s7] =	ssyncset.done $0x0  }
0x1b: {  	s17 =	simm.s32 $0x3;
	s8 =	rddreg [dreg:$0x5];
	[sflag:s7] =	ssyncadd.s32 $0xFFFFE700  }
0x1c: {  	[tilespmem:s3], [sflag:$0x3] =	stream.linear.gather [hbm4b:s8+s3], $0x400, $0x38;
	[tilespmem:$0x1A900] =	vst v63  }
0x1d: {  	_ =	swait.ge [sflag:s17], $0x400  }
0x1e: {  	[sflag:s17] =	ssyncset.done $0x0  }
0x1f: {  	s18 =	simm.s32 $0x800;
	s0 =	simm.s32 $0x80;
	[sflag:s17] =	ssyncadd.s32 $0xFFFFFC00  }
0x20: {  	[tilespmem:s18], [sflag:$0x1] =	stream.indirect.gather [hbm4b:s4+s0], $0x20, s3, s0, $0xb8;
	[tilespmem:$0x1A900] =	vst v63  }
0x21: {  	s22 =	simm.s32 $0x1800  }
0x22: {  	[tilespmem:s22], [sflag:$0x1] =	stream.indirect.gather [hbm4b:s4+s0], $0x20, s0, s0, $0xb8;
	[tilespmem:$0x1A900] =	vst v63  }
0x23: {  	s23 =	simm.s32 $0x100;
	s6 =	simm.s32 $0x2800  }
0x24: {  	[tilespmem:s6], [sflag:$0x1] =	stream.indirect.gather [hbm4b:s4+s0], $0x20, s23, s0, $0xb8;
	[tilespmem:$0x1A900] =	vst v63  }
0x25: {  	s7 =	simm.s32 $0x180;
	s8 =	simm.s32 $0x3800  }
0x26: {  	[tilespmem:s8], [sflag:$0x1] =	stream.indirect.gather [hbm4b:s4+s0], $0x20, s7, s0, $0xb8;
	[tilespmem:$0x1A900] =	vst v63  }
0x27: {  	s17 =	simm.s32 $0x200;
	s18 =	simm.s32 $0x4800  }
0x28: {  	[tilespmem:s18], [sflag:$0x1] =	stream.indirect.gather [hbm4b:s4+s0], $0x20, s17, s0, $0xb8;
	[tilespmem:$0x1A900] =	vst v63  }
0x29: {  	s22 =	simm.s32 $0x280;
	s23 =	simm.s32 $0x5800  }
0x2a: {  	[tilespmem:s23], [sflag:$0x1] =	stream.indirect.gather [hbm4b:s4+s0], $0x20, s22, s0, $0xb8;
	[tilespmem:$0x1A900] =	vst v63  }
0x2b: {  	s7 =	simm.s32 $0x300;
	s8 =	simm.s32 $0x6800  }
0x2c: {  	[tilespmem:s8], [sflag:$0x1] =	stream.indirect.gather [hbm4b:s4+s0], $0x20, s7, s0, $0xb8;
	[tilespmem:$0x1A900] =	vst v63  }
0x2d: {  	p0 =	por $0x0, $0x0;
	s17 =	simm.s32 $0x380;
	s18 =	simm.s32 $0x7800  }
0x2e: {  	[tilespmem:s18], [sflag:$0x1] =	stream.indirect.gather [hbm4b:s4+s0], $0x20, s17, s0, $0xb8;
	[tilespmem:$0x1A900] =	vst v63  }
0x2f: {  	s22 =	rddreg [dreg:$0x6];
	s23 =	simm.s32 $0x400;
	s0 =	simm.s32 $0x0  }
0x30: {  	[tilespmem:s23], [sflag:$0x3] =	stream.linear.gather [hbm4b:s22+s3], $0x400, $0x38;
	[tilespmem:$0x1A900] =	vst v63  }
.LBB2_2:
0x31: {  	s23 =	sand.u32 $0x1, s0;
	p1 =	seq.s32 s0, $0x18  }
0x32: {  	s2 =	sshll.u32 @!p1 s23, $0xA;
	s6 =	simm.s32 @!p1 $0x3  }
0x33: {  	s7 =	sxor.u32 @!p1 $0x400, s2;
	_ =	swait.ge @!p1 [sflag:s6], $0x400  }
0x34: {  	[sflag:s6] =	ssyncset.done @!p1 $0x0;
	s8 =	sshll.u32 @!p1 s7, $0x5  }
0x35: {  	[sflag:s6] =	ssyncadd.s32 @!p1 $0xFFFFFC00;
	s6 =	sor.u32 @!p1 $0x800, s8;
	s8 =	simm.s32 @!p1 $0x80  }
0x36: {  	[tilespmem:s6], [sflag:$0x1] =	stream.indirect.gather @!p1 [hbm4b:s4+s8], $0x20, s7, s8, $0xb8;
	[tilespmem:$0x1A900] =	vst v63  }
0x37: {  	s6 =	sxor.u32 @!p1 $0x480, s2  }
0x38: {  	s7 =	sshll.u32 @!p1 s6, $0x5  }
0x39: {  	s7 =	sor.u32 @!p1 $0x800, s7  }
0x3a: {  	[tilespmem:s7], [sflag:$0x1] =	stream.indirect.gather @!p1 [hbm4b:s4+s8], $0x20, s6, s8, $0xb8;
	[tilespmem:$0x1A900] =	vst v63  }
0x3b: {  	s6 =	sxor.u32 @!p1 $0x500, s2  }
0x3c: {  	s7 =	sshll.u32 @!p1 s6, $0x5  }
0x3d: {  	s7 =	sor.u32 @!p1 $0x800, s7  }
0x3e: {  	[tilespmem:s7], [sflag:$0x1] =	stream.indirect.gather @!p1 [hbm4b:s4+s8], $0x20, s6, s8, $0xb8;
	[tilespmem:$0x1A900] =	vst v63  }
0x3f: {  	s6 =	sxor.u32 @!p1 $0x580, s2  }
0x40: {  	s7 =	sshll.u32 @!p1 s6, $0x5  }
0x41: {  	s7 =	sor.u32 @!p1 $0x800, s7  }
0x42: {  	[tilespmem:s7], [sflag:$0x1] =	stream.indirect.gather @!p1 [hbm4b:s4+s8], $0x20, s6, s8, $0xb8;
	[tilespmem:$0x1A900] =	vst v63  }
0x43: {  	s6 =	sxor.u32 @!p1 $0x600, s2  }
0x44: {  	s7 =	sshll.u32 @!p1 s6, $0x5  }
0x45: {  	s7 =	sor.u32 @!p1 $0x800, s7  }
0x46: {  	[tilespmem:s7], [sflag:$0x1] =	stream.indirect.gather @!p1 [hbm4b:s4+s8], $0x20, s6, s8, $0xb8;
	[tilespmem:$0x1A900] =	vst v63  }
0x47: {  	s6 =	sxor.u32 @!p1 $0x680, s2  }
0x48: {  	s7 =	sshll.u32 @!p1 s6, $0x5  }
0x49: {  	s7 =	sor.u32 @!p1 $0x800, s7  }
0x4a: {  	[tilespmem:s7], [sflag:$0x1] =	stream.indirect.gather @!p1 [hbm4b:s4+s8], $0x20, s6, s8, $0xb8;
	[tilespmem:$0x1A900] =	vst v63  }
0x4b: {  	s6 =	sxor.u32 @!p1 $0x700, s2  }
0x4c: {  	s7 =	sshll.u32 @!p1 s6, $0x5  }
0x4d: {  	s2 =	sxor.u32 @!p1 $0x780, s2;
	s7 =	sor.u32 @!p1 $0x800, s7  }
0x4e: {  	[tilespmem:s7], [sflag:$0x1] =	stream.indirect.gather @!p1 [hbm4b:s4+s8], $0x20, s6, s8, $0xb8;
	[tilespmem:$0x1A900] =	vst v63  }
0x4f: {  	s6 =	sshll.u32 @!p1 s2, $0x5  }
0x50: {  	s6 =	sor.u32 @!p1 $0x800, s6  }
0x51: {  	[tilespmem:s6], [sflag:$0x1] =	stream.indirect.gather @!p1 [hbm4b:s4+s8], $0x20, s2, s8, $0xb8;
	[tilespmem:$0x1A900] =	vst v63  }
0x52: {  	_ =	swait.ge [sflag:s25], $0x1000  }
0x53: {  	[sflag:s25] =	ssyncset.done $0x0  }
0x54: {  	[sflag:s25] =	ssyncadd.s32 $0xFFFFF000  }
0x55: {  	_ =	swait.ge [sflag:s25], $0x1000  }
0x56: {  	[sflag:s25] =	ssyncset.done $0x0  }
0x57: {  	[sflag:s25] =	ssyncadd.s32 $0xFFFFF000  }
0x58: {  	_ =	swait.ge [sflag:s25], $0x1000  }
0x59: {  	[sflag:s25] =	ssyncset.done $0x0  }
0x5a: {  	[sflag:s25] =	ssyncadd.s32 $0xFFFFF000  }
0x5b: {  	_ =	swait.ge [sflag:s25], $0x1000  }
0x5c: {  	p1 =	seq.s32 s0, $0x0;
	[sflag:s25] =	ssyncset.done $0x0  }
0x5d: {  	s6 =	simm.s32 @!p1 $0x2;
	[sflag:s25] =	ssyncadd.s32 $0xFFFFF000  }
0x5e: {  	_ =	swait.ge @!p1 [sflag:s6], $0x1000  }
0x5f: {  	[sflag:s6] =	ssyncset.done @!p1 $0x0  }
0x60: {  	[sflag:s6] =	ssyncadd.s32 @!p1 $0xFFFFF000  }
0x61: {  	_ =	swait.ge @!p1 [sflag:s6], $0x1000  }
0x62: {  	[sflag:s6] =	ssyncset.done @!p1 $0x0  }
0x63: {  	[sflag:s6] =	ssyncadd.s32 @!p1 $0xFFFFF000  }
0x64: {  	_ =	swait.ge @!p1 [sflag:s6], $0x1000  }
0x65: {  	s17 =	sshll.u32 s0, $0x8;
	s2 =	simm.s32 $0x1;
	[sflag:s6] =	ssyncset.done @!p1 $0x0  }
0x66: {  	s22 =	sadd.s32 $0x1, s0;
	s2 =	simm.s32 @!p0 $0x0;
	[sflag:s6] =	ssyncadd.s32 @!p1 $0xFFFFF000  }
0x67: {  	s18 =	sand.u32 $0x3FFFFF00, s17;
	s8 =	sshll.u32 s2, $0xF;
	_ =	swait.ge @!p1 [sflag:s6], $0x1000  }
0x68: {  	s7 =	sadd.s32 $0x19000, s18;
	s2 =	sor.u32 $0x48F0, s8;
	[sflag:s6] =	ssyncset.done @!p1 $0x0  }
0x69: {  	v33 =	vmov s7;
	s8 =	sor.u32 $0x880, s8;
	[sflag:s6] =	ssyncadd.s32 @!p1 $0xFFFFF000;
	s6 =	simm.s32 $0x0  }
.LBB2_3:
0x6a: {  	s7 =	sshll.u32 s6, $0x2  }
0x6b: {  	v1 =	vld [tilespmem:$0x1FEE0];
	v0 =	vmov s7  }
0x6c: {  	v0 =	vmul.u32 $0x440, v0;
	_ =	sdelay $0x1  }
0x6d: {  	v0 =	vbroadcast v0, $0x0;
	_ =	sdelay $0x1  }
0x6e: {  	v47 =	vadd.s32 v1, v0;
	v1 =	vld [tilespmem:$0x1FEF0];
	_ =	sdelay $0x4  }
0x6f: {  	v46 =	vadd.s32 v1, v0;
	v1 =	vld [tilespmem:$0x1FF00];
	_ =	sdelay $0x4  }
0x70: {  	v45 =	vadd.s32 v1, v0;
	v1 =	vld [tilespmem:$0x1FF10];
	_ =	sdelay $0x4  }
0x71: {  	v43 =	vadd.s32 v1, v0;
	v1 =	vld [tilespmem:$0x1FF20];
	_ =	sdelay $0x4  }
0x72: {  	v42 =	vadd.s32 v1, v0;
	v1 =	vld [tilespmem:$0x1FF30];
	_ =	sdelay $0x4  }
0x73: {  	v51 =	vadd.s32 v1, v0;
	v1 =	vld [tilespmem:$0x1FF40];
	_ =	sdelay $0x4  }
0x74: {  	v40 =	vadd.s32 v1, v0;
	v1 =	vld [tilespmem:$0x1FF50];
	_ =	sdelay $0x4  }
0x75: {  	v39 =	vadd.s32 v1, v0;
	v1 =	vld [tilespmem:$0x1FF60];
	_ =	sdelay $0x4  }
0x76: {  	v38 =	vadd.s32 v1, v0;
	v1 =	vld [tilespmem:$0x1FF70];
	_ =	sdelay $0x4  }
0x77: {  	v37 =	vadd.s32 v1, v0;
	v1 =	vld [tilespmem:$0x1FF80];
	_ =	sdelay $0x4  }
0x78: {  	v36 =	vadd.s32 v1, v0;
	v1 =	vld [tilespmem:$0x1FF90];
	_ =	sdelay $0x4  }
0x79: {  	v35 =	vadd.s32 v1, v0;
	v1 =	vld [tilespmem:$0x1FFA0];
	_ =	sdelay $0x3  }
0x7a: {  	s17 =	simm.s32 $0x3  }
0x7b: {  	s7 =	simm.s32 $0x2;
	v41 =	vmov s17;
	s17 =	simm.s32 $0x6;
	v34 =	vadd.s32 v1, v0;
	v1 =	vld [tilespmem:$0x1FFB0]  }
0x7c: {  	v2 =	vmov s7;
	s7 =	simm.s32 $0x5;
	v54 =	vmov s17;
	s17 =	simm.s32 $0x7  }
0x7d: {  	v56 =	vshrl.u32 v41, $0x3;
	v53 =	vmov s7;
	v55 =	vmov s17  }
0x7e: {  	v2 =	vshrl.u32 v2, $0x3;
	v54 =	vshrl.u32 v54, $0x3;
	v56 =	vshll.u32 v56, v16  }
0x7f: {  	s18 =	simm.s32 $0x1;
	v55 =	vshrl.u32 v55, $0x3;
	v53 =	vshrl.u32 v53, $0x3;
	v2 =	vshll.u32 v2, v16  }
0x80: {  	v50 =	vadd.s32 v17, v0;
	v44 =	vadd.s32 v1, v0;
	v1 =	vmov s18;
	s18 =	simm.s32 $0x4  }
0x81: {  	v57 =	vld [tilespmem:s8+$0x60];
	v49 =	vadd.s32 v18, v0;
	v0 =	vmov s24;
	v52 =	vmov s18;
	s18 =	sshll.u32 s6, $0x5  }
0x82: {  	v58 =	vld [tilespmem:s8+$0xFFFFFF80];
	v56 =	vbroadcast v56, $0x0;
	v55 =	vshll.u32 v55, v16;
	v0 =	vshrl.u32 v0, $0x3;
	s18 =	sand.u32 $0x3FFFFFE0, s18  }
0x83: {  	v54 =	vshll.u32 v54, v16;
	v55 =	vbroadcast v55, $0x0;
	v0 =	vshll.u32 v0, v16;
	v48 =	vld.idx.msk [tilespmem:v33+s18+$0x0 ss:$0x1], $0xffff  }
0x84: {  	v59 =	vld [tilespmem:s8+$0xFFFFFFA0];
	v2 =	vbroadcast v2, $0x0;
	v1 =	vshrl.u32 v1, $0x3;
	v0 =	vbroadcast v0, $0x0  }
0x85: {  	v62 =	vld [tilespmem:s8+$0xFFFFFFC0];
	v53 =	vshll.u32 v53, v16;
	v60 =	vadd.s32 v51, v55;
	v1 =	vshll.u32 v1, v16  }
0x86: {  	v3 =	vld [tilespmem:s8+$0xFFFFFFE0];
	v52 =	vshrl.u32 v52, $0x3;
	v1 =	vbroadcast v1, $0x0;
	v61 =	vadd.s32 v50, v0  }
0x87: {  	v5 =	vld [tilespmem:s8+$0x0];
	v54 =	vbroadcast v54, $0x0;
	v4 =	vadd.s32 v47, v2;
	v52 =	vshll.u32 v52, v16  }
0x88: {  	v7 =	vld [tilespmem:s8+$0x20];
	v6 =	vbroadcast v52, $0x0;
	v63 =	vadd.s32 v49, v1;
	v52 =	vadd.f32 v57, v48  }
0x89: {  	v9 =	vld [tilespmem:s8+$0x40];
	v8 =	vbroadcast v53, $0x0;
	v12 =	vadd.f32 v58, v48;
	v58 =	vadd.s32 v46, v56  }
0x8a: {  	v41 =	vld.idx.msk [tilespmem:v33+s18+$0x10 ss:$0x1], $0xffff;
	v14 =	vadd.s32 v45, v6;
	v11 =	vadd.f32 v62, v48;
	[tilespmem:v60+s26+$0x0] =	vst.idx.msk $0xffff, v52  }
0x8b: {  	v13 =	vadd.f32 v59, v48;
	v57 =	vadd.s32 v43, v8;
	[tilespmem:v61+s26+$0x0] =	vst.idx.msk $0xffff, v12;
	v60 =	vld [tilespmem:s8+$0x70]  }
0x8c: {  	v53 =	vadd.s32 v42, v54;
	v3 =	vadd.f32 v3, v48;
	[tilespmem:v4+s26+$0x0] =	vst.idx.msk $0xffff, v11;
	v61 =	vld [tilespmem:s8+$0xFFFFFF90]  }
0x8d: {  	[tilespmem:v63+s26+$0x0] =	vst.idx.msk $0xffff, v13;
	v13 =	vadd.f32 v5, v48;
	v5 =	vadd.s32 v44, v55;
	v62 =	vld [tilespmem:s8+$0xFFFFFFD0]  }
0x8e: {  	v0 =	vadd.s32 v40, v0;
	v63 =	vld [tilespmem:s8+$0xFFFFFFB0];
	[tilespmem:v58+s26+$0x0] =	vst.idx.msk $0xffff, v3;
	v3 =	vadd.f32 v7, v48  }
0x8f: {  	v2 =	vadd.s32 v38, v2;
	s18 =	simm.s32 $0x8;
	[tilespmem:v14+s26+$0x0] =	vst.idx.msk $0xffff, v13;
	v14 =	vadd.f32 v9, v48  }
0x90: {  	v1 =	vadd.s32 v39, v1;
	v12 =	vmov s18;
	v11 =	vld [tilespmem:s8+$0xFFFFFFF0];
	[tilespmem:v57+s26+$0x0] =	vst.idx.msk $0xffff, v3;
	v3 =	vadd.f32 v60, v41  }
0x91: {  	v54 =	vadd.s32 v34, v54;
	s18 =	simm.s32 $0xA;
	v10 =	vshrl.u32 v12, $0x3;
	v12 =	vld [tilespmem:s8+$0x10];
	[tilespmem:v53+s26+$0x0] =	vst.idx.msk $0xffff, v14;
	v13 =	vadd.f32 v61, v41  }
0x92: {  	s17 =	simm.s32 $0x9;
	v52 =	vadd.s32 v37, v56;
	v55 =	vmov s18;
	[tilespmem:v5+s26+$0x0] =	vst.idx.msk $0xffff, v3;
	v3 =	vadd.f32 v62, v41;
	v62 =	vld [tilespmem:s8+$0x30]  }
0x93: {  	s18 =	simm.s32 $0xC;
	v7 =	vmov s17;
	s17 =	simm.s32 $0xB;
	v53 =	vadd.s32 v36, v6;
	v14 =	vadd.f32 v63, v41;
	[tilespmem:v0+s26+$0x0] =	vst.idx.msk $0xffff, v13;
	v0 =	vld [tilespmem:s8+$0x50]  }
0x94: {  	v56 =	vadd.s32 v35, v8;
	v58 =	vmov s18;
	s18 =	simm.s32 $0xE;
	v57 =	vmov s17;
	s17 =	simm.s32 $0xD  }
0x95: {  	v59 =	vmov s17;
	v60 =	vmov s18;
	[tilespmem:v1+s26+$0x0] =	vst.idx.msk $0xffff, v14;
	v63 =	vadd.f32 v11, v41  }
0x96: {  	s7 =	simm.s32 $0xF;
	v61 =	vshrl.u32 v7, $0x3;
	s17 =	simm.s32 $0x10;
	s18 =	smov.u32 s8;
	v1 =	vshll.u32 v10, v16;
	[tilespmem:v2+s26+$0x0] =	vst.idx.msk $0xffff, v3;
	v2 =	vadd.f32 v12, v41  }
.LBB2_4:
0x97: {  	p1 =	slt.u32 s17, $0x78;
	v3 =	vshrl.u32 v55, $0x3;
	v4 =	vmov s7;
	[tilespmem:v52+s26+$0x0] =	vst.idx.msk $0xffff, v63;
	v5 =	vadd.f32 v62, v41  }
0x98: {  	v6 =	vshrl.u32 v57, $0x3;
	v4 =	vshrl.u32 v4, $0x3;
	[tilespmem:v53+s26+$0x0] =	vst.idx.msk $0xffff, v2;
	v0 =	vadd.f32 v0, v41  }
0x99: {  	v7 =	vshrl.u32 v59, $0x3;
	s18 =	sadd.s32 $0x100, s18;
	v2 =	vshrl.u32 v58, $0x3;
	v4 =	vshll.u32 v4, v16;
	[tilespmem:v56+s26+$0x0] =	vst.idx.msk $0xffff, v5  }
0x9a: {  	v1 =	vbroadcast v1, $0x0;
	v5 =	vshrl.u32 v60, $0x3;
	v8 =	vld [tilespmem:s18+$0x60];
	v4 =	vbroadcast v4, $0x0;
	[tilespmem:v54+s26+$0x0] =	vst.idx.msk $0xffff, v0  }
0x9b: {  	v9 =	vshll.u32 v61, v16;
	v3 =	vshll.u32 v3, v16;
	v6 =	vshll.u32 v6, v16;
	v0 =	vld [tilespmem:s18+$0xFFFFFF80]  }
0x9c: {  	v9 =	vbroadcast v9, $0x0;
	v2 =	vshll.u32 v2, v16;
	v10 =	vld [tilespmem:s18+$0xFFFFFFA0];
	v11 =	vadd.s32 v51, v4  }
0x9d: {  	v7 =	vshll.u32 v7, v16;
	v52 =	vadd.s32 v50, v1;
	v3 =	vbroadcast v3, $0x0;
	v53 =	vld [tilespmem:s18+$0xFFFFFFC0]  }
0x9e: {  	v6 =	vbroadcast v6, $0x0;
	v54 =	vadd.s32 v49, v9;
	v5 =	vshll.u32 v5, v16;
	v55 =	vld [tilespmem:s18+$0xFFFFFFE0]  }
0x9f: {  	v2 =	vbroadcast v2, $0x0;
	v56 =	vadd.s32 v47, v3;
	v57 =	vld [tilespmem:s18+$0x0];
	v8 =	vadd.f32 v8, v48  }
0xa0: {  	v7 =	vbroadcast v7, $0x0;
	v58 =	vadd.s32 v46, v6;
	v0 =	vadd.f32 v0, v48;
	v59 =	vld [tilespmem:s18+$0x20]  }
0xa1: {  	v5 =	vbroadcast v5, $0x0;
	v60 =	vadd.s32 v45, v2;
	v10 =	vadd.f32 v10, v48;
	v61 =	vld [tilespmem:s18+$0x40];
	[tilespmem:v11+s26+$0x0] =	vst.idx.msk $0xffff, v8  }
0xa2: {  	v8 =	vadd.s32 v43, v7;
	[tilespmem:v52+s26+$0x0] =	vst.idx.msk $0xffff, v0;
	v0 =	vadd.f32 v53, v48;
	v11 =	vld [tilespmem:s18+$0x70]  }
0xa3: {  	v53 =	vadd.s32 v42, v5;
	v52 =	vld [tilespmem:s18+$0xFFFFFF90];
	[tilespmem:v54+s26+$0x0] =	vst.idx.msk $0xffff, v10;
	v10 =	vadd.f32 v55, v48  }
0xa4: {  	v4 =	vadd.s32 v44, v4;
	v54 =	vmov s17;
	v63 =	vld [tilespmem:s18+$0xFFFFFFB0];
	[tilespmem:v56+s26+$0x0] =	vst.idx.msk $0xffff, v0;
	v0 =	vadd.f32 v57, v48  }
0xa5: {  	s7 =	sadd.s32 $0x1, s17;
	v1 =	vadd.s32 v40, v1;
	v12 =	vshrl.u32 v54, $0x3;
	v54 =	vld [tilespmem:s18+$0xFFFFFFD0];
	[tilespmem:v58+s26+$0x0] =	vst.idx.msk $0xffff, v10;
	v10 =	vadd.f32 v59, v48  }
0xa6: {  	v13 =	vmov s7;
	s7 =	sadd.s32 $0x2, s17;
	v9 =	vadd.s32 v39, v9;
	v14 =	vld [tilespmem:s18+$0xFFFFFFF0];
	[tilespmem:v60+s26+$0x0] =	vst.idx.msk $0xffff, v0;
	v0 =	vadd.f32 v61, v48  }
0xa7: {  	v3 =	vadd.s32 v38, v3;
	v55 =	vmov s7;
	s7 =	sadd.s32 $0x3, s17;
	v15 =	vld [tilespmem:s18+$0x10];
	[tilespmem:v8+s26+$0x0] =	vst.idx.msk $0xffff, v10;
	v8 =	vadd.f32 v11, v41  }
.Ltmp0:
0xa8: {  	v57 =	vmov s7;
	s7 =	sadd.s32 $0x4, s17;
	v10 =	vadd.f32 v52, v41;
	v52 =	vadd.s32 v37, v6;
	v62 =	vld [tilespmem:s18+$0x30];
	[tilespmem:v53+s26+$0x0] =	vst.idx.msk $0xffff, v0;
	(pc) =	sbr.rel @p1 .LBB2_4-.Ltmp0, $4  }
0xa9: {  	v58 =	vmov s7;
	s7 =	sadd.s32 $0x5, s17;
	v53 =	vadd.s32 v36, v2;
	v6 =	vadd.f32 v63, v41;
	v0 =	vld [tilespmem:s18+$0x50];
	[tilespmem:v4+s26+$0x0] =	vst.idx.msk $0xffff, v8  }
0xaa: {  	v56 =	vadd.s32 v35, v7;
	v59 =	vmov s7;
	s7 =	sadd.s32 $0x6, s17;
	[tilespmem:v1+s26+$0x0] =	vst.idx.msk $0xffff, v10;
	v2 =	vadd.f32 v54, v41  }
0xab: {  	v60 =	vmov s7;
	v54 =	vadd.s32 v34, v5;
	[tilespmem:v9+s26+$0x0] =	vst.idx.msk $0xffff, v6;
	v63 =	vadd.f32 v14, v41  }
0xac: {  	v61 =	vshrl.u32 v13, $0x3;
	s7 =	sadd.s32 $0x7, s17;
	s17 =	sadd.s32 $0x8, s17;
	v1 =	vshll.u32 v12, v16;
	[tilespmem:v3+s26+$0x0] =	vst.idx.msk $0xffff, v2;
	v2 =	vadd.f32 v15, v41  }
0xad: {  	v3 =	vshrl.u32 v55, $0x3;
	v4 =	vmov s7;
	v5 =	vadd.f32 v62, v41  }
0xae: {  	v6 =	vshrl.u32 v57, $0x3;
	v7 =	vshrl.u32 v58, $0x3;
	v8 =	vshrl.u32 v59, $0x3  }
0xaf: {  	s17 =	sadd.s32 $0x100, s18;
	v1 =	vbroadcast v1, $0x0;
	v9 =	vshrl.u32 v60, $0x3;
	v12 =	vshll.u32 v61, v16  }
0xb0: {  	v4 =	vshrl.u32 v4, $0x3;
	v0 =	vadd.f32 v0, v41;
	v11 =	vld [tilespmem:s17+$0xFFFFFF80];
	v3 =	vshll.u32 v3, v16  }
0xb1: {  	v6 =	vshll.u32 v6, v16;
	v13 =	vld [tilespmem:s17+$0xFFFFFFA0];
	v12 =	vbroadcast v12, $0x0;
	v7 =	vshll.u32 v7, v16  }
0xb2: {  	v61 =	vld [tilespmem:s17+$0xFFFFFFC0];
	v8 =	vshll.u32 v8, v16;
	v15 =	vadd.s32 v50, v1;
	v3 =	vbroadcast v3, $0x0  }
0xb3: {  	[tilespmem:v52+s26+$0x0] =	vst.idx.msk $0xffff, v63;
	v63 =	vld [tilespmem:s17+$0xFFFFFFE0];
	v4 =	vshll.u32 v4, v16;
	v6 =	vbroadcast v6, $0x0;
	v62 =	vadd.s32 v49, v12  }
0xb4: {  	v10 =	vld [tilespmem:s17+$0x60];
	v9 =	vshll.u32 v9, v16;
	[tilespmem:v56+s26+$0x0] =	vst.idx.msk $0xffff, v5;
	v4 =	vbroadcast v4, $0x0;
	v5 =	vadd.s32 v47, v3  }
0xb5: {  	[tilespmem:v53+s26+$0x0] =	vst.idx.msk $0xffff, v2;
	v7 =	vbroadcast v7, $0x0;
	v47 =	vld [tilespmem:s17+$0x0];
	v56 =	vadd.s32 v46, v6;
	v55 =	vadd.f32 v11, v48  }
0xb6: {  	v57 =	vld [tilespmem:s17+$0x20];
	v8 =	vbroadcast v8, $0x0;
	[tilespmem:v54+s26+$0x0] =	vst.idx.msk $0xffff, v0;
	v14 =	vadd.s32 v51, v4;
	v13 =	vadd.f32 v13, v48  }
0xb7: {  	v58 =	vld [tilespmem:s17+$0x40];
	v9 =	vbroadcast v9, $0x0;
	v45 =	vadd.s32 v45, v7;
	v59 =	vadd.f32 v61, v48;
	[tilespmem:v15+s26+$0x0] =	vst.idx.msk $0xffff, v55  }
0xb8: {  	v60 =	vadd.s32 v43, v8;
	v61 =	vadd.f32 v63, v48;
	[tilespmem:v62+s26+$0x0] =	vst.idx.msk $0xffff, v13;
	v15 =	vld [tilespmem:s17+$0xFFFFFF90]  }
0xb9: {  	v10 =	vadd.f32 v10, v48;
	v62 =	vadd.s32 v42, v9;
	v63 =	vld [tilespmem:s17+$0xFFFFFFB0];
	[tilespmem:v5+s26+$0x0] =	vst.idx.msk $0xffff, v59  }
0xba: {  	v1 =	vadd.s32 v40, v1;
	v43 =	vadd.f32 v47, v48;
	[tilespmem:v56+s26+$0x0] =	vst.idx.msk $0xffff, v61;
	v5 =	vld [tilespmem:s17+$0xFFFFFFD0]  }
0xbb: {  	v49 =	vadd.s32 v39, v12;
	v47 =	vadd.f32 v57, v48;
	[tilespmem:v14+s26+$0x0] =	vst.idx.msk $0xffff, v10;
	v50 =	vld [tilespmem:s17+$0xFFFFFFF0]  }
0xbc: {  	v3 =	vadd.s32 v38, v3;
	v51 =	vadd.f32 v58, v48;
	v14 =	vld [tilespmem:s17+$0x70];
	[tilespmem:v45+s26+$0x0] =	vst.idx.msk $0xffff, v43  }
0xbd: {  	v6 =	vadd.s32 v37, v6;
	[tilespmem:v60+s26+$0x0] =	vst.idx.msk $0xffff, v47;
	v52 =	vld [tilespmem:s17+$0x10];
	v54 =	vadd.f32 v15, v41  }
0xbe: {  	v4 =	vadd.s32 v44, v4;
	v55 =	vld [tilespmem:s17+$0x30];
	[tilespmem:v62+s26+$0x0] =	vst.idx.msk $0xffff, v51;
	v56 =	vadd.f32 v63, v41  }
0xbf: {  	v7 =	vadd.s32 v36, v7;
	v13 =	vld [tilespmem:s17+$0x50];
	v57 =	vadd.f32 v5, v41;
	[tilespmem:v1+s26+$0x0] =	vst.idx.msk $0xffff, v54  }
0xc0: {  	s6 =	sadd.s32 $0x1, s6;
	v58 =	vadd.s32 v35, v8;
	v59 =	vadd.f32 v50, v41;
	[tilespmem:v49+s26+$0x0] =	vst.idx.msk $0xffff, v56  }
0xc1: {  	p1 =	sne.s32 s6, $0x4;
	v60 =	vadd.s32 v34, v9;
	v53 =	vadd.f32 v14, v41;
	[tilespmem:v3+s26+$0x0] =	vst.idx.msk $0xffff, v57  }
.Ltmp1:
0xc2: {  	v61 =	vadd.f32 v52, v41;
	[tilespmem:v6+s26+$0x0] =	vst.idx.msk $0xffff, v59;
	(pc) =	sbr.rel @p1 .LBB2_3-.Ltmp1, $4  }
0xc3: {  	v62 =	vadd.f32 v55, v41;
	[tilespmem:v4+s26+$0x0] =	vst.idx.msk $0xffff, v53  }
0xc4: {  	[tilespmem:v7+s26+$0x0] =	vst.idx.msk $0xffff, v61;
	v63 =	vadd.f32 v13, v41  }
0xc5: {  	[tilespmem:v58+s26+$0x0] =	vst.idx.msk $0xffff, v62  }
0xc6: {  	s8 =	sadd.s32 $0x1000, s8;
	[tilespmem:v60+s26+$0x0] =	vst.idx.msk $0xffff, v63  }
0xc7: {  	s6 =	sshll.u32 s0, $0x11  }
0xc8: {  	s7 =	rddreg [dreg:$0x2];
	s18 =	sor.u32 s5, s6  }
0xc9: {  	s6 =	sadd.s32 s7, s18  }
0xca: {  	[hbm4b:s6+s3] =	stream.linear.scatter [tilespmem:s26], [sflag:$0x2], $0x80, $0x38;
	[tilespmem:$0x1A900] =	vst v63  }
0xcb: {  	s8 =	simm.s32 $0x10888;
	s7 =	sadd.s32 $0x10, s6  }
0xcc: {  	[hbm4b:s7+s3] =	stream.linear.scatter [tilespmem:s8], [sflag:$0x2], $0x80, $0x38;
	[tilespmem:$0x1A900] =	vst v63  }
0xcd: {  	s17 =	simm.s32 $0x10910;
	s8 =	sadd.s32 $0x20, s6  }
0xce: {  	[hbm4b:s8+s3] =	stream.linear.scatter [tilespmem:s17], [sflag:$0x2], $0x80, $0x38;
	[tilespmem:$0x1A900] =	vst v63  }
0xcf: {  	s8 =	sadd.s32 $0x30, s6;
	s17 =	simm.s32 $0x10998  }
0xd0: {  	[hbm4b:s8+s3] =	stream.linear.scatter [tilespmem:s17], [sflag:$0x2], $0x80, $0x38;
	[tilespmem:$0x1A900] =	vst v63  }
0xd1: {  	s8 =	sadd.s32 $0x40, s6;
	s17 =	simm.s32 $0x10A20  }
0xd2: {  	[hbm4b:s8+s3] =	stream.linear.scatter [tilespmem:s17], [sflag:$0x2], $0x80, $0x38;
	[tilespmem:$0x1A900] =	vst v63  }
0xd3: {  	s8 =	sadd.s32 $0x50, s6;
	s17 =	simm.s32 $0x10AA8  }
0xd4: {  	[hbm4b:s8+s3] =	stream.linear.scatter [tilespmem:s17], [sflag:$0x2], $0x80, $0x38;
	[tilespmem:$0x1A900] =	vst v63  }
0xd5: {  	s8 =	sadd.s32 $0x60, s6;
	s17 =	simm.s32 $0x10B30  }
0xd6: {  	[hbm4b:s8+s3] =	stream.linear.scatter [tilespmem:s17], [sflag:$0x2], $0x80, $0x38;
	[tilespmem:$0x1A900] =	vst v63  }
0xd7: {  	s8 =	sadd.s32 $0x70, s6;
	s17 =	simm.s32 $0x10BB8  }
0xd8: {  	[hbm4b:s8+s3] =	stream.linear.scatter [tilespmem:s17], [sflag:$0x2], $0x80, $0x38;
	[tilespmem:$0x1A900] =	vst v63  }
0xd9: {  	s8 =	sadd.s32 $0x1000, s6;
	s17 =	simm.s32 $0x10C40  }
0xda: {  	[hbm4b:s8+s3] =	stream.linear.scatter [tilespmem:s17], [sflag:$0x2], $0x80, $0x38;
	[tilespmem:$0x1A900] =	vst v63  }
0xdb: {  	s8 =	sadd.s32 $0x1010, s6;
	s17 =	simm.s32 $0x10CC8  }
0xdc: {  	[hbm4b:s8+s3] =	stream.linear.scatter [tilespmem:s17], [sflag:$0x2], $0x80, $0x38;
	[tilespmem:$0x1A900] =	vst v63  }
0xdd: {  	s8 =	sadd.s32 $0x1020, s6;
	s17 =	simm.s32 $0x10D50  }
0xde: {  	[hbm4b:s8+s3] =	stream.linear.scatter [tilespmem:s17], [sflag:$0x2], $0x80, $0x38;
	[tilespmem:$0x1A900] =	vst v63  }
0xdf: {  	s8 =	sadd.s32 $0x1030, s6;
	s17 =	simm.s32 $0x10DD8  }
0xe0: {  	[hbm4b:s8+s3] =	stream.linear.scatter [tilespmem:s17], [sflag:$0x2], $0x80, $0x38;
	[tilespmem:$0x1A900] =	vst v63  }
0xe1: {  	s8 =	sadd.s32 $0x1040, s6;
	s17 =	simm.s32 $0x10E60  }
0xe2: {  	[hbm4b:s8+s3] =	stream.linear.scatter [tilespmem:s17], [sflag:$0x2], $0x80, $0x38;
	[tilespmem:$0x1A900] =	vst v63  }
0xe3: {  	s8 =	sadd.s32 $0x1050, s6;
	s17 =	simm.s32 $0x10EE8  }
0xe4: {  	[hbm4b:s8+s3] =	stream.linear.scatter [tilespmem:s17], [sflag:$0x2], $0x80, $0x38;
	[tilespmem:$0x1A900] =	vst v63  }
0xe5: {  	s8 =	sadd.s32 $0x1060, s6;
	s17 =	simm.s32 $0x10F70  }
0xe6: {  	[hbm4b:s8+s3] =	stream.linear.scatter [tilespmem:s17], [sflag:$0x2], $0x80, $0x38;
	[tilespmem:$0x1A900] =	vst v63  }
0xe7: {  	s8 =	sadd.s32 $0x1070, s6;
	s17 =	simm.s32 $0x10FF8  }
0xe8: {  	[hbm4b:s8+s3] =	stream.linear.scatter [tilespmem:s17], [sflag:$0x2], $0x80, $0x38;
	[tilespmem:$0x1A900] =	vst v63  }
0xe9: {  	s8 =	sadd.s32 $0x2000, s6;
	s17 =	simm.s32 $0x11080  }
0xea: {  	[hbm4b:s8+s3] =	stream.linear.scatter [tilespmem:s17], [sflag:$0x2], $0x80, $0x38;
	[tilespmem:$0x1A900] =	vst v63  }
0xeb: {  	s8 =	sadd.s32 $0x2010, s6;
	s17 =	simm.s32 $0x11108  }
0xec: {  	[hbm4b:s8+s3] =	stream.linear.scatter [tilespmem:s17], [sflag:$0x2], $0x80, $0x38;
	[tilespmem:$0x1A900] =	vst v63  }
0xed: {  	s8 =	sadd.s32 $0x2020, s6;
	s17 =	simm.s32 $0x11190  }
0xee: {  	[hbm4b:s8+s3] =	stream.linear.scatter [tilespmem:s17], [sflag:$0x2], $0x80, $0x38;
	[tilespmem:$0x1A900] =	vst v63  }
0xef: {  	s8 =	sadd.s32 $0x2030, s6;
	s17 =	simm.s32 $0x11218  }
0xf0: {  	[hbm4b:s8+s3] =	stream.linear.scatter [tilespmem:s17], [sflag:$0x2], $0x80, $0x38;
	[tilespmem:$0x1A900] =	vst v63  }
0xf1: {  	s8 =	sadd.s32 $0x2040, s6;
	s17 =	simm.s32 $0x112A0  }
0xf2: {  	[hbm4b:s8+s3] =	stream.linear.scatter [tilespmem:s17], [sflag:$0x2], $0x80, $0x38;
	[tilespmem:$0x1A900] =	vst v63  }
0xf3: {  	s8 =	sadd.s32 $0x2050, s6;
	s17 =	simm.s32 $0x11328  }
0xf4: {  	[hbm4b:s8+s3] =	stream.linear.scatter [tilespmem:s17], [sflag:$0x2], $0x80, $0x38;
	[tilespmem:$0x1A900] =	vst v63  }
0xf5: {  	s8 =	sadd.s32 $0x2060, s6;
	s17 =	simm.s32 $0x113B0  }
0xf6: {  	[hbm4b:s8+s3] =	stream.linear.scatter [tilespmem:s17], [sflag:$0x2], $0x80, $0x38;
	[tilespmem:$0x1A900] =	vst v63  }
0xf7: {  	s8 =	sadd.s32 $0x2070, s6;
	s17 =	simm.s32 $0x11438  }
0xf8: {  	[hbm4b:s8+s3] =	stream.linear.scatter [tilespmem:s17], [sflag:$0x2], $0x80, $0x38;
	[tilespmem:$0x1A900] =	vst v63  }
0xf9: {  	s8 =	sadd.s32 $0x3000, s6;
	s17 =	simm.s32 $0x114C0  }
0xfa: {  	[hbm4b:s8+s3] =	stream.linear.scatter [tilespmem:s17], [sflag:$0x2], $0x80, $0x38;
	[tilespmem:$0x1A900] =	vst v63  }
0xfb: {  	s8 =	sadd.s32 $0x3010, s6;
	s17 =	simm.s32 $0x11548  }
0xfc: {  	[hbm4b:s8+s3] =	stream.linear.scatter [tilespmem:s17], [sflag:$0x2], $0x80, $0x38;
	[tilespmem:$0x1A900] =	vst v63  }
0xfd: {  	s8 =	sadd.s32 $0x3020, s6;
	s17 =	simm.s32 $0x115D0  }
0xfe: {  	[hbm4b:s8+s3] =	stream.linear.scatter [tilespmem:s17], [sflag:$0x2], $0x80, $0x38;
	[tilespmem:$0x1A900] =	vst v63  }
0xff: {  	s8 =	sadd.s32 $0x3030, s6;
	s17 =	simm.s32 $0x11658  }
0x100: {  	[hbm4b:s8+s3] =	stream.linear.scatter [tilespmem:s17], [sflag:$0x2], $0x80, $0x38;
	[tilespmem:$0x1A900] =	vst v63  }
0x101: {  	s8 =	sadd.s32 $0x3040, s6;
	s17 =	simm.s32 $0x116E0  }
0x102: {  	[hbm4b:s8+s3] =	stream.linear.scatter [tilespmem:s17], [sflag:$0x2], $0x80, $0x38;
	[tilespmem:$0x1A900] =	vst v63  }
0x103: {  	s8 =	sadd.s32 $0x3050, s6;
	s17 =	simm.s32 $0x11768  }
0x104: {  	[hbm4b:s8+s3] =	stream.linear.scatter [tilespmem:s17], [sflag:$0x2], $0x80, $0x38;
	[tilespmem:$0x1A900] =	vst v63  }
0x105: {  	s8 =	sadd.s32 $0x3060, s6;
	s17 =	simm.s32 $0x117F0  }
0x106: {  	[hbm4b:s8+s3] =	stream.linear.scatter [tilespmem:s17], [sflag:$0x2], $0x80, $0x38;
	[tilespmem:$0x1A900] =	vst v63  }
0x107: {  	s6 =	sadd.s32 $0x3070, s6;
	s8 =	simm.s32 $0x11878  }
0x108: {  	[hbm4b:s6+s3] =	stream.linear.scatter [tilespmem:s8], [sflag:$0x2], $0x80, $0x38;
	[tilespmem:$0x1A900] =	vst v63  }
0x109: {  	s17 =	simm.s32 $0x11900;
	s6 =	sadd.s32 s18, s9  }
0x10a: {  	[hbm4b:s6+s3] =	stream.linear.scatter [tilespmem:s17], [sflag:$0x2], $0x80, $0x38;
	[tilespmem:$0x1A900] =	vst v63  }
0x10b: {  	s8 =	sadd.s32 $0x10, s6;
	s17 =	simm.s32 $0x11988  }
0x10c: {  	[hbm4b:s8+s3] =	stream.linear.scatter [tilespmem:s17], [sflag:$0x2], $0x80, $0x38;
	[tilespmem:$0x1A900] =	vst v63  }
0x10d: {  	s8 =	sadd.s32 $0x20, s6;
	s17 =	simm.s32 $0x11A10  }
0x10e: {  	[hbm4b:s8+s3] =	stream.linear.scatter [tilespmem:s17], [sflag:$0x2], $0x80, $0x38;
	[tilespmem:$0x1A900] =	vst v63  }
0x10f: {  	s8 =	sadd.s32 $0x30, s6;
	s17 =	simm.s32 $0x11A98  }
0x110: {  	[hbm4b:s8+s3] =	stream.linear.scatter [tilespmem:s17], [sflag:$0x2], $0x80, $0x38;
	[tilespmem:$0x1A900] =	vst v63  }
0x111: {  	s8 =	sadd.s32 $0x40, s6;
	s17 =	simm.s32 $0x11B20  }
0x112: {  	[hbm4b:s8+s3] =	stream.linear.scatter [tilespmem:s17], [sflag:$0x2], $0x80, $0x38;
	[tilespmem:$0x1A900] =	vst v63  }
0x113: {  	s8 =	sadd.s32 $0x50, s6;
	s17 =	simm.s32 $0x11BA8  }
0x114: {  	[hbm4b:s8+s3] =	stream.linear.scatter [tilespmem:s17], [sflag:$0x2], $0x80, $0x38;
	[tilespmem:$0x1A900] =	vst v63  }
0x115: {  	s8 =	sadd.s32 $0x60, s6;
	s17 =	simm.s32 $0x11C30  }
0x116: {  	[hbm4b:s8+s3] =	stream.linear.scatter [tilespmem:s17], [sflag:$0x2], $0x80, $0x38;
	[tilespmem:$0x1A900] =	vst v63  }
0x117: {  	s8 =	sadd.s32 $0x70, s6;
	s17 =	simm.s32 $0x11CB8  }
0x118: {  	[hbm4b:s8+s3] =	stream.linear.scatter [tilespmem:s17], [sflag:$0x2], $0x80, $0x38;
	[tilespmem:$0x1A900] =	vst v63  }
0x119: {  	s8 =	sadd.s32 $0x1000, s6;
	s17 =	simm.s32 $0x11D40  }
0x11a: {  	[hbm4b:s8+s3] =	stream.linear.scatter [tilespmem:s17], [sflag:$0x2], $0x80, $0x38;
	[tilespmem:$0x1A900] =	vst v63  }
0x11b: {  	s8 =	sadd.s32 $0x1010, s6;
	s17 =	simm.s32 $0x11DC8  }
0x11c: {  	[hbm4b:s8+s3] =	stream.linear.scatter [tilespmem:s17], [sflag:$0x2], $0x80, $0x38;
	[tilespmem:$0x1A900] =	vst v63  }
0x11d: {  	s8 =	sadd.s32 $0x1020, s6;
	s17 =	simm.s32 $0x11E50  }
0x11e: {  	[hbm4b:s8+s3] =	stream.linear.scatter [tilespmem:s17], [sflag:$0x2], $0x80, $0x38;
	[tilespmem:$0x1A900] =	vst v63  }
0x11f: {  	s8 =	sadd.s32 $0x1030, s6;
	s17 =	simm.s32 $0x11ED8  }
0x120: {  	[hbm4b:s8+s3] =	stream.linear.scatter [tilespmem:s17], [sflag:$0x2], $0x80, $0x38;
	[tilespmem:$0x1A900] =	vst v63  }
0x121: {  	s8 =	sadd.s32 $0x1040, s6;
	s17 =	simm.s32 $0x11F60  }
0x122: {  	[hbm4b:s8+s3] =	stream.linear.scatter [tilespmem:s17], [sflag:$0x2], $0x80, $0x38;
	[tilespmem:$0x1A900] =	vst v63  }
0x123: {  	s8 =	sadd.s32 $0x1050, s6;
	s17 =	simm.s32 $0x11FE8  }
0x124: {  	[hbm4b:s8+s3] =	stream.linear.scatter [tilespmem:s17], [sflag:$0x2], $0x80, $0x38;
	[tilespmem:$0x1A900] =	vst v63  }
0x125: {  	s8 =	sadd.s32 $0x1060, s6;
	s17 =	simm.s32 $0x12070  }
0x126: {  	[hbm4b:s8+s3] =	stream.linear.scatter [tilespmem:s17], [sflag:$0x2], $0x80, $0x38;
	[tilespmem:$0x1A900] =	vst v63  }
0x127: {  	s8 =	sadd.s32 $0x1070, s6;
	s17 =	simm.s32 $0x120F8  }
0x128: {  	[hbm4b:s8+s3] =	stream.linear.scatter [tilespmem:s17], [sflag:$0x2], $0x80, $0x38;
	[tilespmem:$0x1A900] =	vst v63  }
0x129: {  	s8 =	sadd.s32 $0x2000, s6;
	s17 =	simm.s32 $0x12180  }
0x12a: {  	[hbm4b:s8+s3] =	stream.linear.scatter [tilespmem:s17], [sflag:$0x2], $0x80, $0x38;
	[tilespmem:$0x1A900] =	vst v63  }
0x12b: {  	s8 =	sadd.s32 $0x2010, s6;
	s17 =	simm.s32 $0x12208  }
0x12c: {  	[hbm4b:s8+s3] =	stream.linear.scatter [tilespmem:s17], [sflag:$0x2], $0x80, $0x38;
	[tilespmem:$0x1A900] =	vst v63  }
0x12d: {  	s8 =	sadd.s32 $0x2020, s6;
	s17 =	simm.s32 $0x12290  }
0x12e: {  	[hbm4b:s8+s3] =	stream.linear.scatter [tilespmem:s17], [sflag:$0x2], $0x80, $0x38;
	[tilespmem:$0x1A900] =	vst v63  }
0x12f: {  	s8 =	sadd.s32 $0x2030, s6;
	s17 =	simm.s32 $0x12318  }
0x130: {  	[hbm4b:s8+s3] =	stream.linear.scatter [tilespmem:s17], [sflag:$0x2], $0x80, $0x38;
	[tilespmem:$0x1A900] =	vst v63  }
0x131: {  	s8 =	sadd.s32 $0x2040, s6;
	s17 =	simm.s32 $0x123A0  }
0x132: {  	[hbm4b:s8+s3] =	stream.linear.scatter [tilespmem:s17], [sflag:$0x2], $0x80, $0x38;
	[tilespmem:$0x1A900] =	vst v63  }
0x133: {  	s8 =	sadd.s32 $0x2050, s6;
	s17 =	simm.s32 $0x12428  }
0x134: {  	[hbm4b:s8+s3] =	stream.linear.scatter [tilespmem:s17], [sflag:$0x2], $0x80, $0x38;
	[tilespmem:$0x1A900] =	vst v63  }
0x135: {  	s8 =	sadd.s32 $0x2060, s6;
	s17 =	simm.s32 $0x124B0  }
0x136: {  	[hbm4b:s8+s3] =	stream.linear.scatter [tilespmem:s17], [sflag:$0x2], $0x80, $0x38;
	[tilespmem:$0x1A900] =	vst v63  }
0x137: {  	s8 =	sadd.s32 $0x2070, s6;
	s17 =	simm.s32 $0x12538  }
0x138: {  	[hbm4b:s8+s3] =	stream.linear.scatter [tilespmem:s17], [sflag:$0x2], $0x80, $0x38;
	[tilespmem:$0x1A900] =	vst v63  }
0x139: {  	s8 =	sadd.s32 $0x3000, s6;
	s17 =	simm.s32 $0x125C0  }
0x13a: {  	[hbm4b:s8+s3] =	stream.linear.scatter [tilespmem:s17], [sflag:$0x2], $0x80, $0x38;
	[tilespmem:$0x1A900] =	vst v63  }
0x13b: {  	s8 =	sadd.s32 $0x3010, s6;
	s17 =	simm.s32 $0x12648  }
0x13c: {  	[hbm4b:s8+s3] =	stream.linear.scatter [tilespmem:s17], [sflag:$0x2], $0x80, $0x38;
	[tilespmem:$0x1A900] =	vst v63  }
0x13d: {  	s8 =	sadd.s32 $0x3020, s6;
	s17 =	simm.s32 $0x126D0  }
0x13e: {  	[hbm4b:s8+s3] =	stream.linear.scatter [tilespmem:s17], [sflag:$0x2], $0x80, $0x38;
	[tilespmem:$0x1A900] =	vst v63  }
0x13f: {  	s8 =	sadd.s32 $0x3030, s6;
	s17 =	simm.s32 $0x12758  }
0x140: {  	[hbm4b:s8+s3] =	stream.linear.scatter [tilespmem:s17], [sflag:$0x2], $0x80, $0x38;
	[tilespmem:$0x1A900] =	vst v63  }
0x141: {  	s8 =	sadd.s32 $0x3040, s6;
	s17 =	simm.s32 $0x127E0  }
0x142: {  	[hbm4b:s8+s3] =	stream.linear.scatter [tilespmem:s17], [sflag:$0x2], $0x80, $0x38;
	[tilespmem:$0x1A900] =	vst v63  }
0x143: {  	s8 =	sadd.s32 $0x3050, s6;
	s17 =	simm.s32 $0x12868  }
0x144: {  	[hbm4b:s8+s3] =	stream.linear.scatter [tilespmem:s17], [sflag:$0x2], $0x80, $0x38;
	[tilespmem:$0x1A900] =	vst v63  }
0x145: {  	s8 =	sadd.s32 $0x3060, s6;
	s17 =	simm.s32 $0x128F0  }
0x146: {  	[hbm4b:s8+s3] =	stream.linear.scatter [tilespmem:s17], [sflag:$0x2], $0x80, $0x38;
	[tilespmem:$0x1A900] =	vst v63  }
0x147: {  	s6 =	sadd.s32 $0x3070, s6;
	s8 =	simm.s32 $0x12978  }
0x148: {  	[hbm4b:s6+s3] =	stream.linear.scatter [tilespmem:s8], [sflag:$0x2], $0x80, $0x38;
	[tilespmem:$0x1A900] =	vst v63  }
0x149: {  	s17 =	simm.s32 $0x12A00;
	s6 =	sadd.s32 s18, s10  }
0x14a: {  	[hbm4b:s6+s3] =	stream.linear.scatter [tilespmem:s17], [sflag:$0x2], $0x80, $0x38;
	[tilespmem:$0x1A900] =	vst v63  }
0x14b: {  	s8 =	sadd.s32 $0x10, s6;
	s17 =	simm.s32 $0x12A88  }
0x14c: {  	[hbm4b:s8+s3] =	stream.linear.scatter [tilespmem:s17], [sflag:$0x2], $0x80, $0x38;
	[tilespmem:$0x1A900] =	vst v63  }
0x14d: {  	s8 =	sadd.s32 $0x20, s6;
	s17 =	simm.s32 $0x12B10  }
0x14e: {  	[hbm4b:s8+s3] =	stream.linear.scatter [tilespmem:s17], [sflag:$0x2], $0x80, $0x38;
	[tilespmem:$0x1A900] =	vst v63  }
0x14f: {  	s8 =	sadd.s32 $0x30, s6;
	s17 =	simm.s32 $0x12B98  }
0x150: {  	[hbm4b:s8+s3] =	stream.linear.scatter [tilespmem:s17], [sflag:$0x2], $0x80, $0x38;
	[tilespmem:$0x1A900] =	vst v63  }
0x151: {  	s8 =	sadd.s32 $0x40, s6;
	s17 =	simm.s32 $0x12C20  }
0x152: {  	[hbm4b:s8+s3] =	stream.linear.scatter [tilespmem:s17], [sflag:$0x2], $0x80, $0x38;
	[tilespmem:$0x1A900] =	vst v63  }
0x153: {  	s8 =	sadd.s32 $0x50, s6;
	s17 =	simm.s32 $0x12CA8  }
0x154: {  	[hbm4b:s8+s3] =	stream.linear.scatter [tilespmem:s17], [sflag:$0x2], $0x80, $0x38;
	[tilespmem:$0x1A900] =	vst v63  }
0x155: {  	s8 =	sadd.s32 $0x60, s6;
	s17 =	simm.s32 $0x12D30  }
0x156: {  	[hbm4b:s8+s3] =	stream.linear.scatter [tilespmem:s17], [sflag:$0x2], $0x80, $0x38;
	[tilespmem:$0x1A900] =	vst v63  }
0x157: {  	s8 =	sadd.s32 $0x70, s6;
	s17 =	simm.s32 $0x12DB8  }
0x158: {  	[hbm4b:s8+s3] =	stream.linear.scatter [tilespmem:s17], [sflag:$0x2], $0x80, $0x38;
	[tilespmem:$0x1A900] =	vst v63  }
0x159: {  	s8 =	sadd.s32 $0x1000, s6;
	s17 =	simm.s32 $0x12E40  }
0x15a: {  	[hbm4b:s8+s3] =	stream.linear.scatter [tilespmem:s17], [sflag:$0x2], $0x80, $0x38;
	[tilespmem:$0x1A900] =	vst v63  }
0x15b: {  	s8 =	sadd.s32 $0x1010, s6;
	s17 =	simm.s32 $0x12EC8  }
0x15c: {  	[hbm4b:s8+s3] =	stream.linear.scatter [tilespmem:s17], [sflag:$0x2], $0x80, $0x38;
	[tilespmem:$0x1A900] =	vst v63  }
0x15d: {  	s8 =	sadd.s32 $0x1020, s6;
	s17 =	simm.s32 $0x12F50  }
0x15e: {  	[hbm4b:s8+s3] =	stream.linear.scatter [tilespmem:s17], [sflag:$0x2], $0x80, $0x38;
	[tilespmem:$0x1A900] =	vst v63  }
0x15f: {  	s8 =	sadd.s32 $0x1030, s6;
	s17 =	simm.s32 $0x12FD8  }
0x160: {  	[hbm4b:s8+s3] =	stream.linear.scatter [tilespmem:s17], [sflag:$0x2], $0x80, $0x38;
	[tilespmem:$0x1A900] =	vst v63  }
0x161: {  	s8 =	sadd.s32 $0x1040, s6;
	s17 =	simm.s32 $0x13060  }
0x162: {  	[hbm4b:s8+s3] =	stream.linear.scatter [tilespmem:s17], [sflag:$0x2], $0x80, $0x38;
	[tilespmem:$0x1A900] =	vst v63  }
0x163: {  	s8 =	sadd.s32 $0x1050, s6;
	s17 =	simm.s32 $0x130E8  }
0x164: {  	[hbm4b:s8+s3] =	stream.linear.scatter [tilespmem:s17], [sflag:$0x2], $0x80, $0x38;
	[tilespmem:$0x1A900] =	vst v63  }
0x165: {  	s8 =	sadd.s32 $0x1060, s6;
	s17 =	simm.s32 $0x13170  }
0x166: {  	[hbm4b:s8+s3] =	stream.linear.scatter [tilespmem:s17], [sflag:$0x2], $0x80, $0x38;
	[tilespmem:$0x1A900] =	vst v63  }
0x167: {  	s8 =	sadd.s32 $0x1070, s6;
	s17 =	simm.s32 $0x131F8  }
0x168: {  	[hbm4b:s8+s3] =	stream.linear.scatter [tilespmem:s17], [sflag:$0x2], $0x80, $0x38;
	[tilespmem:$0x1A900] =	vst v63  }
0x169: {  	s8 =	sadd.s32 $0x2000, s6;
	s17 =	simm.s32 $0x13280  }
0x16a: {  	[hbm4b:s8+s3] =	stream.linear.scatter [tilespmem:s17], [sflag:$0x2], $0x80, $0x38;
	[tilespmem:$0x1A900] =	vst v63  }
0x16b: {  	s8 =	sadd.s32 $0x2010, s6;
	s17 =	simm.s32 $0x13308  }
0x16c: {  	[hbm4b:s8+s3] =	stream.linear.scatter [tilespmem:s17], [sflag:$0x2], $0x80, $0x38;
	[tilespmem:$0x1A900] =	vst v63  }
0x16d: {  	s8 =	sadd.s32 $0x2020, s6;
	s17 =	simm.s32 $0x13390  }
0x16e: {  	[hbm4b:s8+s3] =	stream.linear.scatter [tilespmem:s17], [sflag:$0x2], $0x80, $0x38;
	[tilespmem:$0x1A900] =	vst v63  }
0x16f: {  	s8 =	sadd.s32 $0x2030, s6;
	s17 =	simm.s32 $0x13418  }
0x170: {  	[hbm4b:s8+s3] =	stream.linear.scatter [tilespmem:s17], [sflag:$0x2], $0x80, $0x38;
	[tilespmem:$0x1A900] =	vst v63  }
0x171: {  	s8 =	sadd.s32 $0x2040, s6;
	s17 =	simm.s32 $0x134A0  }
0x172: {  	[hbm4b:s8+s3] =	stream.linear.scatter [tilespmem:s17], [sflag:$0x2], $0x80, $0x38;
	[tilespmem:$0x1A900] =	vst v63  }
0x173: {  	s8 =	sadd.s32 $0x2050, s6;
	s17 =	simm.s32 $0x13528  }
0x174: {  	[hbm4b:s8+s3] =	stream.linear.scatter [tilespmem:s17], [sflag:$0x2], $0x80, $0x38;
	[tilespmem:$0x1A900] =	vst v63  }
0x175: {  	s8 =	sadd.s32 $0x2060, s6;
	s17 =	simm.s32 $0x135B0  }
0x176: {  	[hbm4b:s8+s3] =	stream.linear.scatter [tilespmem:s17], [sflag:$0x2], $0x80, $0x38;
	[tilespmem:$0x1A900] =	vst v63  }
0x177: {  	s8 =	sadd.s32 $0x2070, s6;
	s17 =	simm.s32 $0x13638  }
0x178: {  	[hbm4b:s8+s3] =	stream.linear.scatter [tilespmem:s17], [sflag:$0x2], $0x80, $0x38;
	[tilespmem:$0x1A900] =	vst v63  }
0x179: {  	s8 =	sadd.s32 $0x3000, s6;
	s17 =	simm.s32 $0x136C0  }
0x17a: {  	[hbm4b:s8+s3] =	stream.linear.scatter [tilespmem:s17], [sflag:$0x2], $0x80, $0x38;
	[tilespmem:$0x1A900] =	vst v63  }
0x17b: {  	s8 =	sadd.s32 $0x3010, s6;
	s17 =	simm.s32 $0x13748  }
0x17c: {  	[hbm4b:s8+s3] =	stream.linear.scatter [tilespmem:s17], [sflag:$0x2], $0x80, $0x38;
	[tilespmem:$0x1A900] =	vst v63  }
0x17d: {  	s8 =	sadd.s32 $0x3020, s6;
	s17 =	simm.s32 $0x137D0  }
0x17e: {  	[hbm4b:s8+s3] =	stream.linear.scatter [tilespmem:s17], [sflag:$0x2], $0x80, $0x38;
	[tilespmem:$0x1A900] =	vst v63  }
0x17f: {  	s8 =	sadd.s32 $0x3030, s6;
	s17 =	simm.s32 $0x13858  }
0x180: {  	[hbm4b:s8+s3] =	stream.linear.scatter [tilespmem:s17], [sflag:$0x2], $0x80, $0x38;
	[tilespmem:$0x1A900] =	vst v63  }
0x181: {  	s8 =	sadd.s32 $0x3040, s6;
	s17 =	simm.s32 $0x138E0  }
0x182: {  	[hbm4b:s8+s3] =	stream.linear.scatter [tilespmem:s17], [sflag:$0x2], $0x80, $0x38;
	[tilespmem:$0x1A900] =	vst v63  }
0x183: {  	s8 =	sadd.s32 $0x3050, s6;
	s17 =	simm.s32 $0x13968  }
0x184: {  	[hbm4b:s8+s3] =	stream.linear.scatter [tilespmem:s17], [sflag:$0x2], $0x80, $0x38;
	[tilespmem:$0x1A900] =	vst v63  }
0x185: {  	s8 =	sadd.s32 $0x3060, s6;
	s17 =	simm.s32 $0x139F0  }
0x186: {  	[hbm4b:s8+s3] =	stream.linear.scatter [tilespmem:s17], [sflag:$0x2], $0x80, $0x38;
	[tilespmem:$0x1A900] =	vst v63  }
0x187: {  	s6 =	sadd.s32 $0x3070, s6;
	s8 =	simm.s32 $0x13A78  }
0x188: {  	[hbm4b:s6+s3] =	stream.linear.scatter [tilespmem:s8], [sflag:$0x2], $0x80, $0x38;
	[tilespmem:$0x1A900] =	vst v63  }
0x189: {  	s17 =	simm.s32 $0x13B00;
	s6 =	sadd.s32 s18, s11  }
0x18a: {  	[hbm4b:s6+s3] =	stream.linear.scatter [tilespmem:s17], [sflag:$0x2], $0x80, $0x38;
	[tilespmem:$0x1A900] =	vst v63  }
0x18b: {  	s8 =	sadd.s32 $0x10, s6;
	s17 =	simm.s32 $0x13B88  }
0x18c: {  	[hbm4b:s8+s3] =	stream.linear.scatter [tilespmem:s17], [sflag:$0x2], $0x80, $0x38;
	[tilespmem:$0x1A900] =	vst v63  }
0x18d: {  	s8 =	sadd.s32 $0x20, s6;
	s17 =	simm.s32 $0x13C10  }
0x18e: {  	[hbm4b:s8+s3] =	stream.linear.scatter [tilespmem:s17], [sflag:$0x2], $0x80, $0x38;
	[tilespmem:$0x1A900] =	vst v63  }
0x18f: {  	s8 =	sadd.s32 $0x30, s6;
	s17 =	simm.s32 $0x13C98  }
0x190: {  	[hbm4b:s8+s3] =	stream.linear.scatter [tilespmem:s17], [sflag:$0x2], $0x80, $0x38;
	[tilespmem:$0x1A900] =	vst v63  }
0x191: {  	s8 =	sadd.s32 $0x40, s6;
	s17 =	simm.s32 $0x13D20  }
0x192: {  	[hbm4b:s8+s3] =	stream.linear.scatter [tilespmem:s17], [sflag:$0x2], $0x80, $0x38;
	[tilespmem:$0x1A900] =	vst v63  }
0x193: {  	s8 =	sadd.s32 $0x50, s6;
	s17 =	simm.s32 $0x13DA8  }
0x194: {  	[hbm4b:s8+s3] =	stream.linear.scatter [tilespmem:s17], [sflag:$0x2], $0x80, $0x38;
	[tilespmem:$0x1A900] =	vst v63  }
0x195: {  	s8 =	sadd.s32 $0x60, s6;
	s17 =	simm.s32 $0x13E30  }
0x196: {  	[hbm4b:s8+s3] =	stream.linear.scatter [tilespmem:s17], [sflag:$0x2], $0x80, $0x38;
	[tilespmem:$0x1A900] =	vst v63  }
0x197: {  	s8 =	sadd.s32 $0x70, s6;
	s17 =	simm.s32 $0x13EB8  }
0x198: {  	[hbm4b:s8+s3] =	stream.linear.scatter [tilespmem:s17], [sflag:$0x2], $0x80, $0x38;
	[tilespmem:$0x1A900] =	vst v63  }
0x199: {  	s8 =	sadd.s32 $0x1000, s6;
	s17 =	simm.s32 $0x13F40  }
0x19a: {  	[hbm4b:s8+s3] =	stream.linear.scatter [tilespmem:s17], [sflag:$0x2], $0x80, $0x38;
	[tilespmem:$0x1A900] =	vst v63  }
0x19b: {  	s8 =	sadd.s32 $0x1010, s6;
	s17 =	simm.s32 $0x13FC8  }
0x19c: {  	[hbm4b:s8+s3] =	stream.linear.scatter [tilespmem:s17], [sflag:$0x2], $0x80, $0x38;
	[tilespmem:$0x1A900] =	vst v63  }
0x19d: {  	s8 =	sadd.s32 $0x1020, s6;
	s17 =	simm.s32 $0x14050  }
0x19e: {  	[hbm4b:s8+s3] =	stream.linear.scatter [tilespmem:s17], [sflag:$0x2], $0x80, $0x38;
	[tilespmem:$0x1A900] =	vst v63  }
0x19f: {  	s8 =	sadd.s32 $0x1030, s6;
	s17 =	simm.s32 $0x140D8  }
0x1a0: {  	[hbm4b:s8+s3] =	stream.linear.scatter [tilespmem:s17], [sflag:$0x2], $0x80, $0x38;
	[tilespmem:$0x1A900] =	vst v63  }
0x1a1: {  	s8 =	sadd.s32 $0x1040, s6;
	s17 =	simm.s32 $0x14160  }
0x1a2: {  	[hbm4b:s8+s3] =	stream.linear.scatter [tilespmem:s17], [sflag:$0x2], $0x80, $0x38;
	[tilespmem:$0x1A900] =	vst v63  }
0x1a3: {  	s8 =	sadd.s32 $0x1050, s6;
	s17 =	simm.s32 $0x141E8  }
0x1a4: {  	[hbm4b:s8+s3] =	stream.linear.scatter [tilespmem:s17], [sflag:$0x2], $0x80, $0x38;
	[tilespmem:$0x1A900] =	vst v63  }
0x1a5: {  	s8 =	sadd.s32 $0x1060, s6;
	s17 =	simm.s32 $0x14270  }
0x1a6: {  	[hbm4b:s8+s3] =	stream.linear.scatter [tilespmem:s17], [sflag:$0x2], $0x80, $0x38;
	[tilespmem:$0x1A900] =	vst v63  }
0x1a7: {  	s8 =	sadd.s32 $0x1070, s6;
	s17 =	simm.s32 $0x142F8  }
0x1a8: {  	[hbm4b:s8+s3] =	stream.linear.scatter [tilespmem:s17], [sflag:$0x2], $0x80, $0x38;
	[tilespmem:$0x1A900] =	vst v63  }
0x1a9: {  	s8 =	sadd.s32 $0x2000, s6;
	s17 =	simm.s32 $0x14380  }
0x1aa: {  	[hbm4b:s8+s3] =	stream.linear.scatter [tilespmem:s17], [sflag:$0x2], $0x80, $0x38;
	[tilespmem:$0x1A900] =	vst v63  }
0x1ab: {  	s8 =	sadd.s32 $0x2010, s6;
	s17 =	simm.s32 $0x14408  }
0x1ac: {  	[hbm4b:s8+s3] =	stream.linear.scatter [tilespmem:s17], [sflag:$0x2], $0x80, $0x38;
	[tilespmem:$0x1A900] =	vst v63  }
0x1ad: {  	s8 =	sadd.s32 $0x2020, s6;
	s17 =	simm.s32 $0x14490  }
0x1ae: {  	[hbm4b:s8+s3] =	stream.linear.scatter [tilespmem:s17], [sflag:$0x2], $0x80, $0x38;
	[tilespmem:$0x1A900] =	vst v63  }
0x1af: {  	s8 =	sadd.s32 $0x2030, s6;
	s17 =	simm.s32 $0x14518  }
0x1b0: {  	[hbm4b:s8+s3] =	stream.linear.scatter [tilespmem:s17], [sflag:$0x2], $0x80, $0x38;
	[tilespmem:$0x1A900] =	vst v63  }
0x1b1: {  	s8 =	sadd.s32 $0x2040, s6;
	s17 =	simm.s32 $0x145A0  }
0x1b2: {  	[hbm4b:s8+s3] =	stream.linear.scatter [tilespmem:s17], [sflag:$0x2], $0x80, $0x38;
	[tilespmem:$0x1A900] =	vst v63  }
0x1b3: {  	s8 =	sadd.s32 $0x2050, s6;
	s17 =	simm.s32 $0x14628  }
0x1b4: {  	[hbm4b:s8+s3] =	stream.linear.scatter [tilespmem:s17], [sflag:$0x2], $0x80, $0x38;
	[tilespmem:$0x1A900] =	vst v63  }
0x1b5: {  	s8 =	sadd.s32 $0x2060, s6;
	s17 =	simm.s32 $0x146B0  }
0x1b6: {  	[hbm4b:s8+s3] =	stream.linear.scatter [tilespmem:s17], [sflag:$0x2], $0x80, $0x38;
	[tilespmem:$0x1A900] =	vst v63  }
0x1b7: {  	s8 =	sadd.s32 $0x2070, s6;
	s17 =	simm.s32 $0x14738  }
0x1b8: {  	[hbm4b:s8+s3] =	stream.linear.scatter [tilespmem:s17], [sflag:$0x2], $0x80, $0x38;
	[tilespmem:$0x1A900] =	vst v63  }
0x1b9: {  	s8 =	sadd.s32 $0x3000, s6;
	s17 =	simm.s32 $0x147C0  }
0x1ba: {  	[hbm4b:s8+s3] =	stream.linear.scatter [tilespmem:s17], [sflag:$0x2], $0x80, $0x38;
	[tilespmem:$0x1A900] =	vst v63  }
0x1bb: {  	s8 =	sadd.s32 $0x3010, s6;
	s17 =	simm.s32 $0x14848  }
0x1bc: {  	[hbm4b:s8+s3] =	stream.linear.scatter [tilespmem:s17], [sflag:$0x2], $0x80, $0x38;
	[tilespmem:$0x1A900] =	vst v63  }
0x1bd: {  	s8 =	sadd.s32 $0x3020, s6;
	s17 =	simm.s32 $0x148D0  }
0x1be: {  	[hbm4b:s8+s3] =	stream.linear.scatter [tilespmem:s17], [sflag:$0x2], $0x80, $0x38;
	[tilespmem:$0x1A900] =	vst v63  }
0x1bf: {  	s8 =	sadd.s32 $0x3030, s6;
	s17 =	simm.s32 $0x14958  }
0x1c0: {  	[hbm4b:s8+s3] =	stream.linear.scatter [tilespmem:s17], [sflag:$0x2], $0x80, $0x38;
	[tilespmem:$0x1A900] =	vst v63  }
0x1c1: {  	s8 =	sadd.s32 $0x3040, s6;
	s17 =	simm.s32 $0x149E0  }
0x1c2: {  	[hbm4b:s8+s3] =	stream.linear.scatter [tilespmem:s17], [sflag:$0x2], $0x80, $0x38;
	[tilespmem:$0x1A900] =	vst v63  }
0x1c3: {  	s8 =	sadd.s32 $0x3050, s6;
	s17 =	simm.s32 $0x14A68  }
0x1c4: {  	[hbm4b:s8+s3] =	stream.linear.scatter [tilespmem:s17], [sflag:$0x2], $0x80, $0x38;
	[tilespmem:$0x1A900] =	vst v63  }
0x1c5: {  	s8 =	sadd.s32 $0x3060, s6;
	s17 =	simm.s32 $0x14AF0  }
0x1c6: {  	[hbm4b:s8+s3] =	stream.linear.scatter [tilespmem:s17], [sflag:$0x2], $0x80, $0x38;
	[tilespmem:$0x1A900] =	vst v63  }
0x1c7: {  	s6 =	sadd.s32 $0x3070, s6;
	s17 =	simm.s32 $0x14B78  }
0x1c8: {  	[hbm4b:s6+s3] =	stream.linear.scatter [tilespmem:s17], [sflag:$0x2], $0x80, $0x38;
	[tilespmem:$0x1A900] =	vst v63  }
0x1c9: {  	_ =	swait.ge [sflag:s25], $0x1000  }
0x1ca: {  	[sflag:s25] =	ssyncset.done $0x0  }
0x1cb: {  	[sflag:s25] =	ssyncadd.s32 $0xFFFFF000  }
0x1cc: {  	_ =	swait.ge [sflag:s25], $0x1000  }
0x1cd: {  	[sflag:s25] =	ssyncset.done $0x0  }
0x1ce: {  	[sflag:s25] =	ssyncadd.s32 $0xFFFFF000  }
0x1cf: {  	_ =	swait.ge [sflag:s25], $0x1000  }
0x1d0: {  	[sflag:s25] =	ssyncset.done $0x0  }
0x1d1: {  	p1 =	sgt.u32 s0, $0x16;
	[sflag:s25] =	ssyncadd.s32 $0xFFFFF000  }
0x1d2: {  	p2 =	seq.s32 @!p1 s0, $0x0;
	_ =	swait.ge [sflag:s25], $0x1000  }
0x1d3: {  	s7 =	sshll.u32 @!p1 s23, $0xA;
	s6 =	sshll.u32 @!p1 s0, $0xC;
	[sflag:s25] =	ssyncset.done $0x0  }
0x1d4: {  	s8 =	simm.s32 @!p1 $0x0;
	s6 =	sadd.s32 @!p1 s6, s12;
	[sflag:s25] =	ssyncadd.s32 $0xFFFFF000  }
0x1d5: {  	[tilespmem:s7], [sflag:$0x3] =	stream.linear.gather @!p1 [hbm4b:s6+s8], $0x400, $0x38;
	[tilespmem:$0x1A900] =	vst v63  }
0x1d6: {  	p1 =	por p1, !p2  }
0x1d7: {  	_ =	swait.ge @p1 [sflag:s31], $0x1000  }
0x1d8: {  	[sflag:s31] =	ssyncset.done @p1 $0x0  }
0x1d9: {  	[sflag:s31] =	ssyncadd.s32 @p1 $0xFFFFF000  }
0x1da: {  	_ =	swait.ge @p1 [sflag:s31], $0x1000  }
0x1db: {  	[sflag:s31] =	ssyncset.done @p1 $0x0  }
0x1dc: {  	[sflag:s31] =	ssyncadd.s32 @p1 $0xFFFFF000  }
0x1dd: {  	_ =	swait.ge @p1 [sflag:s31], $0x1000  }
0x1de: {  	[sflag:s31] =	ssyncset.done @p1 $0x0  }
0x1df: {  	[sflag:s31] =	ssyncadd.s32 @p1 $0xFFFFF000  }
0x1e0: {  	_ =	swait.ge @p1 [sflag:s31], $0x1000  }
0x1e1: {  	[sflag:s31] =	ssyncset.done @p1 $0x0  }
0x1e2: {  	s0 =	simm.s32 $0x0;
	s6 =	simm.s32 $0x0;
	[sflag:s31] =	ssyncadd.s32 @p1 $0xFFFFF000  }
.LBB2_7:
0x1e3: {  	s7 =	sshll.u32 s6, $0x2  }
0x1e4: {  	v1 =	vld [tilespmem:$0x1FFC0];
	s23 =	simm.s32 $0x2;
	s8 =	simm.s32 $0x3;
	v0 =	vmov s7  }
0x1e5: {  	v2 =	vmov s23;
	v3 =	vmov s8;
	s8 =	simm.s32 $0x5;
	v0 =	vmul.u32 $0x440, v0  }
0x1e6: {  	v5 =	vmov s8;
	s8 =	simm.s32 $0x7;
	v2 =	vshrl.u32 v2, $0x3  }
0x1e7: {  	v3 =	vshrl.u32 v3, $0x3;
	v7 =	vmov s8;
	v0 =	vbroadcast v0, $0x0  }
0x1e8: {  	v5 =	vshrl.u32 v5, $0x3;
	v2 =	vshll.u32 v2, v16;
	v3 =	vshll.u32 v3, v16  }
0x1e9: {  	v50 =	vadd.s32 v1, v0;
	v1 =	vld [tilespmem:$0x1FFD0];
	v47 =	vadd.s32 v19, v0;
	v46 =	vadd.s32 v20, v0  }
0x1ea: {  	v45 =	vadd.s32 v21, v0;
	v43 =	vadd.s32 v22, v0;
	v42 =	vadd.s32 v23, v0  }
0x1eb: {  	v51 =	vadd.s32 v24, v0;
	v40 =	vadd.s32 v25, v0;
	v39 =	vadd.s32 v26, v0  }
0x1ec: {  	v38 =	vadd.s32 v27, v0;
	v37 =	vadd.s32 v28, v0;
	v36 =	vadd.s32 v29, v0  }
0x1ed: {  	s17 =	simm.s32 $0x1;
	v35 =	vadd.s32 v30, v0;
	v34 =	vadd.s32 v31, v0;
	v44 =	vadd.s32 v32, v0  }
0x1ee: {  	v49 =	vadd.s32 v1, v0;
	v0 =	vmov s0;
	v1 =	vmov s17;
	s17 =	simm.s32 $0x4  }
0x1ef: {  	v8 =	vld [tilespmem:s2+$0xFFFFFFF0];
	s23 =	sshll.u32 s6, $0x5;
	v7 =	vshrl.u32 v7, $0x3;
	v4 =	vmov s17;
	s17 =	simm.s32 $0x6;
	v0 =	vshrl.u32 v0, $0x3  }
0x1f0: {  	v9 =	vld [tilespmem:s2+$0xFFFFFF10];
	v2 =	vbroadcast v2, $0x0;
	v6 =	vmov s17;
	s17 =	sand.u32 $0x3FFFFFE0, s23;
	v0 =	vshll.u32 v0, v16  }
0x1f1: {  	v7 =	vshll.u32 v7, v16;
	v1 =	vshrl.u32 v1, $0x3;
	v48 =	vld.idx.msk [tilespmem:v33+s17+$0x80 ss:$0x1], $0xffff;
	v0 =	vbroadcast v0, $0x0  }
0x1f2: {  	v10 =	vld [tilespmem:s2+$0xFFFFFF30];
	v5 =	vshll.u32 v5, v16;
	v7 =	vbroadcast v7, $0x0;
	v1 =	vshll.u32 v1, v16  }
0x1f3: {  	v13 =	vld [tilespmem:s2+$0xFFFFFF50];
	v3 =	vbroadcast v3, $0x0;
	v1 =	vbroadcast v1, $0x0;
	v12 =	vadd.s32 v50, v0  }
0x1f4: {  	v15 =	vld [tilespmem:s2+$0xFFFFFF70];
	v5 =	vbroadcast v5, $0x0;
	v11 =	vadd.s32 v51, v7;
	v4 =	vshrl.u32 v4, $0x3  }
0x1f5: {  	v53 =	vld [tilespmem:s2+$0xFFFFFF90];
	v52 =	vadd.s32 v47, v2;
	v4 =	vshll.u32 v4, v16;
	v14 =	vadd.s32 v49, v1  }
0x1f6: {  	v55 =	vld [tilespmem:s2+$0xFFFFFFB0];
	v6 =	vshrl.u32 v6, $0x3;
	v4 =	vbroadcast v4, $0x0;
	v9 =	vadd.f32 v9, v48  }
0x1f7: {  	v54 =	vadd.s32 v46, v3;
	v41 =	vld.idx.msk [tilespmem:v33+s17+$0x90 ss:$0x1], $0xffff;
	v6 =	vshll.u32 v6, v16;
	v8 =	vadd.f32 v8, v48  }
0x1f8: {  	v57 =	vld [tilespmem:s2+$0xFFFFFFD0];
	v6 =	vbroadcast v6, $0x0;
	v56 =	vadd.s32 v45, v4;
	v10 =	vadd.f32 v10, v48;
	[tilespmem:v12+s26+$0x0] =	vst.idx.msk $0xffff, v9  }
0x1f9: {  	v58 =	vadd.f32 v13, v48;
	[tilespmem:v11+s26+$0x0] =	vst.idx.msk $0xffff, v8;
	v9 =	vadd.s32 v43, v5;
	v12 =	vld [tilespmem:s2+$0xFFFFFF20]  }
0x1fa: {  	s8 =	simm.s32 $0x9;
	v59 =	vadd.f32 v15, v48;
	v13 =	vadd.s32 v42, v6;
	[tilespmem:v14+s26+$0x0] =	vst.idx.msk $0xffff, v10;
	v11 =	vld [tilespmem:s2+$0x0]  }
0x1fb: {  	v61 =	vmov s8;
	v0 =	vadd.s32 v40, v0;
	[tilespmem:v52+s26+$0x0] =	vst.idx.msk $0xffff, v58;
	v58 =	vadd.f32 v53, v48;
	v15 =	vld [tilespmem:s2+$0xFFFFFF40]  }
0x1fc: {  	v61 =	vshrl.u32 v61, $0x3;
	v7 =	vadd.s32 v44, v7;
	s23 =	simm.s32 $0x8;
	[tilespmem:v54+s26+$0x0] =	vst.idx.msk $0xffff, v59;
	v59 =	vadd.f32 v55, v48;
	v60 =	vld [tilespmem:s2+$0xFFFFFF60]  }
0x1fd: {  	v63 =	vmov s23;
	s23 =	simm.s32 $0xB;
	v1 =	vadd.s32 v39, v1;
	v62 =	vadd.f32 v57, v48;
	v54 =	vld [tilespmem:s2+$0xFFFFFF80];
	[tilespmem:v56+s26+$0x0] =	vst.idx.msk $0xffff, v58  }
0x1fe: {  	v2 =	vadd.s32 v38, v2;
	v57 =	vmov s23;
	v17 =	vld [tilespmem:s2+$0xFFFFFFA0];
	[tilespmem:v9+s26+$0x0] =	vst.idx.msk $0xffff, v59;
	v12 =	vadd.f32 v12, v41  }
0x1ff: {  	s17 =	simm.s32 $0xA;
	v14 =	vshrl.u32 v63, $0x3;
	v52 =	vadd.s32 v37, v3;
	[tilespmem:v13+s26+$0x0] =	vst.idx.msk $0xffff, v62;
	v63 =	vadd.f32 v11, v41;
	v62 =	vld [tilespmem:s2+$0xFFFFFFC0]  }
0x200: {  	s8 =	simm.s32 $0xC;
	v55 =	vmov s17;
	v53 =	vadd.s32 v36, v4;
	v3 =	vadd.f32 v15, v41;
	[tilespmem:v0+s26+$0x0] =	vst.idx.msk $0xffff, v12;
	v0 =	vld [tilespmem:s2+$0xFFFFFFE0]  }
0x201: {  	s17 =	simm.s32 $0xD;
	v58 =	vmov s8;
	v56 =	vadd.s32 v35, v5;
	v13 =	vadd.f32 v60, v41;
	[tilespmem:v7+s26+$0x0] =	vst.idx.msk $0xffff, v63  }
0x202: {  	s23 =	simm.s32 $0xE;
	v59 =	vmov s17;
	[tilespmem:v1+s26+$0x0] =	vst.idx.msk $0xffff, v3;
	v63 =	vadd.f32 v54, v41;
	v54 =	vadd.s32 v34, v6  }
0x203: {  	s7 =	simm.s32 $0xF;
	s8 =	smov.u32 s2;
	s17 =	simm.s32 $0x10;
	v60 =	vmov s23;
	v1 =	vshll.u32 v14, v16;
	[tilespmem:v2+s26+$0x0] =	vst.idx.msk $0xffff, v13;
	v2 =	vadd.f32 v17, v41  }
.LBB2_8:
0x204: {  	p1 =	slt.u32 s17, $0x78;
	v3 =	vshrl.u32 v55, $0x3;
	v4 =	vmov s7;
	[tilespmem:v52+s26+$0x0] =	vst.idx.msk $0xffff, v63;
	v5 =	vadd.f32 v62, v41  }
0x205: {  	v6 =	vshrl.u32 v57, $0x3;
	v4 =	vshrl.u32 v4, $0x3;
	[tilespmem:v53+s26+$0x0] =	vst.idx.msk $0xffff, v2;
	v0 =	vadd.f32 v0, v41  }
0x206: {  	v7 =	vshrl.u32 v59, $0x3;
	s8 =	sadd.s32 $0x100, s8;
	v2 =	vshrl.u32 v58, $0x3;
	v4 =	vshll.u32 v4, v16;
	[tilespmem:v56+s26+$0x0] =	vst.idx.msk $0xffff, v5  }
0x207: {  	v1 =	vbroadcast v1, $0x0;
	v5 =	vshrl.u32 v60, $0x3;
	v8 =	vld [tilespmem:s8+$0xFFFFFFF0];
	v4 =	vbroadcast v4, $0x0;
	[tilespmem:v54+s26+$0x0] =	vst.idx.msk $0xffff, v0  }
0x208: {  	v9 =	vshll.u32 v61, v16;
	v3 =	vshll.u32 v3, v16;
	v6 =	vshll.u32 v6, v16;
	v0 =	vld [tilespmem:s8+$0xFFFFFF10]  }
0x209: {  	v9 =	vbroadcast v9, $0x0;
	v2 =	vshll.u32 v2, v16;
	v10 =	vld [tilespmem:s8+$0xFFFFFF30];
	v11 =	vadd.s32 v51, v4  }
0x20a: {  	v7 =	vshll.u32 v7, v16;
	v12 =	vadd.s32 v50, v1;
	v3 =	vbroadcast v3, $0x0;
	v13 =	vld [tilespmem:s8+$0xFFFFFF50]  }
0x20b: {  	v6 =	vbroadcast v6, $0x0;
	v14 =	vadd.s32 v49, v9;
	v5 =	vshll.u32 v5, v16;
	v15 =	vld [tilespmem:s8+$0xFFFFFF70]  }
0x20c: {  	v2 =	vbroadcast v2, $0x0;
	v17 =	vadd.s32 v47, v3;
	v52 =	vld [tilespmem:s8+$0xFFFFFF90];
	v8 =	vadd.f32 v8, v48  }
0x20d: {  	v7 =	vbroadcast v7, $0x0;
	v53 =	vadd.s32 v46, v6;
	v0 =	vadd.f32 v0, v48;
	v54 =	vld [tilespmem:s8+$0xFFFFFFB0]  }
0x20e: {  	v5 =	vbroadcast v5, $0x0;
	v55 =	vadd.s32 v45, v2;
	v10 =	vadd.f32 v10, v48;
	v56 =	vld [tilespmem:s8+$0xFFFFFFD0];
	[tilespmem:v11+s26+$0x0] =	vst.idx.msk $0xffff, v8  }
0x20f: {  	v8 =	vadd.s32 v43, v7;
	[tilespmem:v12+s26+$0x0] =	vst.idx.msk $0xffff, v0;
	v0 =	vadd.f32 v13, v48;
	v11 =	vld [tilespmem:s8+$0x0]  }
0x210: {  	v13 =	vadd.s32 v42, v5;
	v12 =	vld [tilespmem:s8+$0xFFFFFF20];
	[tilespmem:v14+s26+$0x0] =	vst.idx.msk $0xffff, v10;
	v10 =	vadd.f32 v15, v48  }
0x211: {  	v4 =	vadd.s32 v44, v4;
	v14 =	vmov s17;
	v15 =	vld [tilespmem:s8+$0xFFFFFF40];
	[tilespmem:v17+s26+$0x0] =	vst.idx.msk $0xffff, v0;
	v0 =	vadd.f32 v52, v48  }
0x212: {  	s7 =	sadd.s32 $0x1, s17;
	v1 =	vadd.s32 v40, v1;
	v14 =	vshrl.u32 v14, $0x3;
	v17 =	vld [tilespmem:s8+$0xFFFFFF60];
	[tilespmem:v53+s26+$0x0] =	vst.idx.msk $0xffff, v10;
	v10 =	vadd.f32 v54, v48  }
0x213: {  	v61 =	vmov s7;
	s7 =	sadd.s32 $0x2, s17;
	v9 =	vadd.s32 v39, v9;
	v54 =	vld [tilespmem:s8+$0xFFFFFF80];
	[tilespmem:v55+s26+$0x0] =	vst.idx.msk $0xffff, v0;
	v0 =	vadd.f32 v56, v48  }
0x214: {  	v3 =	vadd.s32 v38, v3;
	v55 =	vmov s7;
	s7 =	sadd.s32 $0x3, s17;
	v18 =	vld [tilespmem:s8+$0xFFFFFFA0];
	[tilespmem:v8+s26+$0x0] =	vst.idx.msk $0xffff, v10;
	v8 =	vadd.f32 v11, v41  }
.Ltmp2:
0x215: {  	v52 =	vadd.s32 v37, v6;
	v57 =	vmov s7;
	s7 =	sadd.s32 $0x4, s17;
	v10 =	vadd.f32 v12, v41;
	v62 =	vld [tilespmem:s8+$0xFFFFFFC0];
	[tilespmem:v13+s26+$0x0] =	vst.idx.msk $0xffff, v0;
	(pc) =	sbr.rel @p1 .LBB2_8-.Ltmp2, $4  }
0x216: {  	v53 =	vadd.s32 v36, v2;
	v58 =	vmov s7;
	s7 =	sadd.s32 $0x5, s17;
	v6 =	vadd.f32 v15, v41;
	v0 =	vld [tilespmem:s8+$0xFFFFFFE0];
	[tilespmem:v4+s26+$0x0] =	vst.idx.msk $0xffff, v8  }
0x217: {  	v56 =	vadd.s32 v35, v7;
	v59 =	vmov s7;
	s7 =	sadd.s32 $0x6, s17;
	[tilespmem:v1+s26+$0x0] =	vst.idx.msk $0xffff, v10;
	v2 =	vadd.f32 v17, v41  }
0x218: {  	v60 =	vmov s7;
	[tilespmem:v9+s26+$0x0] =	vst.idx.msk $0xffff, v6;
	v63 =	vadd.f32 v54, v41;
	v54 =	vadd.s32 v34, v5  }
0x219: {  	v61 =	vshrl.u32 v61, $0x3;
	v1 =	vshll.u32 v14, v16;
	s7 =	sadd.s32 $0x7, s17;
	s17 =	sadd.s32 $0x8, s17;
	[tilespmem:v3+s26+$0x0] =	vst.idx.msk $0xffff, v2;
	v2 =	vadd.f32 v18, v41  }
0x21a: {  	v3 =	vshrl.u32 v55, $0x3;
	v4 =	vmov s7;
	v5 =	vadd.f32 v62, v41  }
0x21b: {  	v6 =	vshrl.u32 v57, $0x3;
	v7 =	vshrl.u32 v58, $0x3;
	v8 =	vshrl.u32 v59, $0x3  }
0x21c: {  	s8 =	sadd.s32 $0x100, s8;
	v1 =	vbroadcast v1, $0x0;
	v9 =	vshrl.u32 v60, $0x3;
	v12 =	vshll.u32 v61, v16  }
0x21d: {  	v4 =	vshrl.u32 v4, $0x3;
	v0 =	vadd.f32 v0, v41;
	v11 =	vld [tilespmem:s8+$0xFFFFFF10];
	v3 =	vshll.u32 v3, v16  }
0x21e: {  	v6 =	vshll.u32 v6, v16;
	v13 =	vld [tilespmem:s8+$0xFFFFFF30];
	v12 =	vbroadcast v12, $0x0;
	v7 =	vshll.u32 v7, v16  }
0x21f: {  	v17 =	vld [tilespmem:s8+$0xFFFFFF50];
	v8 =	vshll.u32 v8, v16;
	v15 =	vadd.s32 v50, v1;
	v3 =	vbroadcast v3, $0x0  }
0x220: {  	[tilespmem:v53+s26+$0x0] =	vst.idx.msk $0xffff, v2;
	v18 =	vld [tilespmem:s8+$0xFFFFFF70];
	v9 =	vshll.u32 v9, v16;
	v6 =	vbroadcast v6, $0x0;
	v53 =	vadd.s32 v49, v12  }
0x221: {  	v4 =	vshll.u32 v4, v16;
	[tilespmem:v56+s26+$0x0] =	vst.idx.msk $0xffff, v5;
	v56 =	vld [tilespmem:s8+$0xFFFFFF90];
	v7 =	vbroadcast v7, $0x0;
	v55 =	vadd.s32 v47, v3  }
0x222: {  	[tilespmem:v52+s26+$0x0] =	vst.idx.msk $0xffff, v63;
	v59 =	vld [tilespmem:s8+$0xFFFFFFB0];
	v8 =	vbroadcast v8, $0x0;
	v58 =	vadd.s32 v46, v6;
	v57 =	vadd.f32 v11, v48  }
0x223: {  	v60 =	vld [tilespmem:s8+$0xFFFFFFD0];
	v9 =	vbroadcast v9, $0x0;
	[tilespmem:v54+s26+$0x0] =	vst.idx.msk $0xffff, v0;
	v45 =	vadd.s32 v45, v7;
	v13 =	vadd.f32 v13, v48  }
0x224: {  	v10 =	vld [tilespmem:s8+$0xFFFFFFF0];
	v4 =	vbroadcast v4, $0x0;
	v62 =	vadd.s32 v43, v8;
	v61 =	vadd.f32 v17, v48;
	[tilespmem:v15+s26+$0x0] =	vst.idx.msk $0xffff, v57  }
0x225: {  	v42 =	vadd.s32 v42, v9;
	v63 =	vadd.f32 v18, v48;
	[tilespmem:v53+s26+$0x0] =	vst.idx.msk $0xffff, v13;
	v15 =	vld [tilespmem:s8+$0xFFFFFF20]  }
0x226: {  	v14 =	vadd.s32 v51, v4;
	v43 =	vadd.f32 v56, v48;
	v17 =	vld [tilespmem:s8+$0xFFFFFF40];
	[tilespmem:v55+s26+$0x0] =	vst.idx.msk $0xffff, v61  }
0x227: {  	v1 =	vadd.s32 v40, v1;
	v47 =	vadd.f32 v59, v48;
	[tilespmem:v58+s26+$0x0] =	vst.idx.msk $0xffff, v63;
	v5 =	vld [tilespmem:s8+$0xFFFFFF60]  }
0x228: {  	v50 =	vadd.s32 v39, v12;
	v52 =	vadd.f32 v60, v48;
	[tilespmem:v45+s26+$0x0] =	vst.idx.msk $0xffff, v43;
	v51 =	vld [tilespmem:s8+$0xFFFFFF80]  }
0x229: {  	v3 =	vadd.s32 v38, v3;
	v10 =	vadd.f32 v10, v48;
	[tilespmem:v62+s26+$0x0] =	vst.idx.msk $0xffff, v47;
	v18 =	vld [tilespmem:s8+$0xFFFFFFA0]  }
0x22a: {  	v6 =	vadd.s32 v37, v6;
	[tilespmem:v42+s26+$0x0] =	vst.idx.msk $0xffff, v52;
	v55 =	vld [tilespmem:s8+$0xFFFFFFC0];
	v54 =	vadd.f32 v15, v41  }
0x22b: {  	v7 =	vadd.s32 v36, v7;
	[tilespmem:v14+s26+$0x0] =	vst.idx.msk $0xffff, v10;
	v13 =	vld [tilespmem:s8+$0xFFFFFFE0];
	v56 =	vadd.f32 v17, v41  }
0x22c: {  	v58 =	vadd.s32 v35, v8;
	v14 =	vld [tilespmem:s8+$0x0];
	v57 =	vadd.f32 v5, v41;
	[tilespmem:v1+s26+$0x0] =	vst.idx.msk $0xffff, v54  }
0x22d: {  	s6 =	sadd.s32 $0x1, s6;
	v60 =	vadd.s32 v34, v9;
	v59 =	vadd.f32 v51, v41;
	[tilespmem:v50+s26+$0x0] =	vst.idx.msk $0xffff, v56  }
0x22e: {  	p1 =	sne.s32 s6, $0x4;
	v4 =	vadd.s32 v44, v4;
	v61 =	vadd.f32 v18, v41;
	[tilespmem:v3+s26+$0x0] =	vst.idx.msk $0xffff, v57  }
.Ltmp3:
0x22f: {  	v62 =	vadd.f32 v55, v41;
	[tilespmem:v6+s26+$0x0] =	vst.idx.msk $0xffff, v59;
	(pc) =	sbr.rel @p1 .LBB2_7-.Ltmp3, $4  }
0x230: {  	v63 =	vadd.f32 v13, v41;
	[tilespmem:v7+s26+$0x0] =	vst.idx.msk $0xffff, v61  }
0x231: {  	v53 =	vadd.f32 v14, v41;
	[tilespmem:v58+s26+$0x0] =	vst.idx.msk $0xffff, v62  }
0x232: {  	[tilespmem:v60+s26+$0x0] =	vst.idx.msk $0xffff, v63  }
0x233: {  	s2 =	sadd.s32 $0x1000, s2;
	[tilespmem:v4+s26+$0x0] =	vst.idx.msk $0xffff, v53  }
0x234: {  	s0 =	sadd.s32 s18, s13;
	s2 =	simm.s32 $0x14C00  }
0x235: {  	[hbm4b:s0+s3] =	stream.linear.scatter [tilespmem:s2], [sflag:$0x2], $0x80, $0x38;
	[tilespmem:$0x1A900] =	vst v63  }
0x236: {  	s6 =	simm.s32 $0x14C88;
	s8 =	sadd.s32 $0x10, s0  }
0x237: {  	[hbm4b:s8+s3] =	stream.linear.scatter [tilespmem:s6], [sflag:$0x2], $0x80, $0x38;
	[tilespmem:$0x1A900] =	vst v63  }
0x238: {  	s23 =	simm.s32 $0x14D10;
	s17 =	sadd.s32 $0x20, s0  }
0x239: {  	[hbm4b:s17+s3] =	stream.linear.scatter [tilespmem:s23], [sflag:$0x2], $0x80, $0x38;
	[tilespmem:$0x1A900] =	vst v63  }
0x23a: {  	s7 =	sadd.s32 $0x30, s0;
	s8 =	simm.s32 $0x14D98  }
0x23b: {  	[hbm4b:s7+s3] =	stream.linear.scatter [tilespmem:s8], [sflag:$0x2], $0x80, $0x38;
	[tilespmem:$0x1A900] =	vst v63  }
0x23c: {  	s17 =	sadd.s32 $0x40, s0;
	s23 =	simm.s32 $0x14E20  }
0x23d: {  	[hbm4b:s17+s3] =	stream.linear.scatter [tilespmem:s23], [sflag:$0x2], $0x80, $0x38;
	[tilespmem:$0x1A900] =	vst v63  }
0x23e: {  	s7 =	sadd.s32 $0x50, s0;
	s8 =	simm.s32 $0x14EA8  }
0x23f: {  	[hbm4b:s7+s3] =	stream.linear.scatter [tilespmem:s8], [sflag:$0x2], $0x80, $0x38;
	[tilespmem:$0x1A900] =	vst v63  }
0x240: {  	s17 =	sadd.s32 $0x60, s0;
	s23 =	simm.s32 $0x14F30  }
0x241: {  	[hbm4b:s17+s3] =	stream.linear.scatter [tilespmem:s23], [sflag:$0x2], $0x80, $0x38;
	[tilespmem:$0x1A900] =	vst v63  }
0x242: {  	s7 =	sadd.s32 $0x70, s0;
	s8 =	simm.s32 $0x14FB8  }
0x243: {  	[hbm4b:s7+s3] =	stream.linear.scatter [tilespmem:s8], [sflag:$0x2], $0x80, $0x38;
	[tilespmem:$0x1A900] =	vst v63  }
0x244: {  	s17 =	sadd.s32 $0x1000, s0;
	s23 =	simm.s32 $0x15040  }
0x245: {  	[hbm4b:s17+s3] =	stream.linear.scatter [tilespmem:s23], [sflag:$0x2], $0x80, $0x38;
	[tilespmem:$0x1A900] =	vst v63  }
0x246: {  	s7 =	sadd.s32 $0x1010, s0;
	s8 =	simm.s32 $0x150C8  }
0x247: {  	[hbm4b:s7+s3] =	stream.linear.scatter [tilespmem:s8], [sflag:$0x2], $0x80, $0x38;
	[tilespmem:$0x1A900] =	vst v63  }
0x248: {  	s17 =	sadd.s32 $0x1020, s0;
	s23 =	simm.s32 $0x15150  }
0x249: {  	[hbm4b:s17+s3] =	stream.linear.scatter [tilespmem:s23], [sflag:$0x2], $0x80, $0x38;
	[tilespmem:$0x1A900] =	vst v63  }
0x24a: {  	s7 =	sadd.s32 $0x1030, s0;
	s8 =	simm.s32 $0x151D8  }
0x24b: {  	[hbm4b:s7+s3] =	stream.linear.scatter [tilespmem:s8], [sflag:$0x2], $0x80, $0x38;
	[tilespmem:$0x1A900] =	vst v63  }
0x24c: {  	s17 =	sadd.s32 $0x1040, s0;
	s23 =	simm.s32 $0x15260  }
0x24d: {  	[hbm4b:s17+s3] =	stream.linear.scatter [tilespmem:s23], [sflag:$0x2], $0x80, $0x38;
	[tilespmem:$0x1A900] =	vst v63  }
0x24e: {  	s7 =	sadd.s32 $0x1050, s0;
	s8 =	simm.s32 $0x152E8  }
0x24f: {  	[hbm4b:s7+s3] =	stream.linear.scatter [tilespmem:s8], [sflag:$0x2], $0x80, $0x38;
	[tilespmem:$0x1A900] =	vst v63  }
0x250: {  	s17 =	sadd.s32 $0x1060, s0;
	s23 =	simm.s32 $0x15370  }
0x251: {  	[hbm4b:s17+s3] =	stream.linear.scatter [tilespmem:s23], [sflag:$0x2], $0x80, $0x38;
	[tilespmem:$0x1A900] =	vst v63  }
0x252: {  	s7 =	sadd.s32 $0x1070, s0;
	s8 =	simm.s32 $0x153F8  }
0x253: {  	[hbm4b:s7+s3] =	stream.linear.scatter [tilespmem:s8], [sflag:$0x2], $0x80, $0x38;
	[tilespmem:$0x1A900] =	vst v63  }
0x254: {  	s17 =	sadd.s32 $0x2000, s0;
	s23 =	simm.s32 $0x15480  }
0x255: {  	[hbm4b:s17+s3] =	stream.linear.scatter [tilespmem:s23], [sflag:$0x2], $0x80, $0x38;
	[tilespmem:$0x1A900] =	vst v63  }
0x256: {  	s7 =	sadd.s32 $0x2010, s0;
	s8 =	simm.s32 $0x15508  }
0x257: {  	[hbm4b:s7+s3] =	stream.linear.scatter [tilespmem:s8], [sflag:$0x2], $0x80, $0x38;
	[tilespmem:$0x1A900] =	vst v63  }
0x258: {  	s17 =	sadd.s32 $0x2020, s0;
	s23 =	simm.s32 $0x15590  }
0x259: {  	[hbm4b:s17+s3] =	stream.linear.scatter [tilespmem:s23], [sflag:$0x2], $0x80, $0x38;
	[tilespmem:$0x1A900] =	vst v63  }
0x25a: {  	s7 =	sadd.s32 $0x2030, s0;
	s8 =	simm.s32 $0x15618  }
0x25b: {  	[hbm4b:s7+s3] =	stream.linear.scatter [tilespmem:s8], [sflag:$0x2], $0x80, $0x38;
	[tilespmem:$0x1A900] =	vst v63  }
0x25c: {  	s17 =	sadd.s32 $0x2040, s0;
	s23 =	simm.s32 $0x156A0  }
0x25d: {  	[hbm4b:s17+s3] =	stream.linear.scatter [tilespmem:s23], [sflag:$0x2], $0x80, $0x38;
	[tilespmem:$0x1A900] =	vst v63  }
0x25e: {  	s7 =	sadd.s32 $0x2050, s0;
	s8 =	simm.s32 $0x15728  }
0x25f: {  	[hbm4b:s7+s3] =	stream.linear.scatter [tilespmem:s8], [sflag:$0x2], $0x80, $0x38;
	[tilespmem:$0x1A900] =	vst v63  }
0x260: {  	s17 =	sadd.s32 $0x2060, s0;
	s23 =	simm.s32 $0x157B0  }
0x261: {  	[hbm4b:s17+s3] =	stream.linear.scatter [tilespmem:s23], [sflag:$0x2], $0x80, $0x38;
	[tilespmem:$0x1A900] =	vst v63  }
0x262: {  	s7 =	sadd.s32 $0x2070, s0;
	s8 =	simm.s32 $0x15838  }
0x263: {  	[hbm4b:s7+s3] =	stream.linear.scatter [tilespmem:s8], [sflag:$0x2], $0x80, $0x38;
	[tilespmem:$0x1A900] =	vst v63  }
0x264: {  	s17 =	sadd.s32 $0x3000, s0;
	s23 =	simm.s32 $0x158C0  }
0x265: {  	[hbm4b:s17+s3] =	stream.linear.scatter [tilespmem:s23], [sflag:$0x2], $0x80, $0x38;
	[tilespmem:$0x1A900] =	vst v63  }
0x266: {  	s7 =	sadd.s32 $0x3010, s0;
	s8 =	simm.s32 $0x15948  }
0x267: {  	[hbm4b:s7+s3] =	stream.linear.scatter [tilespmem:s8], [sflag:$0x2], $0x80, $0x38;
	[tilespmem:$0x1A900] =	vst v63  }
0x268: {  	s17 =	sadd.s32 $0x3020, s0;
	s23 =	simm.s32 $0x159D0  }
0x269: {  	[hbm4b:s17+s3] =	stream.linear.scatter [tilespmem:s23], [sflag:$0x2], $0x80, $0x38;
	[tilespmem:$0x1A900] =	vst v63  }
0x26a: {  	s7 =	sadd.s32 $0x3030, s0;
	s8 =	simm.s32 $0x15A58  }
0x26b: {  	[hbm4b:s7+s3] =	stream.linear.scatter [tilespmem:s8], [sflag:$0x2], $0x80, $0x38;
	[tilespmem:$0x1A900] =	vst v63  }
0x26c: {  	s17 =	sadd.s32 $0x3040, s0;
	s23 =	simm.s32 $0x15AE0  }
0x26d: {  	[hbm4b:s17+s3] =	stream.linear.scatter [tilespmem:s23], [sflag:$0x2], $0x80, $0x38;
	[tilespmem:$0x1A900] =	vst v63  }
0x26e: {  	s6 =	sadd.s32 $0x3050, s0;
	s7 =	simm.s32 $0x15B68  }
0x26f: {  	[hbm4b:s6+s3] =	stream.linear.scatter [tilespmem:s7], [sflag:$0x2], $0x80, $0x38;
	[tilespmem:$0x1A900] =	vst v63  }
0x270: {  	s8 =	sadd.s32 $0x3060, s0;
	s17 =	simm.s32 $0x15BF0  }
0x271: {  	[hbm4b:s8+s3] =	stream.linear.scatter [tilespmem:s17], [sflag:$0x2], $0x80, $0x38;
	[tilespmem:$0x1A900] =	vst v63  }
0x272: {  	s0 =	sadd.s32 $0x3070, s0;
	s23 =	simm.s32 $0x15C78  }
0x273: {  	[hbm4b:s0+s3] =	stream.linear.scatter [tilespmem:s23], [sflag:$0x2], $0x80, $0x38;
	[tilespmem:$0x1A900] =	vst v63  }
0x274: {  	s6 =	simm.s32 $0x15D00;
	s0 =	sadd.s32 s18, s14  }
0x275: {  	[hbm4b:s0+s3] =	stream.linear.scatter [tilespmem:s6], [sflag:$0x2], $0x80, $0x38;
	[tilespmem:$0x1A900] =	vst v63  }
0x276: {  	s8 =	simm.s32 $0x15D88;
	s7 =	sadd.s32 $0x10, s0  }
0x277: {  	[hbm4b:s7+s3] =	stream.linear.scatter [tilespmem:s8], [sflag:$0x2], $0x80, $0x38;
	[tilespmem:$0x1A900] =	vst v63  }
0x278: {  	s23 =	simm.s32 $0x15E10;
	s17 =	sadd.s32 $0x20, s0  }
0x279: {  	[hbm4b:s17+s3] =	stream.linear.scatter [tilespmem:s23], [sflag:$0x2], $0x80, $0x38;
	[tilespmem:$0x1A900] =	vst v63  }
0x27a: {  	s7 =	sadd.s32 $0x30, s0;
	s8 =	simm.s32 $0x15E98  }
0x27b: {  	[hbm4b:s7+s3] =	stream.linear.scatter [tilespmem:s8], [sflag:$0x2], $0x80, $0x38;
	[tilespmem:$0x1A900] =	vst v63  }
0x27c: {  	s17 =	sadd.s32 $0x40, s0;
	s23 =	simm.s32 $0x15F20  }
0x27d: {  	[hbm4b:s17+s3] =	stream.linear.scatter [tilespmem:s23], [sflag:$0x2], $0x80, $0x38;
	[tilespmem:$0x1A900] =	vst v63  }
0x27e: {  	s7 =	sadd.s32 $0x50, s0;
	s8 =	simm.s32 $0x15FA8  }
0x27f: {  	[hbm4b:s7+s3] =	stream.linear.scatter [tilespmem:s8], [sflag:$0x2], $0x80, $0x38;
	[tilespmem:$0x1A900] =	vst v63  }
0x280: {  	s17 =	sadd.s32 $0x60, s0;
	s23 =	simm.s32 $0x16030  }
0x281: {  	[hbm4b:s17+s3] =	stream.linear.scatter [tilespmem:s23], [sflag:$0x2], $0x80, $0x38;
	[tilespmem:$0x1A900] =	vst v63  }
0x282: {  	s7 =	sadd.s32 $0x70, s0;
	s8 =	simm.s32 $0x160B8  }
0x283: {  	[hbm4b:s7+s3] =	stream.linear.scatter [tilespmem:s8], [sflag:$0x2], $0x80, $0x38;
	[tilespmem:$0x1A900] =	vst v63  }
0x284: {  	s17 =	sadd.s32 $0x1000, s0;
	s23 =	simm.s32 $0x16140  }
0x285: {  	[hbm4b:s17+s3] =	stream.linear.scatter [tilespmem:s23], [sflag:$0x2], $0x80, $0x38;
	[tilespmem:$0x1A900] =	vst v63  }
0x286: {  	s7 =	sadd.s32 $0x1010, s0;
	s8 =	simm.s32 $0x161C8  }
0x287: {  	[hbm4b:s7+s3] =	stream.linear.scatter [tilespmem:s8], [sflag:$0x2], $0x80, $0x38;
	[tilespmem:$0x1A900] =	vst v63  }
0x288: {  	s17 =	sadd.s32 $0x1020, s0;
	s23 =	simm.s32 $0x16250  }
0x289: {  	[hbm4b:s17+s3] =	stream.linear.scatter [tilespmem:s23], [sflag:$0x2], $0x80, $0x38;
	[tilespmem:$0x1A900] =	vst v63  }
0x28a: {  	s7 =	sadd.s32 $0x1030, s0;
	s8 =	simm.s32 $0x162D8  }
0x28b: {  	[hbm4b:s7+s3] =	stream.linear.scatter [tilespmem:s8], [sflag:$0x2], $0x80, $0x38;
	[tilespmem:$0x1A900] =	vst v63  }
0x28c: {  	s17 =	sadd.s32 $0x1040, s0;
	s23 =	simm.s32 $0x16360  }
0x28d: {  	[hbm4b:s17+s3] =	stream.linear.scatter [tilespmem:s23], [sflag:$0x2], $0x80, $0x38;
	[tilespmem:$0x1A900] =	vst v63  }
0x28e: {  	s7 =	sadd.s32 $0x1050, s0;
	s8 =	simm.s32 $0x163E8  }
0x28f: {  	[hbm4b:s7+s3] =	stream.linear.scatter [tilespmem:s8], [sflag:$0x2], $0x80, $0x38;
	[tilespmem:$0x1A900] =	vst v63  }
0x290: {  	s17 =	sadd.s32 $0x1060, s0;
	s23 =	simm.s32 $0x16470  }
0x291: {  	[hbm4b:s17+s3] =	stream.linear.scatter [tilespmem:s23], [sflag:$0x2], $0x80, $0x38;
	[tilespmem:$0x1A900] =	vst v63  }
0x292: {  	s7 =	sadd.s32 $0x1070, s0;
	s8 =	simm.s32 $0x164F8  }
0x293: {  	[hbm4b:s7+s3] =	stream.linear.scatter [tilespmem:s8], [sflag:$0x2], $0x80, $0x38;
	[tilespmem:$0x1A900] =	vst v63  }
0x294: {  	s17 =	sadd.s32 $0x2000, s0;
	s23 =	simm.s32 $0x16580  }
0x295: {  	[hbm4b:s17+s3] =	stream.linear.scatter [tilespmem:s23], [sflag:$0x2], $0x80, $0x38;
	[tilespmem:$0x1A900] =	vst v63  }
0x296: {  	s7 =	sadd.s32 $0x2010, s0;
	s8 =	simm.s32 $0x16608  }
0x297: {  	[hbm4b:s7+s3] =	stream.linear.scatter [tilespmem:s8], [sflag:$0x2], $0x80, $0x38;
	[tilespmem:$0x1A900] =	vst v63  }
0x298: {  	s17 =	sadd.s32 $0x2020, s0;
	s23 =	simm.s32 $0x16690  }
0x299: {  	[hbm4b:s17+s3] =	stream.linear.scatter [tilespmem:s23], [sflag:$0x2], $0x80, $0x38;
	[tilespmem:$0x1A900] =	vst v63  }
0x29a: {  	s7 =	sadd.s32 $0x2030, s0;
	s8 =	simm.s32 $0x16718  }
0x29b: {  	[hbm4b:s7+s3] =	stream.linear.scatter [tilespmem:s8], [sflag:$0x2], $0x80, $0x38;
	[tilespmem:$0x1A900] =	vst v63  }
0x29c: {  	s17 =	sadd.s32 $0x2040, s0;
	s23 =	simm.s32 $0x167A0  }
0x29d: {  	[hbm4b:s17+s3] =	stream.linear.scatter [tilespmem:s23], [sflag:$0x2], $0x80, $0x38;
	[tilespmem:$0x1A900] =	vst v63  }
0x29e: {  	s7 =	sadd.s32 $0x2050, s0;
	s8 =	simm.s32 $0x16828  }
0x29f: {  	[hbm4b:s7+s3] =	stream.linear.scatter [tilespmem:s8], [sflag:$0x2], $0x80, $0x38;
	[tilespmem:$0x1A900] =	vst v63  }
0x2a0: {  	s17 =	sadd.s32 $0x2060, s0;
	s23 =	simm.s32 $0x168B0  }
0x2a1: {  	[hbm4b:s17+s3] =	stream.linear.scatter [tilespmem:s23], [sflag:$0x2], $0x80, $0x38;
	[tilespmem:$0x1A900] =	vst v63  }
0x2a2: {  	s7 =	sadd.s32 $0x2070, s0;
	s8 =	simm.s32 $0x16938  }
0x2a3: {  	[hbm4b:s7+s3] =	stream.linear.scatter [tilespmem:s8], [sflag:$0x2], $0x80, $0x38;
	[tilespmem:$0x1A900] =	vst v63  }
0x2a4: {  	s17 =	sadd.s32 $0x3000, s0;
	s23 =	simm.s32 $0x169C0  }
0x2a5: {  	[hbm4b:s17+s3] =	stream.linear.scatter [tilespmem:s23], [sflag:$0x2], $0x80, $0x38;
	[tilespmem:$0x1A900] =	vst v63  }
0x2a6: {  	s7 =	sadd.s32 $0x3010, s0;
	s8 =	simm.s32 $0x16A48  }
0x2a7: {  	[hbm4b:s7+s3] =	stream.linear.scatter [tilespmem:s8], [sflag:$0x2], $0x80, $0x38;
	[tilespmem:$0x1A900] =	vst v63  }
0x2a8: {  	s17 =	sadd.s32 $0x3020, s0;
	s23 =	simm.s32 $0x16AD0  }
0x2a9: {  	[hbm4b:s17+s3] =	stream.linear.scatter [tilespmem:s23], [sflag:$0x2], $0x80, $0x38;
	[tilespmem:$0x1A900] =	vst v63  }
0x2aa: {  	s7 =	sadd.s32 $0x3030, s0;
	s8 =	simm.s32 $0x16B58  }
0x2ab: {  	[hbm4b:s7+s3] =	stream.linear.scatter [tilespmem:s8], [sflag:$0x2], $0x80, $0x38;
	[tilespmem:$0x1A900] =	vst v63  }
0x2ac: {  	s17 =	sadd.s32 $0x3040, s0;
	s23 =	simm.s32 $0x16BE0  }
0x2ad: {  	[hbm4b:s17+s3] =	stream.linear.scatter [tilespmem:s23], [sflag:$0x2], $0x80, $0x38;
	[tilespmem:$0x1A900] =	vst v63  }
0x2ae: {  	s7 =	sadd.s32 $0x3050, s0;
	s8 =	simm.s32 $0x16C68  }
0x2af: {  	[hbm4b:s7+s3] =	stream.linear.scatter [tilespmem:s8], [sflag:$0x2], $0x80, $0x38;
	[tilespmem:$0x1A900] =	vst v63  }
0x2b0: {  	s17 =	sadd.s32 $0x3060, s0;
	s23 =	simm.s32 $0x16CF0  }
0x2b1: {  	[hbm4b:s17+s3] =	stream.linear.scatter [tilespmem:s23], [sflag:$0x2], $0x80, $0x38;
	[tilespmem:$0x1A900] =	vst v63  }
0x2b2: {  	s0 =	sadd.s32 $0x3070, s0;
	s7 =	simm.s32 $0x16D78  }
0x2b3: {  	[hbm4b:s0+s3] =	stream.linear.scatter [tilespmem:s7], [sflag:$0x2], $0x80, $0x38;
	[tilespmem:$0x1A900] =	vst v63  }
0x2b4: {  	s8 =	simm.s32 $0x16E00;
	s0 =	sadd.s32 s18, s15  }
0x2b5: {  	[hbm4b:s0+s3] =	stream.linear.scatter [tilespmem:s8], [sflag:$0x2], $0x80, $0x38;
	[tilespmem:$0x1A900] =	vst v63  }
0x2b6: {  	s23 =	simm.s32 $0x16E88;
	s17 =	sadd.s32 $0x10, s0  }
0x2b7: {  	[hbm4b:s17+s3] =	stream.linear.scatter [tilespmem:s23], [sflag:$0x2], $0x80, $0x38;
	[tilespmem:$0x1A900] =	vst v63  }
0x2b8: {  	s7 =	sadd.s32 $0x20, s0;
	s8 =	simm.s32 $0x16F10  }
0x2b9: {  	[hbm4b:s7+s3] =	stream.linear.scatter [tilespmem:s8], [sflag:$0x2], $0x80, $0x38;
	[tilespmem:$0x1A900] =	vst v63  }
0x2ba: {  	s17 =	sadd.s32 $0x30, s0;
	s23 =	simm.s32 $0x16F98  }
0x2bb: {  	[hbm4b:s17+s3] =	stream.linear.scatter [tilespmem:s23], [sflag:$0x2], $0x80, $0x38;
	[tilespmem:$0x1A900] =	vst v63  }
0x2bc: {  	s7 =	sadd.s32 $0x40, s0;
	s8 =	simm.s32 $0x17020  }
0x2bd: {  	[hbm4b:s7+s3] =	stream.linear.scatter [tilespmem:s8], [sflag:$0x2], $0x80, $0x38;
	[tilespmem:$0x1A900] =	vst v63  }
0x2be: {  	s17 =	sadd.s32 $0x50, s0;
	s23 =	simm.s32 $0x170A8  }
0x2bf: {  	[hbm4b:s17+s3] =	stream.linear.scatter [tilespmem:s23], [sflag:$0x2], $0x80, $0x38;
	[tilespmem:$0x1A900] =	vst v63  }
0x2c0: {  	s7 =	sadd.s32 $0x60, s0;
	s8 =	simm.s32 $0x17130  }
0x2c1: {  	[hbm4b:s7+s3] =	stream.linear.scatter [tilespmem:s8], [sflag:$0x2], $0x80, $0x38;
	[tilespmem:$0x1A900] =	vst v63  }
0x2c2: {  	s17 =	sadd.s32 $0x70, s0;
	s23 =	simm.s32 $0x171B8  }
0x2c3: {  	[hbm4b:s17+s3] =	stream.linear.scatter [tilespmem:s23], [sflag:$0x2], $0x80, $0x38;
	[tilespmem:$0x1A900] =	vst v63  }
0x2c4: {  	s7 =	sadd.s32 $0x1000, s0;
	s8 =	simm.s32 $0x17240  }
0x2c5: {  	[hbm4b:s7+s3] =	stream.linear.scatter [tilespmem:s8], [sflag:$0x2], $0x80, $0x38;
	[tilespmem:$0x1A900] =	vst v63  }
0x2c6: {  	s17 =	sadd.s32 $0x1010, s0;
	s23 =	simm.s32 $0x172C8  }
0x2c7: {  	[hbm4b:s17+s3] =	stream.linear.scatter [tilespmem:s23], [sflag:$0x2], $0x80, $0x38;
	[tilespmem:$0x1A900] =	vst v63  }
0x2c8: {  	s7 =	sadd.s32 $0x1020, s0;
	s8 =	simm.s32 $0x17350  }
0x2c9: {  	[hbm4b:s7+s3] =	stream.linear.scatter [tilespmem:s8], [sflag:$0x2], $0x80, $0x38;
	[tilespmem:$0x1A900] =	vst v63  }
0x2ca: {  	s17 =	sadd.s32 $0x1030, s0;
	s23 =	simm.s32 $0x173D8  }
0x2cb: {  	[hbm4b:s17+s3] =	stream.linear.scatter [tilespmem:s23], [sflag:$0x2], $0x80, $0x38;
	[tilespmem:$0x1A900] =	vst v63  }
0x2cc: {  	s7 =	sadd.s32 $0x1040, s0;
	s8 =	simm.s32 $0x17460  }
0x2cd: {  	[hbm4b:s7+s3] =	stream.linear.scatter [tilespmem:s8], [sflag:$0x2], $0x80, $0x38;
	[tilespmem:$0x1A900] =	vst v63  }
0x2ce: {  	s17 =	sadd.s32 $0x1050, s0;
	s23 =	simm.s32 $0x174E8  }
0x2cf: {  	[hbm4b:s17+s3] =	stream.linear.scatter [tilespmem:s23], [sflag:$0x2], $0x80, $0x38;
	[tilespmem:$0x1A900] =	vst v63  }
0x2d0: {  	s7 =	sadd.s32 $0x1060, s0;
	s8 =	simm.s32 $0x17570  }
0x2d1: {  	[hbm4b:s7+s3] =	stream.linear.scatter [tilespmem:s8], [sflag:$0x2], $0x80, $0x38;
	[tilespmem:$0x1A900] =	vst v63  }
0x2d2: {  	s17 =	sadd.s32 $0x1070, s0;
	s23 =	simm.s32 $0x175F8  }
0x2d3: {  	[hbm4b:s17+s3] =	stream.linear.scatter [tilespmem:s23], [sflag:$0x2], $0x80, $0x38;
	[tilespmem:$0x1A900] =	vst v63  }
0x2d4: {  	s7 =	sadd.s32 $0x2000, s0;
	s8 =	simm.s32 $0x17680  }
0x2d5: {  	[hbm4b:s7+s3] =	stream.linear.scatter [tilespmem:s8], [sflag:$0x2], $0x80, $0x38;
	[tilespmem:$0x1A900] =	vst v63  }
0x2d6: {  	s17 =	sadd.s32 $0x2010, s0;
	s23 =	simm.s32 $0x17708  }
0x2d7: {  	[hbm4b:s17+s3] =	stream.linear.scatter [tilespmem:s23], [sflag:$0x2], $0x80, $0x38;
	[tilespmem:$0x1A900] =	vst v63  }
0x2d8: {  	s7 =	sadd.s32 $0x2020, s0;
	s8 =	simm.s32 $0x17790  }
0x2d9: {  	[hbm4b:s7+s3] =	stream.linear.scatter [tilespmem:s8], [sflag:$0x2], $0x80, $0x38;
	[tilespmem:$0x1A900] =	vst v63  }
0x2da: {  	s17 =	sadd.s32 $0x2030, s0;
	s23 =	simm.s32 $0x17818  }
0x2db: {  	[hbm4b:s17+s3] =	stream.linear.scatter [tilespmem:s23], [sflag:$0x2], $0x80, $0x38;
	[tilespmem:$0x1A900] =	vst v63  }
0x2dc: {  	s7 =	sadd.s32 $0x2040, s0;
	s8 =	simm.s32 $0x178A0  }
0x2dd: {  	[hbm4b:s7+s3] =	stream.linear.scatter [tilespmem:s8], [sflag:$0x2], $0x80, $0x38;
	[tilespmem:$0x1A900] =	vst v63  }
0x2de: {  	s17 =	sadd.s32 $0x2050, s0;
	s23 =	simm.s32 $0x17928  }
0x2df: {  	[hbm4b:s17+s3] =	stream.linear.scatter [tilespmem:s23], [sflag:$0x2], $0x80, $0x38;
	[tilespmem:$0x1A900] =	vst v63  }
0x2e0: {  	s7 =	sadd.s32 $0x2060, s0;
	s8 =	simm.s32 $0x179B0  }
0x2e1: {  	[hbm4b:s7+s3] =	stream.linear.scatter [tilespmem:s8], [sflag:$0x2], $0x80, $0x38;
	[tilespmem:$0x1A900] =	vst v63  }
0x2e2: {  	s17 =	sadd.s32 $0x2070, s0;
	s23 =	simm.s32 $0x17A38  }
0x2e3: {  	[hbm4b:s17+s3] =	stream.linear.scatter [tilespmem:s23], [sflag:$0x2], $0x80, $0x38;
	[tilespmem:$0x1A900] =	vst v63  }
0x2e4: {  	s7 =	sadd.s32 $0x3000, s0;
	s8 =	simm.s32 $0x17AC0  }
0x2e5: {  	[hbm4b:s7+s3] =	stream.linear.scatter [tilespmem:s8], [sflag:$0x2], $0x80, $0x38;
	[tilespmem:$0x1A900] =	vst v63  }
0x2e6: {  	s17 =	sadd.s32 $0x3010, s0;
	s23 =	simm.s32 $0x17B48  }
0x2e7: {  	[hbm4b:s17+s3] =	stream.linear.scatter [tilespmem:s23], [sflag:$0x2], $0x80, $0x38;
	[tilespmem:$0x1A900] =	vst v63  }
0x2e8: {  	s7 =	sadd.s32 $0x3020, s0;
	s8 =	simm.s32 $0x17BD0  }
0x2e9: {  	[hbm4b:s7+s3] =	stream.linear.scatter [tilespmem:s8], [sflag:$0x2], $0x80, $0x38;
	[tilespmem:$0x1A900] =	vst v63  }
0x2ea: {  	s17 =	sadd.s32 $0x3030, s0;
	s23 =	simm.s32 $0x17C58  }
0x2eb: {  	[hbm4b:s17+s3] =	stream.linear.scatter [tilespmem:s23], [sflag:$0x2], $0x80, $0x38;
	[tilespmem:$0x1A900] =	vst v63  }
0x2ec: {  	s7 =	sadd.s32 $0x3040, s0;
	s8 =	simm.s32 $0x17CE0  }
0x2ed: {  	[hbm4b:s7+s3] =	stream.linear.scatter [tilespmem:s8], [sflag:$0x2], $0x80, $0x38;
	[tilespmem:$0x1A900] =	vst v63  }
0x2ee: {  	s17 =	sadd.s32 $0x3050, s0;
	s23 =	simm.s32 $0x17D68  }
0x2ef: {  	[hbm4b:s17+s3] =	stream.linear.scatter [tilespmem:s23], [sflag:$0x2], $0x80, $0x38;
	[tilespmem:$0x1A900] =	vst v63  }
0x2f0: {  	s7 =	sadd.s32 $0x3060, s0;
	s8 =	simm.s32 $0x17DF0  }
0x2f1: {  	[hbm4b:s7+s3] =	stream.linear.scatter [tilespmem:s8], [sflag:$0x2], $0x80, $0x38;
	[tilespmem:$0x1A900] =	vst v63  }
0x2f2: {  	s0 =	sadd.s32 $0x3070, s0;
	s17 =	simm.s32 $0x17E78  }
0x2f3: {  	[hbm4b:s0+s3] =	stream.linear.scatter [tilespmem:s17], [sflag:$0x2], $0x80, $0x38;
	[tilespmem:$0x1A900] =	vst v63  }
0x2f4: {  	s23 =	simm.s32 $0x17F00;
	s0 =	sadd.s32 s18, s16  }
0x2f5: {  	[hbm4b:s0+s3] =	stream.linear.scatter [tilespmem:s23], [sflag:$0x2], $0x80, $0x38;
	[tilespmem:$0x1A900] =	vst v63  }
0x2f6: {  	s7 =	simm.s32 $0x17F88;
	s6 =	sadd.s32 $0x10, s0  }
0x2f7: {  	[hbm4b:s6+s3] =	stream.linear.scatter [tilespmem:s7], [sflag:$0x2], $0x80, $0x38;
	[tilespmem:$0x1A900] =	vst v63  }
0x2f8: {  	s17 =	simm.s32 $0x18010;
	s8 =	sadd.s32 $0x20, s0  }
0x2f9: {  	[hbm4b:s8+s3] =	stream.linear.scatter [tilespmem:s17], [sflag:$0x2], $0x80, $0x38;
	[tilespmem:$0x1A900] =	vst v63  }
0x2fa: {  	s18 =	sadd.s32 $0x30, s0;
	s23 =	simm.s32 $0x18098  }
0x2fb: {  	[hbm4b:s18+s3] =	stream.linear.scatter [tilespmem:s23], [sflag:$0x2], $0x80, $0x38;
	[tilespmem:$0x1A900] =	vst v63  }
0x2fc: {  	s6 =	sadd.s32 $0x40, s0;
	s7 =	simm.s32 $0x18120  }
0x2fd: {  	[hbm4b:s6+s3] =	stream.linear.scatter [tilespmem:s7], [sflag:$0x2], $0x80, $0x38;
	[tilespmem:$0x1A900] =	vst v63  }
0x2fe: {  	s8 =	sadd.s32 $0x50, s0;
	s17 =	simm.s32 $0x181A8  }
0x2ff: {  	[hbm4b:s8+s3] =	stream.linear.scatter [tilespmem:s17], [sflag:$0x2], $0x80, $0x38;
	[tilespmem:$0x1A900] =	vst v63  }
0x300: {  	s18 =	sadd.s32 $0x60, s0;
	s23 =	simm.s32 $0x18230  }
0x301: {  	[hbm4b:s18+s3] =	stream.linear.scatter [tilespmem:s23], [sflag:$0x2], $0x80, $0x38;
	[tilespmem:$0x1A900] =	vst v63  }
0x302: {  	s6 =	sadd.s32 $0x70, s0;
	s7 =	simm.s32 $0x182B8  }
0x303: {  	[hbm4b:s6+s3] =	stream.linear.scatter [tilespmem:s7], [sflag:$0x2], $0x80, $0x38;
	[tilespmem:$0x1A900] =	vst v63  }
0x304: {  	s8 =	sadd.s32 $0x1000, s0;
	s17 =	simm.s32 $0x18340  }
0x305: {  	[hbm4b:s8+s3] =	stream.linear.scatter [tilespmem:s17], [sflag:$0x2], $0x80, $0x38;
	[tilespmem:$0x1A900] =	vst v63  }
0x306: {  	s18 =	sadd.s32 $0x1010, s0;
	s23 =	simm.s32 $0x183C8  }
0x307: {  	[hbm4b:s18+s3] =	stream.linear.scatter [tilespmem:s23], [sflag:$0x2], $0x80, $0x38;
	[tilespmem:$0x1A900] =	vst v63  }
0x308: {  	s6 =	sadd.s32 $0x1020, s0;
	s7 =	simm.s32 $0x18450  }
0x309: {  	[hbm4b:s6+s3] =	stream.linear.scatter [tilespmem:s7], [sflag:$0x2], $0x80, $0x38;
	[tilespmem:$0x1A900] =	vst v63  }
0x30a: {  	s8 =	sadd.s32 $0x1030, s0;
	s17 =	simm.s32 $0x184D8  }
0x30b: {  	[hbm4b:s8+s3] =	stream.linear.scatter [tilespmem:s17], [sflag:$0x2], $0x80, $0x38;
	[tilespmem:$0x1A900] =	vst v63  }
0x30c: {  	s18 =	sadd.s32 $0x1040, s0;
	s23 =	simm.s32 $0x18560  }
0x30d: {  	[hbm4b:s18+s3] =	stream.linear.scatter [tilespmem:s23], [sflag:$0x2], $0x80, $0x38;
	[tilespmem:$0x1A900] =	vst v63  }
0x30e: {  	s6 =	sadd.s32 $0x1050, s0;
	s7 =	simm.s32 $0x185E8  }
0x30f: {  	[hbm4b:s6+s3] =	stream.linear.scatter [tilespmem:s7], [sflag:$0x2], $0x80, $0x38;
	[tilespmem:$0x1A900] =	vst v63  }
0x310: {  	s8 =	sadd.s32 $0x1060, s0;
	s17 =	simm.s32 $0x18670  }
0x311: {  	[hbm4b:s8+s3] =	stream.linear.scatter [tilespmem:s17], [sflag:$0x2], $0x80, $0x38;
	[tilespmem:$0x1A900] =	vst v63  }
0x312: {  	s18 =	sadd.s32 $0x1070, s0;
	s23 =	simm.s32 $0x186F8  }
0x313: {  	[hbm4b:s18+s3] =	stream.linear.scatter [tilespmem:s23], [sflag:$0x2], $0x80, $0x38;
	[tilespmem:$0x1A900] =	vst v63  }
0x314: {  	s6 =	sadd.s32 $0x2000, s0;
	s7 =	simm.s32 $0x18780  }
0x315: {  	[hbm4b:s6+s3] =	stream.linear.scatter [tilespmem:s7], [sflag:$0x2], $0x80, $0x38;
	[tilespmem:$0x1A900] =	vst v63  }
0x316: {  	s8 =	sadd.s32 $0x2010, s0;
	s17 =	simm.s32 $0x18808  }
0x317: {  	[hbm4b:s8+s3] =	stream.linear.scatter [tilespmem:s17], [sflag:$0x2], $0x80, $0x38;
	[tilespmem:$0x1A900] =	vst v63  }
0x318: {  	s18 =	sadd.s32 $0x2020, s0;
	s23 =	simm.s32 $0x18890  }
0x319: {  	[hbm4b:s18+s3] =	stream.linear.scatter [tilespmem:s23], [sflag:$0x2], $0x80, $0x38;
	[tilespmem:$0x1A900] =	vst v63  }
0x31a: {  	s6 =	sadd.s32 $0x2030, s0;
	s7 =	simm.s32 $0x18918  }
0x31b: {  	[hbm4b:s6+s3] =	stream.linear.scatter [tilespmem:s7], [sflag:$0x2], $0x80, $0x38;
	[tilespmem:$0x1A900] =	vst v63  }
0x31c: {  	s8 =	sadd.s32 $0x2040, s0;
	s17 =	simm.s32 $0x189A0  }
0x31d: {  	[hbm4b:s8+s3] =	stream.linear.scatter [tilespmem:s17], [sflag:$0x2], $0x80, $0x38;
	[tilespmem:$0x1A900] =	vst v63  }
0x31e: {  	s18 =	sadd.s32 $0x2050, s0;
	s23 =	simm.s32 $0x18A28  }
0x31f: {  	[hbm4b:s18+s3] =	stream.linear.scatter [tilespmem:s23], [sflag:$0x2], $0x80, $0x38;
	[tilespmem:$0x1A900] =	vst v63  }
0x320: {  	s6 =	sadd.s32 $0x2060, s0;
	s7 =	simm.s32 $0x18AB0  }
0x321: {  	[hbm4b:s6+s3] =	stream.linear.scatter [tilespmem:s7], [sflag:$0x2], $0x80, $0x38;
	[tilespmem:$0x1A900] =	vst v63  }
0x322: {  	s8 =	sadd.s32 $0x2070, s0;
	s17 =	simm.s32 $0x18B38  }
0x323: {  	[hbm4b:s8+s3] =	stream.linear.scatter [tilespmem:s17], [sflag:$0x2], $0x80, $0x38;
	[tilespmem:$0x1A900] =	vst v63  }
0x324: {  	s18 =	sadd.s32 $0x3000, s0;
	s23 =	simm.s32 $0x18BC0  }
0x325: {  	[hbm4b:s18+s3] =	stream.linear.scatter [tilespmem:s23], [sflag:$0x2], $0x80, $0x38;
	[tilespmem:$0x1A900] =	vst v63  }
0x326: {  	s6 =	sadd.s32 $0x3010, s0  }
0x327: {  	[hbm4b:s6+s3] =	stream.linear.scatter [tilespmem:s19], [sflag:$0x2], $0x80, $0x38;
	[tilespmem:$0x1A900] =	vst v63  }
0x328: {  	s7 =	sadd.s32 $0x3020, s0  }
0x329: {  	[hbm4b:s7+s3] =	stream.linear.scatter [tilespmem:s20], [sflag:$0x2], $0x80, $0x38;
	[tilespmem:$0x1A900] =	vst v63  }
0x32a: {  	s8 =	sadd.s32 $0x3030, s0  }
0x32b: {  	[hbm4b:s8+s3] =	stream.linear.scatter [tilespmem:s21], [sflag:$0x2], $0x80, $0x38;
	[tilespmem:$0x1A900] =	vst v63  }
0x32c: {  	s17 =	sadd.s32 $0x3040, s0  }
0x32d: {  	[hbm4b:s17+s3] =	stream.linear.scatter [tilespmem:s1], [sflag:$0x2], $0x80, $0x38;
	[tilespmem:$0x1A900] =	vst v63  }
0x32e: {  	p1 =	sne.s32 s22, $0x19;
	s18 =	sadd.s32 $0x3050, s0  }
0x32f: {  	[hbm4b:s18+s3] =	stream.linear.scatter [tilespmem:s28], [sflag:$0x2], $0x80, $0x38;
	[tilespmem:$0x1A900] =	vst v63  }
.Ltmp4:
0x330: {  	s23 =	sadd.s32 $0x3060, s0;
	(pc) =	sbr.rel @p1 .LBB2_2-.Ltmp4, $4  }
0x331: {  	[hbm4b:s23+s3] =	stream.linear.scatter [tilespmem:s29], [sflag:$0x2], $0x80, $0x38;
	[tilespmem:$0x1A900] =	vst v63  }
0x332: {  	s0 =	sadd.s32 $0x3070, s0  }
0x333: {  	v17 =	vld [tilespmem:$0x1FFE0];
	[hbm4b:s0+s3] =	stream.linear.scatter [tilespmem:s30], [sflag:$0x2], $0x80, $0x38  }
0x334: {  	p0 =	por !p0, !p0;
	v18 =	vld [tilespmem:$0x1FFF0];
	s0 =	smov.u32 s22  }
0x335: {  	_ =	swait.ge [sflag:s31], $0x1000  }
0x336: {  	[sflag:s31] =	ssyncset.done $0x0  }
0x337: {  	[sflag:s31] =	ssyncadd.s32 $0xFFFFF000  }
0x338: {  	_ =	swait.ge [sflag:s31], $0x1000  }
0x339: {  	[sflag:s31] =	ssyncset.done $0x0  }
0x33a: {  	[sflag:s31] =	ssyncadd.s32 $0xFFFFF000  }
0x33b: {  	_ =	swait.ge [sflag:s31], $0x1000  }
0x33c: {  	[sflag:s31] =	ssyncset.done $0x0  }
0x33d: {  	[sflag:s31] =	ssyncadd.s32 $0xFFFFF000  }
0x33e: {  	_ =	swait.ge [sflag:s31], $0x1000  }
0x33f: {  	[sflag:s31] =	ssyncset.done $0x0  }
0x340: {  	[sflag:s31] =	ssyncadd.s32 $0xFFFFF000  }
0x341: {  	_ =	swait.ge [sflag:s31], $0x1000  }
0x342: {  	[sflag:s31] =	ssyncset.done $0x0  }
0x343: {  	[sflag:s31] =	ssyncadd.s32 $0xFFFFF000  }
0x344: {  	_ =	swait.ge [sflag:s31], $0x1000  }
0x345: {  	[sflag:s31] =	ssyncset.done $0x0  }
0x346: {  	[sflag:s31] =	ssyncadd.s32 $0xFFFFF000  }
0x347: {  	_ =	swait.ge [sflag:s31], $0x1000  }
0x348: {  	[sflag:s31] =	ssyncset.done $0x0  }
0x349: {  	[sflag:s31] =	ssyncadd.s32 $0xFFFFF000  }
0x34a: {  	_ =	swait.ge [sflag:s31], $0x1000  }
0x34b: {  	s2 =	rddreg [dreg:$0x8]  }
0x34c: {  	s0 =	rddreg [dreg:$0x7];
	s2 =	sadd.s32 $0x1, s2  }
0x34d: {  	p0 =	sne.s32 s2, s0  }
.Ltmp5:
0x34e: {  	_ = 	snop;
	(pc) =	sbr.rel @p0 .LBB2_1-.Ltmp5, $3  }
0x34f: {  	_ =	sdelay $0x1  }
0x350: {  	[sflag:s31] =	ssyncset.done $0x0  }
0x351: {  	[sflag:s31] =	ssyncadd.s32 $0xFFFFF000  }
0x352: {  	_ =	sfence.sel $0x180000  }
0x353: {  	[bflag:$0x0] =	sbarrier.arrive $0xFFFF  }
0x354: {  	_ =	strace $0x90000047  }
0x355: {  	s0 =	stileid.u32;
	[bflag:$0x2] =	sbarrier.arrive $0xFFFF  }
0x356: {  	p0 =	sne.s32 s0, $0x0;
	s0 =	rddreg [dreg:$0x3]  }
0x357: {  	s0 =	sadd.s32 @!p0 $0x100000, s0  }
0x358: {  	[sflag:s0] =	ssyncadd.tile.s32 @!p0 $0x1;
	_ =	shalt  }
.Lfunc_end2:
_tile_overlayer_lowered:
.L_overlay_start_2:
0x359: {  	(tag) =	ssettag $0x2  }
0x35a: {  	s0 =	rddreg [dreg:$0x0];
	s2 =	stileid.u32  }
0x35b: {  	s1 =	rddreg [dreg:$0x1];
	p0 =	sne.s32 s2, $0x0  }
0x35c: {  	s3 =	rddreg [dreg:$0x2];
	[bflag:$0x3] =	sbarrier.arrive $0xFFFF;
	s2 =	simm.s32 @!p0 $0x1C04  }
0x35d: {  	[timem:s3], [sflag:s2] =	dma.local @!p0 [hbm:s0], s1  }
0x35e: {  	s0 =	simm.s32 @!p0 $0x4  }
0x35f: {  	_ =	swait.ge @!p0 [sflag:s0], s1  }
0x360: {  	s1 =	ssub.s32 @!p0 $0x0, s1;
	[sflag:s0] =	ssyncset.done @!p0 $0x0  }
0x361: {  	[sflag:s0] =	ssyncadd.s32 @!p0 s1  }
0x362: {  	[bflag:$0x3] =	sbarrier.arrive $0xFFFF  }
0x363: {  	_ =	shalt  }

</sc_bundles>
